<compile_context>
chip_gen: v7x
topology: tpu7x:2x2x1
jax: 0.10.2.dev20260603
libtpu: 0.0.44.dev20260713+nightly
codegen_flags: <defaults>
</compile_context>

<pallas_src>
import functools

import jax
import jax.numpy as jnp
from jax import lax
from jax.experimental import pallas as pl
from jax.experimental.pallas import tpu as pltpu

WS = 32
NN = 10


def _sort_sublanes(x, n):
    i_idx = lax.broadcasted_iota(jnp.int32, (n, 1), 0)
    stage = 2
    while stage <= n:
        jd = stage // 2
        while jd >= 1:
            up = jnp.concatenate([x[n - jd:], x[:n - jd]], axis=0)
            dn = jnp.concatenate([x[jd:], x[:jd]], axis=0)
            bit = (i_idx & jd) != 0
            p = jnp.where(bit, up, dn)
            asc = (i_idx & stage) == 0
            takemin = bit != asc
            x = jnp.where(takemin, jnp.minimum(x, p), jnp.maximum(x, p))
            jd //= 2
        stage *= 2
    return x


def _ext_kernel(x_ref, o_ref):
    w = x_ref[0]
    n = float(WS)
    mu = jnp.sum(w, axis=0, keepdims=True) / n
    dev = w - mu
    ss = jnp.sum(dev * dev, axis=0, keepdims=True)
    astd = jnp.sqrt(ss / (n - 1.0))
    sd = jnp.sqrt(ss / n)
    z = dev / sd
    z2 = z * z
    m2 = jnp.sum(z2, axis=0, keepdims=True) / n
    m3 = jnp.sum(z2 * z, axis=0, keepdims=True) / n
    m4 = jnp.sum(z2 * z2, axis=0, keepdims=True) / n
    skew = m3 / (m2 * jnp.sqrt(m2))
    kurt = m4 / (m2 * m2) - 3.0
    s = _sort_sublanes(w, WS)
    amax = s[WS - 1:WS, :]
    amin = s[0:1, :]
    med = s[(WS - 1) // 2:(WS - 1) // 2 + 1, :]
    sdev = _sort_sublanes(jnp.abs(w - med), WS)
    meddev = sdev[(WS - 1) // 2:(WS - 1) // 2 + 1, :]
    zrow = jnp.zeros_like(mu)
    st8 = jnp.concatenate(
        [amax, amin, mu, astd, skew, kurt, meddev, zrow], axis=0)
    o_ref[0] = jnp.transpose(st8)[:, :7]


def _relieff_kernel(xr_ref, xc_ref, o_ref, *, G, F, NF, scale):
    i = pl.program_id(0)
    xr = xr_ref[...]
    xc = xc_ref[...]
    d2 = jnp.zeros((G, F, F), jnp.float32)
    for d in range(NF):
        diff = xr[:, :, d:d + 1] - xc[:, d:d + 1, :]
        d2 = d2 + diff * diff
    dist = jnp.sqrt(jnp.maximum(d2, 0.0)).reshape(G * F, F)
    jcol = lax.broadcasted_iota(jnp.int32, (G * F, F), 1)
    cnt = jnp.zeros((G * F, F), jnp.int32)
    for k in range(F):
        dk = dist[:, k:k + 1]
        lt = (dk < dist).astype(jnp.int32)
        tie = jnp.logical_and(dk == dist, k < jcol).astype(jnp.int32)
        cnt = cnt + lt + tie
    wgt = (jnp.where(cnt < NN, -1.0, jnp.where(cnt < 2 * NN, 1.0, 0.0))
           .reshape(G, F, F))
    lane8 = lax.broadcasted_iota(jnp.int32, (1, 1, 128), 2)
    acc = jnp.zeros((1, 1, 128), jnp.float32)
    for d in range(NF):
        da = jnp.abs(xr[:, :, d:d + 1] - xc[:, d:d + 1, :])
        s = jnp.sum(wgt * da)
        acc = acc + jnp.where(lane8 == d, s, 0.0)

    @pl.when(i == 0)
    def _init():
        o_ref[...] = jnp.zeros_like(o_ref)

    o_ref[...] += acc

    @pl.when(i == pl.num_programs(0) - 1)
    def _final():
        o_ref[...] *= scale


def _proj_kernel(xf_ref, wih_ref, whh_ref, bih_ref, bhh_ref, fcw_ref,
                 fcbt_ref, convw_ref, convb_ref, imp_ref,
                 o_ref, weff_ref, gi_ref, hs_ref, *, Tn, B, H, D, NF):
    C = 3
    for i in range(C):
        s = convw_ref[0, i] * wih_ref[:, 0:D]
        for o in range(1, C):
            s = s + convw_ref[o, i] * wih_ref[:, o * D:(o + 1) * D]
        weff_ref[:, i * D:(i + 1) * D] = s
    ones = jnp.ones((1, D), jnp.float32)
    brow = bih_ref[...]
    for o in range(C):
        srow = lax.dot_general(
            ones, wih_ref[:, o * D:(o + 1) * D],
            (((1,), (1,)), ((), ())), preferred_element_type=jnp.float32)
        brow = brow + convb_ref[0, o] * srow
    gi_ref[...] = lax.dot_general(
        xf_ref[...], weff_ref[...],
        (((1,), (1,)), ((), ())), preferred_element_type=jnp.float32) + brow

    bhh_row = bhh_ref[...]
    whh = whh_ref[...]

    def step(t, h):
        git = gi_ref[pl.ds(t * B, B), :]
        gh = lax.dot_general(
            h, whh, (((1,), (1,)), ((), ())),
            preferred_element_type=jnp.float32) + bhh_row
        i_r, i_z, i_n = git[:, :H], git[:, H:2 * H], git[:, 2 * H:]
        h_r, h_z, h_n = gh[:, :H], gh[:, H:2 * H], gh[:, 2 * H:]
        r = jax.nn.sigmoid(i_r + h_r)
        z = jax.nn.sigmoid(i_z + h_z)
        nn_ = jnp.tanh(i_n + r * h_n)
        h_new = (1.0 - z) * nn_ + z * h
        hs_ref[pl.ds(t * B, B), :] = h_new
        return h_new

    lax.fori_loop(0, Tn, step, jnp.zeros((B, H), jnp.float32))

    efft = imp_ref[0, 0] * fcw_ref[:, 0, :]
    for d in range(1, NF):
        efft = efft + imp_ref[0, d] * fcw_ref[:, d, :]
    bout = imp_ref[0, 0] * fcbt_ref[0:1, :]
    for d in range(1, NF):
        bout = bout + imp_ref[0, d] * fcbt_ref[d:d + 1, :]
    o_ref[...] = lax.dot_general(
        hs_ref[...], efft, (((1,), (1,)), ((), ())),
        preferred_element_type=jnp.float32) + bout


def kernel(x, y, conv_w, conv_b, w_ih, w_hh, b_ih, b_hh, fc_w, fc_b):
    B, C, T, F = x.shape
    Tn = T // WS
    NF = 7
    H = w_hh.shape[1]
    G3 = w_ih.shape[0]
    D = F * NF

    xw = (x.reshape(B, C, Tn, WS, F)
            .transpose(0, 1, 3, 2, 4)
            .reshape(B * C, WS, Tn * F))
    ext_t = pl.pallas_call(
        _ext_kernel,
        grid=(B * C,),
        in_specs=[pl.BlockSpec((1, WS, Tn * F), lambda i: (i, 0, 0))],
        out_specs=pl.BlockSpec((1, Tn * F, NF), lambda i: (i, 0, 0)),
        out_shape=jax.ShapeDtypeStruct((B * C, Tn * F, NF), jnp.float32),
    )(xw)

    nb = B * C * Tn
    xr = ext_t.reshape(nb, F, NF)
    xc = xr.transpose(0, 2, 1)
    G = 2
    for cand in (64, 32, 16, 8, 4, 2):
        if nb % cand == 0:
            G = cand
            break
    scale = 1.0 / (NN * F * Tn * C)
    imp_raw = pl.pallas_call(
        functools.partial(_relieff_kernel, G=G, F=F, NF=NF, scale=scale),
        grid=(nb // G,),
        in_specs=[
            pl.BlockSpec((G, F, NF), lambda i: (i, 0, 0)),
            pl.BlockSpec((G, NF, F), lambda i: (i, 0, 0)),
        ],
        out_specs=pl.BlockSpec((1, 1, 128), lambda i: (0, 0, 0)),
        out_shape=jax.ShapeDtypeStruct((1, 1, 128), jnp.float32),
    )(xr, xc)
    imp = imp_raw[0, :, :NF]

    xf = (ext_t.reshape(B, Tn, C * F * NF)
               .transpose(1, 0, 2)
               .reshape(Tn * B, C * F * NF))
    out = pl.pallas_call(
        functools.partial(_proj_kernel, Tn=Tn, B=B, H=H, D=D, NF=NF),
        in_specs=[
            pl.BlockSpec(memory_space=pltpu.VMEM),
            pl.BlockSpec(memory_space=pltpu.VMEM),
            pl.BlockSpec(memory_space=pltpu.VMEM),
            pl.BlockSpec(memory_space=pltpu.VMEM),
            pl.BlockSpec(memory_space=pltpu.VMEM),
            pl.BlockSpec(memory_space=pltpu.VMEM),
            pl.BlockSpec(memory_space=pltpu.VMEM),
            pl.BlockSpec(memory_space=pltpu.SMEM),
            pl.BlockSpec(memory_space=pltpu.SMEM),
            pl.BlockSpec(memory_space=pltpu.SMEM),
        ],
        out_specs=pl.BlockSpec(memory_space=pltpu.VMEM),
        out_shape=jax.ShapeDtypeStruct((Tn * B, C * F), jnp.float32),
        scratch_shapes=[
            pltpu.VMEM((G3, C * F * NF), jnp.float32),
            pltpu.VMEM((Tn * B, G3), jnp.float32),
            pltpu.VMEM((Tn * B, H), jnp.float32),
        ],
    )(xf, w_ih, w_hh, b_ih.reshape(1, G3), b_hh.reshape(1, G3),
      fc_w.reshape(C * F, NF, H), fc_b.reshape(C * F, NF).T,
      conv_w, conv_b.reshape(1, C), imp)
    return (out.reshape(Tn, B, C * F)
               .transpose(1, 0, 2)
               .reshape(B, Tn, C, F))

# --- scband reference (transcript-rebuilt; emitter-appended) ---
"""Pipeline reference for scband-feature-fusion-layer-80831284511088 (READ-ONLY COPY).

The authoritative reference and input builder live on the scoring server;
editing this copy changes nothing except your own understanding.
"""

import jax, jax.numpy as jnp
import numpy as np

WS = 32
NUM_NEIGHBORS = 10


def _ext_features(amps, ws):
    B, R, T, F = amps.shape
    Tn = T // ws
    # torch unfold(2, ws, ws) -> [B,R,Tn,F,ws]
    w = amps.reshape(B, R, Tn, ws, F).transpose(0, 1, 2, 4, 3)
    amax = w.max(axis=-1)
    amin = w.min(axis=-1)
    amean = w.mean(axis=-1)
    astd = jnp.std(w, axis=-1, ddof=1)  # torch.std is unbiased
    mu = w.mean(axis=-1, keepdims=True)
    sd = jnp.std(w, axis=-1, keepdims=True)  # np.std population
    z = (w - mu) / sd
    m2 = (z ** 2).mean(axis=-1)
    m3 = (z ** 3).mean(axis=-1)
    m4 = (z ** 4).mean(axis=-1)
    skew = m3 / (m2 ** 1.5)          # scipy.stats.skew (biased)
    kurt = m4 / (m2 ** 2) - 3.0      # scipy.stats.kurtosis (fisher, biased)
    s = jnp.sort(w, axis=-1)
    med = s[..., (ws - 1) // 2]      # torch.median = lower median
    dev = jnp.abs(w - med[..., None])
    sdev = jnp.sort(dev, axis=-1)
    meddev = sdev[..., (ws - 1) // 2]
    return jnp.stack([amax, amin, amean, astd, skew, kurt, meddev], axis=-1)


def _relieff(X, nn_=NUM_NEIGHBORS):
    B, C, Tn, F, NF = X.shape
    blocks = X.reshape(B * C * Tn, F, NF)

    def block_score(Xb):
        d2 = jnp.sum((Xb[:, None, :] - Xb[None, :, :]) ** 2, axis=-1)
        dist = jnp.sqrt(jnp.maximum(d2, 0.0))
        order = jnp.argsort(dist, axis=-1)       # [F, F]
        hits = order[:, :nn_]
        misses = order[:, nn_:2 * nn_]
        hit_vals = Xb[hits]                       # [F, nn, NF]
        miss_vals = Xb[misses]
        diff_hit = jnp.abs(hit_vals - Xb[:, None, :]).sum(axis=(0, 1))
        diff_miss = jnp.abs(miss_vals - Xb[:, None, :]).sum(axis=(0, 1))
        return diff_miss - diff_hit               # [NF]

    scores = jax.vmap(block_score)(blocks).sum(axis=0)
    scores = scores / (nn_ * F * Tn * C)          # batch not in divisor (matches torch code)
    return scores                                 # [NF]


def _projection(x5, conv_w, conv_b, w_ih, w_hh, b_ih, b_hh, fc_w, fc_b):
    B, C, H, W, D = x5.shape                      # C=3, W=56, D=7
    xr = x5.reshape(B * H, C, W, D)               # torch .view = row-major reinterpret
    conv = jnp.einsum('oi,niwd->nowd', conv_w, xr) + conv_b[None, :, None, None]
    feat = conv.reshape(B, H, C * W * D)
    hidden = 56

    def step(h, xt):
        gi = xt @ w_ih.T + b_ih
        gh = h @ w_hh.T + b_hh
        i_r, i_z, i_n = jnp.split(gi, 3, axis=-1)
        h_r, h_z, h_n = jnp.split(gh, 3, axis=-1)
        r = jax.nn.sigmoid(i_r + h_r)
        zz = jax.nn.sigmoid(i_z + h_z)
        n = jnp.tanh(i_n + r * h_n)
        h_new = (1 - zz) * n + zz * h
        return h_new, h_new

    h0 = jnp.zeros((B, hidden), dtype=x5.dtype)
    xs = feat.transpose(1, 0, 2)
    _, outs = jax.lax.scan(step, h0, xs)
    out = outs.transpose(1, 0, 2)                 # [B, H, 56]
    out = out @ fc_w.T + fc_b                     # [B, H, 1176]
    return out.reshape(B, H, 3, 56, 7)


def _forward(x, conv_w, conv_b, w_ih, w_hh, b_ih, b_hh, fc_w, fc_b):
    ext = _ext_features(x, WS)                    # [B,3,T/ws,56,7]
    imp = _relieff(ext)                           # [7]
    proj = _projection(ext, conv_w, conv_b, w_ih, w_hh, b_ih, b_hh, fc_w, fc_b)
    weighted = proj * imp[None, None, None, None, :]
    return jnp.sum(weighted, axis=-1)             # [B, T/ws, 3, 56]


def setup_inputs(seed: int = 0) -> dict:
    key = jax.random.key(seed)
    ks = jax.random.split(key, 10)
    B, R, T, F = 16, 3, 4096, 56
    x = jax.random.normal(ks[0], (B, R, T, F), dtype=jnp.float32)
    y = jax.random.randint(ks[1], (B,), 0, 2, dtype=jnp.int64 if jax.config.jax_enable_x64 else jnp.int32)
    d_in = 3 * 56 * 7
    hidden = 56
    conv_w = jax.random.normal(ks[2], (3, 3), dtype=jnp.float32) * 0.1
    conv_b = jax.random.normal(ks[3], (3,), dtype=jnp.float32) * 0.05
    w_ih = jax.random.normal(ks[4], (3 * hidden, d_in), dtype=jnp.float32) * 0.02
    w_hh = jax.random.normal(ks[5], (3 * hidden, hidden), dtype=jnp.float32) * 0.05
    b_ih = jax.random.normal(ks[6], (3 * hidden,), dtype=jnp.float32) * 0.02
    b_hh = jax.random.normal(ks[7], (3 * hidden,), dtype=jnp.float32) * 0.02
    fc_w = jax.random.normal(ks[8], (d_in, hidden), dtype=jnp.float32) * 0.05
    fc_b = jax.random.normal(ks[9], (d_in,), dtype=jnp.float32) * 0.02
    return {"x": x, "y": y, "conv_w": conv_w, "conv_b": conv_b,
            "w_ih": w_ih, "w_hh": w_hh, "b_ih": b_ih, "b_hh": b_hh,
            "fc_w": fc_w, "fc_b": fc_b}


def reference(x, y, conv_w, conv_b, w_ih, w_hh, b_ih, b_hh, fc_w, fc_b):
    # y is accepted but unused by the original reliefF implementation
    return _forward(x, conv_w, conv_b, w_ih, w_hh, b_ih, b_hh, fc_w, fc_b)

if __name__ == "__main__":
    import jax
    _d = setup_inputs()
    print(jax.jit(kernel)(*tuple(_d.values())))

</pallas_src>

<mosaic_0001>
module attributes {stable_mosaic.version = 14 : i64} {
  func.func @_ext_kernel(%arg0: i32, %arg1: memref<1x32x7168xf32, #tpu.memory_space<vmem>>, %arg2: memref<1x7168x7xf32, #tpu.memory_space<vmem>>) attributes {dimension_semantics = [#tpu.dimension_semantics<arbitrary>], iteration_bounds = array<i64: 48>, scalar_prefetch = 0 : i64, scratch_operands = 0 : i64, tpu.core_type = #tpu.core_type<tc>, window_params = [{transform_indices = @transform_0, window_bounds = array<i64: 1, 32, 7168>}, {transform_indices = @transform_1, window_bounds = array<i64: 1, 7168, 7>}]} {
    %get3A = arith.constant 0 : index
    %get3A_0 = arith.constant 0 : index
    %get3A_1 = arith.constant 0 : index
    %get3A_2 = vector.load %arg1[%get3A, %get3A_0, %get3A_1] : memref<1x32x7168xf32, #tpu.memory_space<vmem>>, vector<1x32x7168xf32>
    %get3A_3 = vector.shape_cast %get3A_2 : vector<1x32x7168xf32> to vector<32x7168xf32>
    %reduce_sum3A = arith.constant dense<0.000000e+00> : vector<7168xf32>
    %reduce_sum3A_4 = vector.multi_reduction <add>, %get3A_3, %reduce_sum3A [0] : vector<32x7168xf32> to vector<7168xf32>
    %broadcast_in_dim3A = vector.shape_cast %reduce_sum3A_4 : vector<7168xf32> to vector<1x7168xf32>
    %div3A = arith.constant 3.200000e+01 : f32
    %div3A_5 = vector.broadcast %div3A : f32 to vector<1x7168xf32>
    %div3A_6 = arith.divf %broadcast_in_dim3A, %div3A_5 : vector<1x7168xf32>
    %sub3A = vector.broadcast %div3A_6 : vector<1x7168xf32> to vector<32x7168xf32>
    %sub3A_7 = arith.subf %get3A_3, %sub3A : vector<32x7168xf32>
    %mul3A = arith.mulf %sub3A_7, %sub3A_7 : vector<32x7168xf32>
    %reduce_sum3A_8 = arith.constant dense<0.000000e+00> : vector<7168xf32>
    %reduce_sum3A_9 = vector.multi_reduction <add>, %mul3A, %reduce_sum3A_8 [0] : vector<32x7168xf32> to vector<7168xf32>
    %broadcast_in_dim3A_10 = vector.shape_cast %reduce_sum3A_9 : vector<7168xf32> to vector<1x7168xf32>
    %div3A_11 = arith.constant 3.100000e+01 : f32
    %div3A_12 = vector.broadcast %div3A_11 : f32 to vector<1x7168xf32>
    %div3A_13 = arith.divf %broadcast_in_dim3A_10, %div3A_12 : vector<1x7168xf32>
    %sqrt3A = math.sqrt %div3A_13 : vector<1x7168xf32>
    %div3A_14 = arith.constant 3.200000e+01 : f32
    %div3A_15 = vector.broadcast %div3A_14 : f32 to vector<1x7168xf32>
    %div3A_16 = arith.divf %broadcast_in_dim3A_10, %div3A_15 : vector<1x7168xf32>
    %sqrt3A_17 = math.sqrt %div3A_16 : vector<1x7168xf32>
    %div3A_18 = vector.broadcast %sqrt3A_17 : vector<1x7168xf32> to vector<32x7168xf32>
    %div3A_19 = arith.divf %sub3A_7, %div3A_18 : vector<32x7168xf32>
    %mul3A_20 = arith.mulf %div3A_19, %div3A_19 : vector<32x7168xf32>
    %reduce_sum3A_21 = arith.constant dense<0.000000e+00> : vector<7168xf32>
    %reduce_sum3A_22 = vector.multi_reduction <add>, %mul3A_20, %reduce_sum3A_21 [0] : vector<32x7168xf32> to vector<7168xf32>
    %broadcast_in_dim3A_23 = vector.shape_cast %reduce_sum3A_22 : vector<7168xf32> to vector<1x7168xf32>
    %div3A_24 = arith.constant 3.200000e+01 : f32
    %div3A_25 = vector.broadcast %div3A_24 : f32 to vector<1x7168xf32>
    %div3A_26 = arith.divf %broadcast_in_dim3A_23, %div3A_25 : vector<1x7168xf32>
    %mul3A_27 = arith.mulf %mul3A_20, %div3A_19 : vector<32x7168xf32>
    %reduce_sum3A_28 = arith.constant dense<0.000000e+00> : vector<7168xf32>
    %reduce_sum3A_29 = vector.multi_reduction <add>, %mul3A_27, %reduce_sum3A_28 [0] : vector<32x7168xf32> to vector<7168xf32>
    %broadcast_in_dim3A_30 = vector.shape_cast %reduce_sum3A_29 : vector<7168xf32> to vector<1x7168xf32>
    %div3A_31 = arith.constant 3.200000e+01 : f32
    %div3A_32 = vector.broadcast %div3A_31 : f32 to vector<1x7168xf32>
    %div3A_33 = arith.divf %broadcast_in_dim3A_30, %div3A_32 : vector<1x7168xf32>
    %mul3A_34 = arith.mulf %mul3A_20, %mul3A_20 : vector<32x7168xf32>
    %reduce_sum3A_35 = arith.constant dense<0.000000e+00> : vector<7168xf32>
    %reduce_sum3A_36 = vector.multi_reduction <add>, %mul3A_34, %reduce_sum3A_35 [0] : vector<32x7168xf32> to vector<7168xf32>
    %broadcast_in_dim3A_37 = vector.shape_cast %reduce_sum3A_36 : vector<7168xf32> to vector<1x7168xf32>
    %div3A_38 = arith.constant 3.200000e+01 : f32
    %div3A_39 = vector.broadcast %div3A_38 : f32 to vector<1x7168xf32>
    %div3A_40 = arith.divf %broadcast_in_dim3A_37, %div3A_39 : vector<1x7168xf32>
    %sqrt3A_41 = math.sqrt %div3A_26 : vector<1x7168xf32>
    %mul3A_42 = arith.mulf %div3A_26, %sqrt3A_41 : vector<1x7168xf32>
    %div3A_43 = arith.divf %div3A_33, %mul3A_42 : vector<1x7168xf32>
    %mul3A_44 = arith.mulf %div3A_26, %div3A_26 : vector<1x7168xf32>
    %div3A_45 = arith.divf %div3A_40, %mul3A_44 : vector<1x7168xf32>
    %sub3A_46 = arith.constant 3.000000e+00 : f32
    %sub3A_47 = vector.broadcast %sub3A_46 : f32 to vector<1x7168xf32>
    %sub3A_48 = arith.subf %div3A_45, %sub3A_47 : vector<1x7168xf32>
    %iota3A = tpu.iota {dimensions = array<i32: 0>} : vector<32x1xi32>
    %slice3A = vector.extract_strided_slice %get3A_3 {offsets = [31, 0], sizes = [1, 7168], strides = [1, 1]} : vector<32x7168xf32> to vector<1x7168xf32>
    %slice3A_49 = vector.extract_strided_slice %get3A_3 {offsets = [0, 0], sizes = [31, 7168], strides = [1, 1]} : vector<32x7168xf32> to vector<31x7168xf32>
    %concatenate3A = tpu.concatenate %slice3A, %slice3A_49 in 0 : vector<1x7168xf32>, vector<31x7168xf32> -> vector<32x7168xf32>
    %slice3A_50 = vector.extract_strided_slice %get3A_3 {offsets = [1, 0], sizes = [31, 7168], strides = [1, 1]} : vector<32x7168xf32> to vector<31x7168xf32>
    %slice3A_51 = vector.extract_strided_slice %get3A_3 {offsets = [0, 0], sizes = [1, 7168], strides = [1, 1]} : vector<32x7168xf32> to vector<1x7168xf32>
    %concatenate3A_52 = tpu.concatenate %slice3A_50, %slice3A_51 in 0 : vector<31x7168xf32>, vector<1x7168xf32> -> vector<32x7168xf32>
    %and3A = arith.constant 1 : i32
    %and3A_53 = vector.broadcast %and3A : i32 to vector<32x1xi32>
    %and3A_54 = arith.andi %iota3A, %and3A_53 : vector<32x1xi32>
    %ne3A = arith.constant 0 : i32
    %ne3A_55 = vector.broadcast %ne3A : i32 to vector<32x1xi32>
    %ne3A_56 = arith.cmpi ne, %and3A_54, %ne3A_55 : vector<32x1xi32>
    %broadcast_in_dim3A_57 = vector.shape_cast %ne3A_56 : vector<32x1xi1> to vector<32x1xi1>
    %broadcast_in_dim3A_58 = vector.broadcast %broadcast_in_dim3A_57 : vector<32x1xi1> to vector<32x7168xi1>
    %select_n3A = arith.select %broadcast_in_dim3A_58, %concatenate3A, %concatenate3A_52 : vector<32x7168xi1>, vector<32x7168xf32>
    %and3A_59 = arith.constant 2 : i32
    %and3A_60 = vector.broadcast %and3A_59 : i32 to vector<32x1xi32>
    %and3A_61 = arith.andi %iota3A, %and3A_60 : vector<32x1xi32>
    %eq3A = arith.constant 0 : i32
    %eq3A_62 = vector.broadcast %eq3A : i32 to vector<32x1xi32>
    %eq3A_63 = arith.cmpi eq, %and3A_61, %eq3A_62 : vector<32x1xi32>
    %ne3A_64 = arith.xori %ne3A_56, %eq3A_63 : vector<32x1xi1>
    %min3A = arith.minimumf %get3A_3, %select_n3A : vector<32x7168xf32>
    %max3A = arith.maximumf %get3A_3, %select_n3A : vector<32x7168xf32>
    %broadcast_in_dim3A_65 = vector.shape_cast %ne3A_64 : vector<32x1xi1> to vector<32x1xi1>
    %broadcast_in_dim3A_66 = vector.broadcast %broadcast_in_dim3A_65 : vector<32x1xi1> to vector<32x7168xi1>
    %select_n3A_67 = arith.select %broadcast_in_dim3A_66, %min3A, %max3A : vector<32x7168xi1>, vector<32x7168xf32>
    %slice3A_68 = vector.extract_strided_slice %select_n3A_67 {offsets = [30, 0], sizes = [2, 7168], strides = [1, 1]} : vector<32x7168xf32> to vector<2x7168xf32>
    %slice3A_69 = vector.extract_strided_slice %select_n3A_67 {offsets = [0, 0], sizes = [30, 7168], strides = [1, 1]} : vector<32x7168xf32> to vector<30x7168xf32>
    %concatenate3A_70 = tpu.concatenate %slice3A_68, %slice3A_69 in 0 : vector<2x7168xf32>, vector<30x7168xf32> -> vector<32x7168xf32>
    %slice3A_71 = vector.extract_strided_slice %select_n3A_67 {offsets = [2, 0], sizes = [30, 7168], strides = [1, 1]} : vector<32x7168xf32> to vector<30x7168xf32>
    %slice3A_72 = vector.extract_strided_slice %select_n3A_67 {offsets = [0, 0], sizes = [2, 7168], strides = [1, 1]} : vector<32x7168xf32> to vector<2x7168xf32>
    %concatenate3A_73 = tpu.concatenate %slice3A_71, %slice3A_72 in 0 : vector<30x7168xf32>, vector<2x7168xf32> -> vector<32x7168xf32>
    %and3A_74 = arith.constant 2 : i32
    %and3A_75 = vector.broadcast %and3A_74 : i32 to vector<32x1xi32>
    %and3A_76 = arith.andi %iota3A, %and3A_75 : vector<32x1xi32>
    %ne3A_77 = arith.constant 0 : i32
    %ne3A_78 = vector.broadcast %ne3A_77 : i32 to vector<32x1xi32>
    %ne3A_79 = arith.cmpi ne, %and3A_76, %ne3A_78 : vector<32x1xi32>
    %broadcast_in_dim3A_80 = vector.shape_cast %ne3A_79 : vector<32x1xi1> to vector<32x1xi1>
    %broadcast_in_dim3A_81 = vector.broadcast %broadcast_in_dim3A_80 : vector<32x1xi1> to vector<32x7168xi1>
    %select_n3A_82 = arith.select %broadcast_in_dim3A_81, %concatenate3A_70, %concatenate3A_73 : vector<32x7168xi1>, vector<32x7168xf32>
    %and3A_83 = arith.constant 4 : i32
    %and3A_84 = vector.broadcast %and3A_83 : i32 to vector<32x1xi32>
    %and3A_85 = arith.andi %iota3A, %and3A_84 : vector<32x1xi32>
    %eq3A_86 = arith.constant 0 : i32
    %eq3A_87 = vector.broadcast %eq3A_86 : i32 to vector<32x1xi32>
    %eq3A_88 = arith.cmpi eq, %and3A_85, %eq3A_87 : vector<32x1xi32>
    %ne3A_89 = arith.xori %ne3A_79, %eq3A_88 : vector<32x1xi1>
    %min3A_90 = arith.minimumf %select_n3A_67, %select_n3A_82 : vector<32x7168xf32>
    %max3A_91 = arith.maximumf %select_n3A_67, %select_n3A_82 : vector<32x7168xf32>
    %broadcast_in_dim3A_92 = vector.shape_cast %ne3A_89 : vector<32x1xi1> to vector<32x1xi1>
    %broadcast_in_dim3A_93 = vector.broadcast %broadcast_in_dim3A_92 : vector<32x1xi1> to vector<32x7168xi1>
    %select_n3A_94 = arith.select %broadcast_in_dim3A_93, %min3A_90, %max3A_91 : vector<32x7168xi1>, vector<32x7168xf32>
    %slice3A_95 = vector.extract_strided_slice %select_n3A_94 {offsets = [31, 0], sizes = [1, 7168], strides = [1, 1]} : vector<32x7168xf32> to vector<1x7168xf32>
    %slice3A_96 = vector.extract_strided_slice %select_n3A_94 {offsets = [0, 0], sizes = [31, 7168], strides = [1, 1]} : vector<32x7168xf32> to vector<31x7168xf32>
    %concatenate3A_97 = tpu.concatenate %slice3A_95, %slice3A_96 in 0 : vector<1x7168xf32>, vector<31x7168xf32> -> vector<32x7168xf32>
    %slice3A_98 = vector.extract_strided_slice %select_n3A_94 {offsets = [1, 0], sizes = [31, 7168], strides = [1, 1]} : vector<32x7168xf32> to vector<31x7168xf32>
    %slice3A_99 = vector.extract_strided_slice %select_n3A_94 {offsets = [0, 0], sizes = [1, 7168], strides = [1, 1]} : vector<32x7168xf32> to vector<1x7168xf32>
    %concatenate3A_100 = tpu.concatenate %slice3A_98, %slice3A_99 in 0 : vector<31x7168xf32>, vector<1x7168xf32> -> vector<32x7168xf32>
    %and3A_101 = arith.constant 1 : i32
    %and3A_102 = vector.broadcast %and3A_101 : i32 to vector<32x1xi32>
    %and3A_103 = arith.andi %iota3A, %and3A_102 : vector<32x1xi32>
    %ne3A_104 = arith.constant 0 : i32
    %ne3A_105 = vector.broadcast %ne3A_104 : i32 to vector<32x1xi32>
    %ne3A_106 = arith.cmpi ne, %and3A_103, %ne3A_105 : vector<32x1xi32>
    %broadcast_in_dim3A_107 = vector.shape_cast %ne3A_106 : vector<32x1xi1> to vector<32x1xi1>
    %broadcast_in_dim3A_108 = vector.broadcast %broadcast_in_dim3A_107 : vector<32x1xi1> to vector<32x7168xi1>
    %select_n3A_109 = arith.select %broadcast_in_dim3A_108, %concatenate3A_97, %concatenate3A_100 : vector<32x7168xi1>, vector<32x7168xf32>
    %and3A_110 = arith.constant 4 : i32
    %and3A_111 = vector.broadcast %and3A_110 : i32 to vector<32x1xi32>
    %and3A_112 = arith.andi %iota3A, %and3A_111 : vector<32x1xi32>
    %eq3A_113 = arith.constant 0 : i32
    %eq3A_114 = vector.broadcast %eq3A_113 : i32 to vector<32x1xi32>
    %eq3A_115 = arith.cmpi eq, %and3A_112, %eq3A_114 : vector<32x1xi32>
    %ne3A_116 = arith.xori %ne3A_106, %eq3A_115 : vector<32x1xi1>
    %min3A_117 = arith.minimumf %select_n3A_94, %select_n3A_109 : vector<32x7168xf32>
    %max3A_118 = arith.maximumf %select_n3A_94, %select_n3A_109 : vector<32x7168xf32>
    %broadcast_in_dim3A_119 = vector.shape_cast %ne3A_116 : vector<32x1xi1> to vector<32x1xi1>
    %broadcast_in_dim3A_120 = vector.broadcast %broadcast_in_dim3A_119 : vector<32x1xi1> to vector<32x7168xi1>
    %select_n3A_121 = arith.select %broadcast_in_dim3A_120, %min3A_117, %max3A_118 : vector<32x7168xi1>, vector<32x7168xf32>
    %slice3A_122 = vector.extract_strided_slice %select_n3A_121 {offsets = [28, 0], sizes = [4, 7168], strides = [1, 1]} : vector<32x7168xf32> to vector<4x7168xf32>
    %slice3A_123 = vector.extract_strided_slice %select_n3A_121 {offsets = [0, 0], sizes = [28, 7168], strides = [1, 1]} : vector<32x7168xf32> to vector<28x7168xf32>
    %concatenate3A_124 = tpu.concatenate %slice3A_122, %slice3A_123 in 0 : vector<4x7168xf32>, vector<28x7168xf32> -> vector<32x7168xf32>
    %slice3A_125 = vector.extract_strided_slice %select_n3A_121 {offsets = [4, 0], sizes = [28, 7168], strides = [1, 1]} : vector<32x7168xf32> to vector<28x7168xf32>
    %slice3A_126 = vector.extract_strided_slice %select_n3A_121 {offsets = [0, 0], sizes = [4, 7168], strides = [1, 1]} : vector<32x7168xf32> to vector<4x7168xf32>
    %concatenate3A_127 = tpu.concatenate %slice3A_125, %slice3A_126 in 0 : vector<28x7168xf32>, vector<4x7168xf32> -> vector<32x7168xf32>
    %and3A_128 = arith.constant 4 : i32
    %and3A_129 = vector.broadcast %and3A_128 : i32 to vector<32x1xi32>
    %and3A_130 = arith.andi %iota3A, %and3A_129 : vector<32x1xi32>
    %ne3A_131 = arith.constant 0 : i32
    %ne3A_132 = vector.broadcast %ne3A_131 : i32 to vector<32x1xi32>
    %ne3A_133 = arith.cmpi ne, %and3A_130, %ne3A_132 : vector<32x1xi32>
    %broadcast_in_dim3A_134 = vector.shape_cast %ne3A_133 : vector<32x1xi1> to vector<32x1xi1>
    %broadcast_in_dim3A_135 = vector.broadcast %broadcast_in_dim3A_134 : vector<32x1xi1> to vector<32x7168xi1>
    %select_n3A_136 = arith.select %broadcast_in_dim3A_135, %concatenate3A_124, %concatenate3A_127 : vector<32x7168xi1>, vector<32x7168xf32>
    %and3A_137 = arith.constant 8 : i32
    %and3A_138 = vector.broadcast %and3A_137 : i32 to vector<32x1xi32>
    %and3A_139 = arith.andi %iota3A, %and3A_138 : vector<32x1xi32>
    %eq3A_140 = arith.constant 0 : i32
    %eq3A_141 = vector.broadcast %eq3A_140 : i32 to vector<32x1xi32>
    %eq3A_142 = arith.cmpi eq, %and3A_139, %eq3A_141 : vector<32x1xi32>
    %ne3A_143 = arith.xori %ne3A_133, %eq3A_142 : vector<32x1xi1>
    %min3A_144 = arith.minimumf %select_n3A_121, %select_n3A_136 : vector<32x7168xf32>
    %max3A_145 = arith.maximumf %select_n3A_121, %select_n3A_136 : vector<32x7168xf32>
    %broadcast_in_dim3A_146 = vector.shape_cast %ne3A_143 : vector<32x1xi1> to vector<32x1xi1>
    %broadcast_in_dim3A_147 = vector.broadcast %broadcast_in_dim3A_146 : vector<32x1xi1> to vector<32x7168xi1>
    %select_n3A_148 = arith.select %broadcast_in_dim3A_147, %min3A_144, %max3A_145 : vector<32x7168xi1>, vector<32x7168xf32>
    %slice3A_149 = vector.extract_strided_slice %select_n3A_148 {offsets = [30, 0], sizes = [2, 7168], strides = [1, 1]} : vector<32x7168xf32> to vector<2x7168xf32>
    %slice3A_150 = vector.extract_strided_slice %select_n3A_148 {offsets = [0, 0], sizes = [30, 7168], strides = [1, 1]} : vector<32x7168xf32> to vector<30x7168xf32>
    %concatenate3A_151 = tpu.concatenate %slice3A_149, %slice3A_150 in 0 : vector<2x7168xf32>, vector<30x7168xf32> -> vector<32x7168xf32>
    %slice3A_152 = vector.extract_strided_slice %select_n3A_148 {offsets = [2, 0], sizes = [30, 7168], strides = [1, 1]} : vector<32x7168xf32> to vector<30x7168xf32>
    %slice3A_153 = vector.extract_strided_slice %select_n3A_148 {offsets = [0, 0], sizes = [2, 7168], strides = [1, 1]} : vector<32x7168xf32> to vector<2x7168xf32>
    %concatenate3A_154 = tpu.concatenate %slice3A_152, %slice3A_153 in 0 : vector<30x7168xf32>, vector<2x7168xf32> -> vector<32x7168xf32>
    %and3A_155 = arith.constant 2 : i32
    %and3A_156 = vector.broadcast %and3A_155 : i32 to vector<32x1xi32>
    %and3A_157 = arith.andi %iota3A, %and3A_156 : vector<32x1xi32>
    %ne3A_158 = arith.constant 0 : i32
    %ne3A_159 = vector.broadcast %ne3A_158 : i32 to vector<32x1xi32>
    %ne3A_160 = arith.cmpi ne, %and3A_157, %ne3A_159 : vector<32x1xi32>
    %broadcast_in_dim3A_161 = vector.shape_cast %ne3A_160 : vector<32x1xi1> to vector<32x1xi1>
    %broadcast_in_dim3A_162 = vector.broadcast %broadcast_in_dim3A_161 : vector<32x1xi1> to vector<32x7168xi1>
    %select_n3A_163 = arith.select %broadcast_in_dim3A_162, %concatenate3A_151, %concatenate3A_154 : vector<32x7168xi1>, vector<32x7168xf32>
    %and3A_164 = arith.constant 8 : i32
    %and3A_165 = vector.broadcast %and3A_164 : i32 to vector<32x1xi32>
    %and3A_166 = arith.andi %iota3A, %and3A_165 : vector<32x1xi32>
    %eq3A_167 = arith.constant 0 : i32
    %eq3A_168 = vector.broadcast %eq3A_167 : i32 to vector<32x1xi32>
    %eq3A_169 = arith.cmpi eq, %and3A_166, %eq3A_168 : vector<32x1xi32>
    %ne3A_170 = arith.xori %ne3A_160, %eq3A_169 : vector<32x1xi1>
    %min3A_171 = arith.minimumf %select_n3A_148, %select_n3A_163 : vector<32x7168xf32>
    %max3A_172 = arith.maximumf %select_n3A_148, %select_n3A_163 : vector<32x7168xf32>
    %broadcast_in_dim3A_173 = vector.shape_cast %ne3A_170 : vector<32x1xi1> to vector<32x1xi1>
    %broadcast_in_dim3A_174 = vector.broadcast %broadcast_in_dim3A_173 : vector<32x1xi1> to vector<32x7168xi1>
    %select_n3A_175 = arith.select %broadcast_in_dim3A_174, %min3A_171, %max3A_172 : vector<32x7168xi1>, vector<32x7168xf32>
    %slice3A_176 = vector.extract_strided_slice %select_n3A_175 {offsets = [31, 0], sizes = [1, 7168], strides = [1, 1]} : vector<32x7168xf32> to vector<1x7168xf32>
    %slice3A_177 = vector.extract_strided_slice %select_n3A_175 {offsets = [0, 0], sizes = [31, 7168], strides = [1, 1]} : vector<32x7168xf32> to vector<31x7168xf32>
    %concatenate3A_178 = tpu.concatenate %slice3A_176, %slice3A_177 in 0 : vector<1x7168xf32>, vector<31x7168xf32> -> vector<32x7168xf32>
    %slice3A_179 = vector.extract_strided_slice %select_n3A_175 {offsets = [1, 0], sizes = [31, 7168], strides = [1, 1]} : vector<32x7168xf32> to vector<31x7168xf32>
    %slice3A_180 = vector.extract_strided_slice %select_n3A_175 {offsets = [0, 0], sizes = [1, 7168], strides = [1, 1]} : vector<32x7168xf32> to vector<1x7168xf32>
    %concatenate3A_181 = tpu.concatenate %slice3A_179, %slice3A_180 in 0 : vector<31x7168xf32>, vector<1x7168xf32> -> vector<32x7168xf32>
    %and3A_182 = arith.constant 1 : i32
    %and3A_183 = vector.broadcast %and3A_182 : i32 to vector<32x1xi32>
    %and3A_184 = arith.andi %iota3A, %and3A_183 : vector<32x1xi32>
    %ne3A_185 = arith.constant 0 : i32
    %ne3A_186 = vector.broadcast %ne3A_185 : i32 to vector<32x1xi32>
    %ne3A_187 = arith.cmpi ne, %and3A_184, %ne3A_186 : vector<32x1xi32>
    %broadcast_in_dim3A_188 = vector.shape_cast %ne3A_187 : vector<32x1xi1> to vector<32x1xi1>
    %broadcast_in_dim3A_189 = vector.broadcast %broadcast_in_dim3A_188 : vector<32x1xi1> to vector<32x7168xi1>
    %select_n3A_190 = arith.select %broadcast_in_dim3A_189, %concatenate3A_178, %concatenate3A_181 : vector<32x7168xi1>, vector<32x7168xf32>
    %and3A_191 = arith.constant 8 : i32
    %and3A_192 = vector.broadcast %and3A_191 : i32 to vector<32x1xi32>
    %and3A_193 = arith.andi %iota3A, %and3A_192 : vector<32x1xi32>
    %eq3A_194 = arith.constant 0 : i32
    %eq3A_195 = vector.broadcast %eq3A_194 : i32 to vector<32x1xi32>
    %eq3A_196 = arith.cmpi eq, %and3A_193, %eq3A_195 : vector<32x1xi32>
    %ne3A_197 = arith.xori %ne3A_187, %eq3A_196 : vector<32x1xi1>
    %min3A_198 = arith.minimumf %select_n3A_175, %select_n3A_190 : vector<32x7168xf32>
    %max3A_199 = arith.maximumf %select_n3A_175, %select_n3A_190 : vector<32x7168xf32>
    %broadcast_in_dim3A_200 = vector.shape_cast %ne3A_197 : vector<32x1xi1> to vector<32x1xi1>
    %broadcast_in_dim3A_201 = vector.broadcast %broadcast_in_dim3A_200 : vector<32x1xi1> to vector<32x7168xi1>
    %select_n3A_202 = arith.select %broadcast_in_dim3A_201, %min3A_198, %max3A_199 : vector<32x7168xi1>, vector<32x7168xf32>
    %slice3A_203 = vector.extract_strided_slice %select_n3A_202 {offsets = [24, 0], sizes = [8, 7168], strides = [1, 1]} : vector<32x7168xf32> to vector<8x7168xf32>
    %slice3A_204 = vector.extract_strided_slice %select_n3A_202 {offsets = [0, 0], sizes = [24, 7168], strides = [1, 1]} : vector<32x7168xf32> to vector<24x7168xf32>
    %concatenate3A_205 = tpu.concatenate %slice3A_203, %slice3A_204 in 0 : vector<8x7168xf32>, vector<24x7168xf32> -> vector<32x7168xf32>
    %slice3A_206 = vector.extract_strided_slice %select_n3A_202 {offsets = [8, 0], sizes = [24, 7168], strides = [1, 1]} : vector<32x7168xf32> to vector<24x7168xf32>
    %slice3A_207 = vector.extract_strided_slice %select_n3A_202 {offsets = [0, 0], sizes = [8, 7168], strides = [1, 1]} : vector<32x7168xf32> to vector<8x7168xf32>
    %concatenate3A_208 = tpu.concatenate %slice3A_206, %slice3A_207 in 0 : vector<24x7168xf32>, vector<8x7168xf32> -> vector<32x7168xf32>
    %and3A_209 = arith.constant 8 : i32
    %and3A_210 = vector.broadcast %and3A_209 : i32 to vector<32x1xi32>
    %and3A_211 = arith.andi %iota3A, %and3A_210 : vector<32x1xi32>
    %ne3A_212 = arith.constant 0 : i32
    %ne3A_213 = vector.broadcast %ne3A_212 : i32 to vector<32x1xi32>
    %ne3A_214 = arith.cmpi ne, %and3A_211, %ne3A_213 : vector<32x1xi32>
    %broadcast_in_dim3A_215 = vector.shape_cast %ne3A_214 : vector<32x1xi1> to vector<32x1xi1>
    %broadcast_in_dim3A_216 = vector.broadcast %broadcast_in_dim3A_215 : vector<32x1xi1> to vector<32x7168xi1>
    %select_n3A_217 = arith.select %broadcast_in_dim3A_216, %concatenate3A_205, %concatenate3A_208 : vector<32x7168xi1>, vector<32x7168xf32>
    %and3A_218 = arith.constant 16 : i32
    %and3A_219 = vector.broadcast %and3A_218 : i32 to vector<32x1xi32>
    %and3A_220 = arith.andi %iota3A, %and3A_219 : vector<32x1xi32>
    %eq3A_221 = arith.constant 0 : i32
    %eq3A_222 = vector.broadcast %eq3A_221 : i32 to vector<32x1xi32>
    %eq3A_223 = arith.cmpi eq, %and3A_220, %eq3A_222 : vector<32x1xi32>
    %ne3A_224 = arith.xori %ne3A_214, %eq3A_223 : vector<32x1xi1>
    %min3A_225 = arith.minimumf %select_n3A_202, %select_n3A_217 : vector<32x7168xf32>
    %max3A_226 = arith.maximumf %select_n3A_202, %select_n3A_217 : vector<32x7168xf32>
    %broadcast_in_dim3A_227 = vector.shape_cast %ne3A_224 : vector<32x1xi1> to vector<32x1xi1>
    %broadcast_in_dim3A_228 = vector.broadcast %broadcast_in_dim3A_227 : vector<32x1xi1> to vector<32x7168xi1>
    %select_n3A_229 = arith.select %broadcast_in_dim3A_228, %min3A_225, %max3A_226 : vector<32x7168xi1>, vector<32x7168xf32>
    %slice3A_230 = vector.extract_strided_slice %select_n3A_229 {offsets = [28, 0], sizes = [4, 7168], strides = [1, 1]} : vector<32x7168xf32> to vector<4x7168xf32>
    %slice3A_231 = vector.extract_strided_slice %select_n3A_229 {offsets = [0, 0], sizes = [28, 7168], strides = [1, 1]} : vector<32x7168xf32> to vector<28x7168xf32>
    %concatenate3A_232 = tpu.concatenate %slice3A_230, %slice3A_231 in 0 : vector<4x7168xf32>, vector<28x7168xf32> -> vector<32x7168xf32>
    %slice3A_233 = vector.extract_strided_slice %select_n3A_229 {offsets = [4, 0], sizes = [28, 7168], strides = [1, 1]} : vector<32x7168xf32> to vector<28x7168xf32>
    %slice3A_234 = vector.extract_strided_slice %select_n3A_229 {offsets = [0, 0], sizes = [4, 7168], strides = [1, 1]} : vector<32x7168xf32> to vector<4x7168xf32>
    %concatenate3A_235 = tpu.concatenate %slice3A_233, %slice3A_234 in 0 : vector<28x7168xf32>, vector<4x7168xf32> -> vector<32x7168xf32>
    %and3A_236 = arith.constant 4 : i32
    %and3A_237 = vector.broadcast %and3A_236 : i32 to vector<32x1xi32>
    %and3A_238 = arith.andi %iota3A, %and3A_237 : vector<32x1xi32>
    %ne3A_239 = arith.constant 0 : i32
    %ne3A_240 = vector.broadcast %ne3A_239 : i32 to vector<32x1xi32>
    %ne3A_241 = arith.cmpi ne, %and3A_238, %ne3A_240 : vector<32x1xi32>
    %broadcast_in_dim3A_242 = vector.shape_cast %ne3A_241 : vector<32x1xi1> to vector<32x1xi1>
    %broadcast_in_dim3A_243 = vector.broadcast %broadcast_in_dim3A_242 : vector<32x1xi1> to vector<32x7168xi1>
    %select_n3A_244 = arith.select %broadcast_in_dim3A_243, %concatenate3A_232, %concatenate3A_235 : vector<32x7168xi1>, vector<32x7168xf32>
    %and3A_245 = arith.constant 16 : i32
    %and3A_246 = vector.broadcast %and3A_245 : i32 to vector<32x1xi32>
    %and3A_247 = arith.andi %iota3A, %and3A_246 : vector<32x1xi32>
    %eq3A_248 = arith.constant 0 : i32
    %eq3A_249 = vector.broadcast %eq3A_248 : i32 to vector<32x1xi32>
    %eq3A_250 = arith.cmpi eq, %and3A_247, %eq3A_249 : vector<32x1xi32>
    %ne3A_251 = arith.xori %ne3A_241, %eq3A_250 : vector<32x1xi1>
    %min3A_252 = arith.minimumf %select_n3A_229, %select_n3A_244 : vector<32x7168xf32>
    %max3A_253 = arith.maximumf %select_n3A_229, %select_n3A_244 : vector<32x7168xf32>
    %broadcast_in_dim3A_254 = vector.shape_cast %ne3A_251 : vector<32x1xi1> to vector<32x1xi1>
    %broadcast_in_dim3A_255 = vector.broadcast %broadcast_in_dim3A_254 : vector<32x1xi1> to vector<32x7168xi1>
    %select_n3A_256 = arith.select %broadcast_in_dim3A_255, %min3A_252, %max3A_253 : vector<32x7168xi1>, vector<32x7168xf32>
    %slice3A_257 = vector.extract_strided_slice %select_n3A_256 {offsets = [30, 0], sizes = [2, 7168], strides = [1, 1]} : vector<32x7168xf32> to vector<2x7168xf32>
    %slice3A_258 = vector.extract_strided_slice %select_n3A_256 {offsets = [0, 0], sizes = [30, 7168], strides = [1, 1]} : vector<32x7168xf32> to vector<30x7168xf32>
    %concatenate3A_259 = tpu.concatenate %slice3A_257, %slice3A_258 in 0 : vector<2x7168xf32>, vector<30x7168xf32> -> vector<32x7168xf32>
    %slice3A_260 = vector.extract_strided_slice %select_n3A_256 {offsets = [2, 0], sizes = [30, 7168], strides = [1, 1]} : vector<32x7168xf32> to vector<30x7168xf32>
    %slice3A_261 = vector.extract_strided_slice %select_n3A_256 {offsets = [0, 0], sizes = [2, 7168], strides = [1, 1]} : vector<32x7168xf32> to vector<2x7168xf32>
    %concatenate3A_262 = tpu.concatenate %slice3A_260, %slice3A_261 in 0 : vector<30x7168xf32>, vector<2x7168xf32> -> vector<32x7168xf32>
    %and3A_263 = arith.constant 2 : i32
    %and3A_264 = vector.broadcast %and3A_263 : i32 to vector<32x1xi32>
    %and3A_265 = arith.andi %iota3A, %and3A_264 : vector<32x1xi32>
    %ne3A_266 = arith.constant 0 : i32
    %ne3A_267 = vector.broadcast %ne3A_266 : i32 to vector<32x1xi32>
    %ne3A_268 = arith.cmpi ne, %and3A_265, %ne3A_267 : vector<32x1xi32>
    %broadcast_in_dim3A_269 = vector.shape_cast %ne3A_268 : vector<32x1xi1> to vector<32x1xi1>
    %broadcast_in_dim3A_270 = vector.broadcast %broadcast_in_dim3A_269 : vector<32x1xi1> to vector<32x7168xi1>
    %select_n3A_271 = arith.select %broadcast_in_dim3A_270, %concatenate3A_259, %concatenate3A_262 : vector<32x7168xi1>, vector<32x7168xf32>
    %and3A_272 = arith.constant 16 : i32
    %and3A_273 = vector.broadcast %and3A_272 : i32 to vector<32x1xi32>
    %and3A_274 = arith.andi %iota3A, %and3A_273 : vector<32x1xi32>
    %eq3A_275 = arith.constant 0 : i32
    %eq3A_276 = vector.broadcast %eq3A_275 : i32 to vector<32x1xi32>
    %eq3A_277 = arith.cmpi eq, %and3A_274, %eq3A_276 : vector<32x1xi32>
    %ne3A_278 = arith.xori %ne3A_268, %eq3A_277 : vector<32x1xi1>
    %min3A_279 = arith.minimumf %select_n3A_256, %select_n3A_271 : vector<32x7168xf32>
    %max3A_280 = arith.maximumf %select_n3A_256, %select_n3A_271 : vector<32x7168xf32>
    %broadcast_in_dim3A_281 = vector.shape_cast %ne3A_278 : vector<32x1xi1> to vector<32x1xi1>
    %broadcast_in_dim3A_282 = vector.broadcast %broadcast_in_dim3A_281 : vector<32x1xi1> to vector<32x7168xi1>
    %select_n3A_283 = arith.select %broadcast_in_dim3A_282, %min3A_279, %max3A_280 : vector<32x7168xi1>, vector<32x7168xf32>
    %slice3A_284 = vector.extract_strided_slice %select_n3A_283 {offsets = [31, 0], sizes = [1, 7168], strides = [1, 1]} : vector<32x7168xf32> to vector<1x7168xf32>
    %slice3A_285 = vector.extract_strided_slice %select_n3A_283 {offsets = [0, 0], sizes = [31, 7168], strides = [1, 1]} : vector<32x7168xf32> to vector<31x7168xf32>
    %concatenate3A_286 = tpu.concatenate %slice3A_284, %slice3A_285 in 0 : vector<1x7168xf32>, vector<31x7168xf32> -> vector<32x7168xf32>
    %slice3A_287 = vector.extract_strided_slice %select_n3A_283 {offsets = [1, 0], sizes = [31, 7168], strides = [1, 1]} : vector<32x7168xf32> to vector<31x7168xf32>
    %slice3A_288 = vector.extract_strided_slice %select_n3A_283 {offsets = [0, 0], sizes = [1, 7168], strides = [1, 1]} : vector<32x7168xf32> to vector<1x7168xf32>
    %concatenate3A_289 = tpu.concatenate %slice3A_287, %slice3A_288 in 0 : vector<31x7168xf32>, vector<1x7168xf32> -> vector<32x7168xf32>
    %and3A_290 = arith.constant 1 : i32
    %and3A_291 = vector.broadcast %and3A_290 : i32 to vector<32x1xi32>
    %and3A_292 = arith.andi %iota3A, %and3A_291 : vector<32x1xi32>
    %ne3A_293 = arith.constant 0 : i32
    %ne3A_294 = vector.broadcast %ne3A_293 : i32 to vector<32x1xi32>
    %ne3A_295 = arith.cmpi ne, %and3A_292, %ne3A_294 : vector<32x1xi32>
    %broadcast_in_dim3A_296 = vector.shape_cast %ne3A_295 : vector<32x1xi1> to vector<32x1xi1>
    %broadcast_in_dim3A_297 = vector.broadcast %broadcast_in_dim3A_296 : vector<32x1xi1> to vector<32x7168xi1>
    %select_n3A_298 = arith.select %broadcast_in_dim3A_297, %concatenate3A_286, %concatenate3A_289 : vector<32x7168xi1>, vector<32x7168xf32>
    %and3A_299 = arith.constant 16 : i32
    %and3A_300 = vector.broadcast %and3A_299 : i32 to vector<32x1xi32>
    %and3A_301 = arith.andi %iota3A, %and3A_300 : vector<32x1xi32>
    %eq3A_302 = arith.constant 0 : i32
    %eq3A_303 = vector.broadcast %eq3A_302 : i32 to vector<32x1xi32>
    %eq3A_304 = arith.cmpi eq, %and3A_301, %eq3A_303 : vector<32x1xi32>
    %ne3A_305 = arith.xori %ne3A_295, %eq3A_304 : vector<32x1xi1>
    %min3A_306 = arith.minimumf %select_n3A_283, %select_n3A_298 : vector<32x7168xf32>
    %max3A_307 = arith.maximumf %select_n3A_283, %select_n3A_298 : vector<32x7168xf32>
    %broadcast_in_dim3A_308 = vector.shape_cast %ne3A_305 : vector<32x1xi1> to vector<32x1xi1>
    %broadcast_in_dim3A_309 = vector.broadcast %broadcast_in_dim3A_308 : vector<32x1xi1> to vector<32x7168xi1>
    %select_n3A_310 = arith.select %broadcast_in_dim3A_309, %min3A_306, %max3A_307 : vector<32x7168xi1>, vector<32x7168xf32>
    %slice3A_311 = vector.extract_strided_slice %select_n3A_310 {offsets = [16, 0], sizes = [16, 7168], strides = [1, 1]} : vector<32x7168xf32> to vector<16x7168xf32>
    %slice3A_312 = vector.extract_strided_slice %select_n3A_310 {offsets = [0, 0], sizes = [16, 7168], strides = [1, 1]} : vector<32x7168xf32> to vector<16x7168xf32>
    %concatenate3A_313 = tpu.concatenate %slice3A_311, %slice3A_312 in 0 : vector<16x7168xf32>, vector<16x7168xf32> -> vector<32x7168xf32>
    %slice3A_314 = vector.extract_strided_slice %select_n3A_310 {offsets = [16, 0], sizes = [16, 7168], strides = [1, 1]} : vector<32x7168xf32> to vector<16x7168xf32>
    %slice3A_315 = vector.extract_strided_slice %select_n3A_310 {offsets = [0, 0], sizes = [16, 7168], strides = [1, 1]} : vector<32x7168xf32> to vector<16x7168xf32>
    %concatenate3A_316 = tpu.concatenate %slice3A_314, %slice3A_315 in 0 : vector<16x7168xf32>, vector<16x7168xf32> -> vector<32x7168xf32>
    %and3A_317 = arith.constant 16 : i32
    %and3A_318 = vector.broadcast %and3A_317 : i32 to vector<32x1xi32>
    %and3A_319 = arith.andi %iota3A, %and3A_318 : vector<32x1xi32>
    %ne3A_320 = arith.constant 0 : i32
    %ne3A_321 = vector.broadcast %ne3A_320 : i32 to vector<32x1xi32>
    %ne3A_322 = arith.cmpi ne, %and3A_319, %ne3A_321 : vector<32x1xi32>
    %broadcast_in_dim3A_323 = vector.shape_cast %ne3A_322 : vector<32x1xi1> to vector<32x1xi1>
    %broadcast_in_dim3A_324 = vector.broadcast %broadcast_in_dim3A_323 : vector<32x1xi1> to vector<32x7168xi1>
    %select_n3A_325 = arith.select %broadcast_in_dim3A_324, %concatenate3A_313, %concatenate3A_316 : vector<32x7168xi1>, vector<32x7168xf32>
    %and3A_326 = arith.constant 32 : i32
    %and3A_327 = vector.broadcast %and3A_326 : i32 to vector<32x1xi32>
    %and3A_328 = arith.andi %iota3A, %and3A_327 : vector<32x1xi32>
    %eq3A_329 = arith.constant 0 : i32
    %eq3A_330 = vector.broadcast %eq3A_329 : i32 to vector<32x1xi32>
    %eq3A_331 = arith.cmpi eq, %and3A_328, %eq3A_330 : vector<32x1xi32>
    %ne3A_332 = arith.xori %ne3A_322, %eq3A_331 : vector<32x1xi1>
    %min3A_333 = arith.minimumf %select_n3A_310, %select_n3A_325 : vector<32x7168xf32>
    %max3A_334 = arith.maximumf %select_n3A_310, %select_n3A_325 : vector<32x7168xf32>
    %broadcast_in_dim3A_335 = vector.shape_cast %ne3A_332 : vector<32x1xi1> to vector<32x1xi1>
    %broadcast_in_dim3A_336 = vector.broadcast %broadcast_in_dim3A_335 : vector<32x1xi1> to vector<32x7168xi1>
    %select_n3A_337 = arith.select %broadcast_in_dim3A_336, %min3A_333, %max3A_334 : vector<32x7168xi1>, vector<32x7168xf32>
    %slice3A_338 = vector.extract_strided_slice %select_n3A_337 {offsets = [24, 0], sizes = [8, 7168], strides = [1, 1]} : vector<32x7168xf32> to vector<8x7168xf32>
    %slice3A_339 = vector.extract_strided_slice %select_n3A_337 {offsets = [0, 0], sizes = [24, 7168], strides = [1, 1]} : vector<32x7168xf32> to vector<24x7168xf32>
    %concatenate3A_340 = tpu.concatenate %slice3A_338, %slice3A_339 in 0 : vector<8x7168xf32>, vector<24x7168xf32> -> vector<32x7168xf32>
    %slice3A_341 = vector.extract_strided_slice %select_n3A_337 {offsets = [8, 0], sizes = [24, 7168], strides = [1, 1]} : vector<32x7168xf32> to vector<24x7168xf32>
    %slice3A_342 = vector.extract_strided_slice %select_n3A_337 {offsets = [0, 0], sizes = [8, 7168], strides = [1, 1]} : vector<32x7168xf32> to vector<8x7168xf32>
    %concatenate3A_343 = tpu.concatenate %slice3A_341, %slice3A_342 in 0 : vector<24x7168xf32>, vector<8x7168xf32> -> vector<32x7168xf32>
    %and3A_344 = arith.constant 8 : i32
    %and3A_345 = vector.broadcast %and3A_344 : i32 to vector<32x1xi32>
    %and3A_346 = arith.andi %iota3A, %and3A_345 : vector<32x1xi32>
    %ne3A_347 = arith.constant 0 : i32
    %ne3A_348 = vector.broadcast %ne3A_347 : i32 to vector<32x1xi32>
    %ne3A_349 = arith.cmpi ne, %and3A_346, %ne3A_348 : vector<32x1xi32>
    %broadcast_in_dim3A_350 = vector.shape_cast %ne3A_349 : vector<32x1xi1> to vector<32x1xi1>
    %broadcast_in_dim3A_351 = vector.broadcast %broadcast_in_dim3A_350 : vector<32x1xi1> to vector<32x7168xi1>
    %select_n3A_352 = arith.select %broadcast_in_dim3A_351, %concatenate3A_340, %concatenate3A_343 : vector<32x7168xi1>, vector<32x7168xf32>
    %and3A_353 = arith.constant 32 : i32
    %and3A_354 = vector.broadcast %and3A_353 : i32 to vector<32x1xi32>
    %and3A_355 = arith.andi %iota3A, %and3A_354 : vector<32x1xi32>
    %eq3A_356 = arith.constant 0 : i32
    %eq3A_357 = vector.broadcast %eq3A_356 : i32 to vector<32x1xi32>
    %eq3A_358 = arith.cmpi eq, %and3A_355, %eq3A_357 : vector<32x1xi32>
    %ne3A_359 = arith.xori %ne3A_349, %eq3A_358 : vector<32x1xi1>
    %min3A_360 = arith.minimumf %select_n3A_337, %select_n3A_352 : vector<32x7168xf32>
    %max3A_361 = arith.maximumf %select_n3A_337, %select_n3A_352 : vector<32x7168xf32>
    %broadcast_in_dim3A_362 = vector.shape_cast %ne3A_359 : vector<32x1xi1> to vector<32x1xi1>
    %broadcast_in_dim3A_363 = vector.broadcast %broadcast_in_dim3A_362 : vector<32x1xi1> to vector<32x7168xi1>
    %select_n3A_364 = arith.select %broadcast_in_dim3A_363, %min3A_360, %max3A_361 : vector<32x7168xi1>, vector<32x7168xf32>
    %slice3A_365 = vector.extract_strided_slice %select_n3A_364 {offsets = [28, 0], sizes = [4, 7168], strides = [1, 1]} : vector<32x7168xf32> to vector<4x7168xf32>
    %slice3A_366 = vector.extract_strided_slice %select_n3A_364 {offsets = [0, 0], sizes = [28, 7168], strides = [1, 1]} : vector<32x7168xf32> to vector<28x7168xf32>
    %concatenate3A_367 = tpu.concatenate %slice3A_365, %slice3A_366 in 0 : vector<4x7168xf32>, vector<28x7168xf32> -> vector<32x7168xf32>
    %slice3A_368 = vector.extract_strided_slice %select_n3A_364 {offsets = [4, 0], sizes = [28, 7168], strides = [1, 1]} : vector<32x7168xf32> to vector<28x7168xf32>
    %slice3A_369 = vector.extract_strided_slice %select_n3A_364 {offsets = [0, 0], sizes = [4, 7168], strides = [1, 1]} : vector<32x7168xf32> to vector<4x7168xf32>
    %concatenate3A_370 = tpu.concatenate %slice3A_368, %slice3A_369 in 0 : vector<28x7168xf32>, vector<4x7168xf32> -> vector<32x7168xf32>
    %and3A_371 = arith.constant 4 : i32
    %and3A_372 = vector.broadcast %and3A_371 : i32 to vector<32x1xi32>
    %and3A_373 = arith.andi %iota3A, %and3A_372 : vector<32x1xi32>
    %ne3A_374 = arith.constant 0 : i32
    %ne3A_375 = vector.broadcast %ne3A_374 : i32 to vector<32x1xi32>
    %ne3A_376 = arith.cmpi ne, %and3A_373, %ne3A_375 : vector<32x1xi32>
    %broadcast_in_dim3A_377 = vector.shape_cast %ne3A_376 : vector<32x1xi1> to vector<32x1xi1>
    %broadcast_in_dim3A_378 = vector.broadcast %broadcast_in_dim3A_377 : vector<32x1xi1> to vector<32x7168xi1>
    %select_n3A_379 = arith.select %broadcast_in_dim3A_378, %concatenate3A_367, %concatenate3A_370 : vector<32x7168xi1>, vector<32x7168xf32>
    %and3A_380 = arith.constant 32 : i32
    %and3A_381 = vector.broadcast %and3A_380 : i32 to vector<32x1xi32>
    %and3A_382 = arith.andi %iota3A, %and3A_381 : vector<32x1xi32>
    %eq3A_383 = arith.constant 0 : i32
    %eq3A_384 = vector.broadcast %eq3A_383 : i32 to vector<32x1xi32>
    %eq3A_385 = arith.cmpi eq, %and3A_382, %eq3A_384 : vector<32x1xi32>
    %ne3A_386 = arith.xori %ne3A_376, %eq3A_385 : vector<32x1xi1>
    %min3A_387 = arith.minimumf %select_n3A_364, %select_n3A_379 : vector<32x7168xf32>
    %max3A_388 = arith.maximumf %select_n3A_364, %select_n3A_379 : vector<32x7168xf32>
    %broadcast_in_dim3A_389 = vector.shape_cast %ne3A_386 : vector<32x1xi1> to vector<32x1xi1>
    %broadcast_in_dim3A_390 = vector.broadcast %broadcast_in_dim3A_389 : vector<32x1xi1> to vector<32x7168xi1>
    %select_n3A_391 = arith.select %broadcast_in_dim3A_390, %min3A_387, %max3A_388 : vector<32x7168xi1>, vector<32x7168xf32>
    %slice3A_392 = vector.extract_strided_slice %select_n3A_391 {offsets = [30, 0], sizes = [2, 7168], strides = [1, 1]} : vector<32x7168xf32> to vector<2x7168xf32>
    %slice3A_393 = vector.extract_strided_slice %select_n3A_391 {offsets = [0, 0], sizes = [30, 7168], strides = [1, 1]} : vector<32x7168xf32> to vector<30x7168xf32>
    %concatenate3A_394 = tpu.concatenate %slice3A_392, %slice3A_393 in 0 : vector<2x7168xf32>, vector<30x7168xf32> -> vector<32x7168xf32>
    %slice3A_395 = vector.extract_strided_slice %select_n3A_391 {offsets = [2, 0], sizes = [30, 7168], strides = [1, 1]} : vector<32x7168xf32> to vector<30x7168xf32>
    %slice3A_396 = vector.extract_strided_slice %select_n3A_391 {offsets = [0, 0], sizes = [2, 7168], strides = [1, 1]} : vector<32x7168xf32> to vector<2x7168xf32>
    %concatenate3A_397 = tpu.concatenate %slice3A_395, %slice3A_396 in 0 : vector<30x7168xf32>, vector<2x7168xf32> -> vector<32x7168xf32>
    %and3A_398 = arith.constant 2 : i32
    %and3A_399 = vector.broadcast %and3A_398 : i32 to vector<32x1xi32>
    %and3A_400 = arith.andi %iota3A, %and3A_399 : vector<32x1xi32>
    %ne3A_401 = arith.constant 0 : i32
    %ne3A_402 = vector.broadcast %ne3A_401 : i32 to vector<32x1xi32>
    %ne3A_403 = arith.cmpi ne, %and3A_400, %ne3A_402 : vector<32x1xi32>
    %broadcast_in_dim3A_404 = vector.shape_cast %ne3A_403 : vector<32x1xi1> to vector<32x1xi1>
    %broadcast_in_dim3A_405 = vector.broadcast %broadcast_in_dim3A_404 : vector<32x1xi1> to vector<32x7168xi1>
    %select_n3A_406 = arith.select %broadcast_in_dim3A_405, %concatenate3A_394, %concatenate3A_397 : vector<32x7168xi1>, vector<32x7168xf32>
    %and3A_407 = arith.constant 32 : i32
    %and3A_408 = vector.broadcast %and3A_407 : i32 to vector<32x1xi32>
    %and3A_409 = arith.andi %iota3A, %and3A_408 : vector<32x1xi32>
    %eq3A_410 = arith.constant 0 : i32
    %eq3A_411 = vector.broadcast %eq3A_410 : i32 to vector<32x1xi32>
    %eq3A_412 = arith.cmpi eq, %and3A_409, %eq3A_411 : vector<32x1xi32>
    %ne3A_413 = arith.xori %ne3A_403, %eq3A_412 : vector<32x1xi1>
    %min3A_414 = arith.minimumf %select_n3A_391, %select_n3A_406 : vector<32x7168xf32>
    %max3A_415 = arith.maximumf %select_n3A_391, %select_n3A_406 : vector<32x7168xf32>
    %broadcast_in_dim3A_416 = vector.shape_cast %ne3A_413 : vector<32x1xi1> to vector<32x1xi1>
    %broadcast_in_dim3A_417 = vector.broadcast %broadcast_in_dim3A_416 : vector<32x1xi1> to vector<32x7168xi1>
    %select_n3A_418 = arith.select %broadcast_in_dim3A_417, %min3A_414, %max3A_415 : vector<32x7168xi1>, vector<32x7168xf32>
    %slice3A_419 = vector.extract_strided_slice %select_n3A_418 {offsets = [31, 0], sizes = [1, 7168], strides = [1, 1]} : vector<32x7168xf32> to vector<1x7168xf32>
    %slice3A_420 = vector.extract_strided_slice %select_n3A_418 {offsets = [0, 0], sizes = [31, 7168], strides = [1, 1]} : vector<32x7168xf32> to vector<31x7168xf32>
    %concatenate3A_421 = tpu.concatenate %slice3A_419, %slice3A_420 in 0 : vector<1x7168xf32>, vector<31x7168xf32> -> vector<32x7168xf32>
    %slice3A_422 = vector.extract_strided_slice %select_n3A_418 {offsets = [1, 0], sizes = [31, 7168], strides = [1, 1]} : vector<32x7168xf32> to vector<31x7168xf32>
    %slice3A_423 = vector.extract_strided_slice %select_n3A_418 {offsets = [0, 0], sizes = [1, 7168], strides = [1, 1]} : vector<32x7168xf32> to vector<1x7168xf32>
    %concatenate3A_424 = tpu.concatenate %slice3A_422, %slice3A_423 in 0 : vector<31x7168xf32>, vector<1x7168xf32> -> vector<32x7168xf32>
    %and3A_425 = arith.constant 1 : i32
    %and3A_426 = vector.broadcast %and3A_425 : i32 to vector<32x1xi32>
    %and3A_427 = arith.andi %iota3A, %and3A_426 : vector<32x1xi32>
    %ne3A_428 = arith.constant 0 : i32
    %ne3A_429 = vector.broadcast %ne3A_428 : i32 to vector<32x1xi32>
    %ne3A_430 = arith.cmpi ne, %and3A_427, %ne3A_429 : vector<32x1xi32>
    %broadcast_in_dim3A_431 = vector.shape_cast %ne3A_430 : vector<32x1xi1> to vector<32x1xi1>
    %broadcast_in_dim3A_432 = vector.broadcast %broadcast_in_dim3A_431 : vector<32x1xi1> to vector<32x7168xi1>
    %select_n3A_433 = arith.select %broadcast_in_dim3A_432, %concatenate3A_421, %concatenate3A_424 : vector<32x7168xi1>, vector<32x7168xf32>
    %and3A_434 = arith.constant 32 : i32
    %and3A_435 = vector.broadcast %and3A_434 : i32 to vector<32x1xi32>
    %and3A_436 = arith.andi %iota3A, %and3A_435 : vector<32x1xi32>
    %eq3A_437 = arith.constant 0 : i32
    %eq3A_438 = vector.broadcast %eq3A_437 : i32 to vector<32x1xi32>
    %eq3A_439 = arith.cmpi eq, %and3A_436, %eq3A_438 : vector<32x1xi32>
    %ne3A_440 = arith.xori %ne3A_430, %eq3A_439 : vector<32x1xi1>
    %min3A_441 = arith.minimumf %select_n3A_418, %select_n3A_433 : vector<32x7168xf32>
    %max3A_442 = arith.maximumf %select_n3A_418, %select_n3A_433 : vector<32x7168xf32>
    %broadcast_in_dim3A_443 = vector.shape_cast %ne3A_440 : vector<32x1xi1> to vector<32x1xi1>
    %broadcast_in_dim3A_444 = vector.broadcast %broadcast_in_dim3A_443 : vector<32x1xi1> to vector<32x7168xi1>
    %select_n3A_445 = arith.select %broadcast_in_dim3A_444, %min3A_441, %max3A_442 : vector<32x7168xi1>, vector<32x7168xf32>
    %slice3A_446 = vector.extract_strided_slice %select_n3A_445 {offsets = [31, 0], sizes = [1, 7168], strides = [1, 1]} : vector<32x7168xf32> to vector<1x7168xf32>
    %slice3A_447 = vector.extract_strided_slice %select_n3A_445 {offsets = [0, 0], sizes = [1, 7168], strides = [1, 1]} : vector<32x7168xf32> to vector<1x7168xf32>
    %slice3A_448 = vector.extract_strided_slice %select_n3A_445 {offsets = [15, 0], sizes = [1, 7168], strides = [1, 1]} : vector<32x7168xf32> to vector<1x7168xf32>
    %sub3A_449 = vector.broadcast %slice3A_448 : vector<1x7168xf32> to vector<32x7168xf32>
    %sub3A_450 = arith.subf %get3A_3, %sub3A_449 : vector<32x7168xf32>
    %abs3A = math.absf %sub3A_450 : vector<32x7168xf32>
    %iota3A_451 = tpu.iota {dimensions = array<i32: 0>} : vector<32x1xi32>
    %slice3A_452 = vector.extract_strided_slice %abs3A {offsets = [31, 0], sizes = [1, 7168], strides = [1, 1]} : vector<32x7168xf32> to vector<1x7168xf32>
    %slice3A_453 = vector.extract_strided_slice %abs3A {offsets = [0, 0], sizes = [31, 7168], strides = [1, 1]} : vector<32x7168xf32> to vector<31x7168xf32>
    %concatenate3A_454 = tpu.concatenate %slice3A_452, %slice3A_453 in 0 : vector<1x7168xf32>, vector<31x7168xf32> -> vector<32x7168xf32>
    %slice3A_455 = vector.extract_strided_slice %abs3A {offsets = [1, 0], sizes = [31, 7168], strides = [1, 1]} : vector<32x7168xf32> to vector<31x7168xf32>
    %slice3A_456 = vector.extract_strided_slice %abs3A {offsets = [0, 0], sizes = [1, 7168], strides = [1, 1]} : vector<32x7168xf32> to vector<1x7168xf32>
    %concatenate3A_457 = tpu.concatenate %slice3A_455, %slice3A_456 in 0 : vector<31x7168xf32>, vector<1x7168xf32> -> vector<32x7168xf32>
    %and3A_458 = arith.constant 1 : i32
    %and3A_459 = vector.broadcast %and3A_458 : i32 to vector<32x1xi32>
    %and3A_460 = arith.andi %iota3A_451, %and3A_459 : vector<32x1xi32>
    %ne3A_461 = arith.constant 0 : i32
    %ne3A_462 = vector.broadcast %ne3A_461 : i32 to vector<32x1xi32>
    %ne3A_463 = arith.cmpi ne, %and3A_460, %ne3A_462 : vector<32x1xi32>
    %broadcast_in_dim3A_464 = vector.shape_cast %ne3A_463 : vector<32x1xi1> to vector<32x1xi1>
    %broadcast_in_dim3A_465 = vector.broadcast %broadcast_in_dim3A_464 : vector<32x1xi1> to vector<32x7168xi1>
    %select_n3A_466 = arith.select %broadcast_in_dim3A_465, %concatenate3A_454, %concatenate3A_457 : vector<32x7168xi1>, vector<32x7168xf32>
    %and3A_467 = arith.constant 2 : i32
    %and3A_468 = vector.broadcast %and3A_467 : i32 to vector<32x1xi32>
    %and3A_469 = arith.andi %iota3A_451, %and3A_468 : vector<32x1xi32>
    %eq3A_470 = arith.constant 0 : i32
    %eq3A_471 = vector.broadcast %eq3A_470 : i32 to vector<32x1xi32>
    %eq3A_472 = arith.cmpi eq, %and3A_469, %eq3A_471 : vector<32x1xi32>
    %ne3A_473 = arith.xori %ne3A_463, %eq3A_472 : vector<32x1xi1>
    %min3A_474 = arith.minimumf %abs3A, %select_n3A_466 : vector<32x7168xf32>
    %max3A_475 = arith.maximumf %abs3A, %select_n3A_466 : vector<32x7168xf32>
    %broadcast_in_dim3A_476 = vector.shape_cast %ne3A_473 : vector<32x1xi1> to vector<32x1xi1>
    %broadcast_in_dim3A_477 = vector.broadcast %broadcast_in_dim3A_476 : vector<32x1xi1> to vector<32x7168xi1>
    %select_n3A_478 = arith.select %broadcast_in_dim3A_477, %min3A_474, %max3A_475 : vector<32x7168xi1>, vector<32x7168xf32>
    %slice3A_479 = vector.extract_strided_slice %select_n3A_478 {offsets = [30, 0], sizes = [2, 7168], strides = [1, 1]} : vector<32x7168xf32> to vector<2x7168xf32>
    %slice3A_480 = vector.extract_strided_slice %select_n3A_478 {offsets = [0, 0], sizes = [30, 7168], strides = [1, 1]} : vector<32x7168xf32> to vector<30x7168xf32>
    %concatenate3A_481 = tpu.concatenate %slice3A_479, %slice3A_480 in 0 : vector<2x7168xf32>, vector<30x7168xf32> -> vector<32x7168xf32>
    %slice3A_482 = vector.extract_strided_slice %select_n3A_478 {offsets = [2, 0], sizes = [30, 7168], strides = [1, 1]} : vector<32x7168xf32> to vector<30x7168xf32>
    %slice3A_483 = vector.extract_strided_slice %select_n3A_478 {offsets = [0, 0], sizes = [2, 7168], strides = [1, 1]} : vector<32x7168xf32> to vector<2x7168xf32>
    %concatenate3A_484 = tpu.concatenate %slice3A_482, %slice3A_483 in 0 : vector<30x7168xf32>, vector<2x7168xf32> -> vector<32x7168xf32>
    %and3A_485 = arith.constant 2 : i32
    %and3A_486 = vector.broadcast %and3A_485 : i32 to vector<32x1xi32>
    %and3A_487 = arith.andi %iota3A_451, %and3A_486 : vector<32x1xi32>
    %ne3A_488 = arith.constant 0 : i32
    %ne3A_489 = vector.broadcast %ne3A_488 : i32 to vector<32x1xi32>
    %ne3A_490 = arith.cmpi ne, %and3A_487, %ne3A_489 : vector<32x1xi32>
    %broadcast_in_dim3A_491 = vector.shape_cast %ne3A_490 : vector<32x1xi1> to vector<32x1xi1>
    %broadcast_in_dim3A_492 = vector.broadcast %broadcast_in_dim3A_491 : vector<32x1xi1> to vector<32x7168xi1>
    %select_n3A_493 = arith.select %broadcast_in_dim3A_492, %concatenate3A_481, %concatenate3A_484 : vector<32x7168xi1>, vector<32x7168xf32>
    %and3A_494 = arith.constant 4 : i32
    %and3A_495 = vector.broadcast %and3A_494 : i32 to vector<32x1xi32>
    %and3A_496 = arith.andi %iota3A_451, %and3A_495 : vector<32x1xi32>
    %eq3A_497 = arith.constant 0 : i32
    %eq3A_498 = vector.broadcast %eq3A_497 : i32 to vector<32x1xi32>
    %eq3A_499 = arith.cmpi eq, %and3A_496, %eq3A_498 : vector<32x1xi32>
    %ne3A_500 = arith.xori %ne3A_490, %eq3A_499 : vector<32x1xi1>
    %min3A_501 = arith.minimumf %select_n3A_478, %select_n3A_493 : vector<32x7168xf32>
    %max3A_502 = arith.maximumf %select_n3A_478, %select_n3A_493 : vector<32x7168xf32>
    %broadcast_in_dim3A_503 = vector.shape_cast %ne3A_500 : vector<32x1xi1> to vector<32x1xi1>
    %broadcast_in_dim3A_504 = vector.broadcast %broadcast_in_dim3A_503 : vector<32x1xi1> to vector<32x7168xi1>
    %select_n3A_505 = arith.select %broadcast_in_dim3A_504, %min3A_501, %max3A_502 : vector<32x7168xi1>, vector<32x7168xf32>
    %slice3A_506 = vector.extract_strided_slice %select_n3A_505 {offsets = [31, 0], sizes = [1, 7168], strides = [1, 1]} : vector<32x7168xf32> to vector<1x7168xf32>
    %slice3A_507 = vector.extract_strided_slice %select_n3A_505 {offsets = [0, 0], sizes = [31, 7168], strides = [1, 1]} : vector<32x7168xf32> to vector<31x7168xf32>
    %concatenate3A_508 = tpu.concatenate %slice3A_506, %slice3A_507 in 0 : vector<1x7168xf32>, vector<31x7168xf32> -> vector<32x7168xf32>
    %slice3A_509 = vector.extract_strided_slice %select_n3A_505 {offsets = [1, 0], sizes = [31, 7168], strides = [1, 1]} : vector<32x7168xf32> to vector<31x7168xf32>
    %slice3A_510 = vector.extract_strided_slice %select_n3A_505 {offsets = [0, 0], sizes = [1, 7168], strides = [1, 1]} : vector<32x7168xf32> to vector<1x7168xf32>
    %concatenate3A_511 = tpu.concatenate %slice3A_509, %slice3A_510 in 0 : vector<31x7168xf32>, vector<1x7168xf32> -> vector<32x7168xf32>
    %and3A_512 = arith.constant 1 : i32
    %and3A_513 = vector.broadcast %and3A_512 : i32 to vector<32x1xi32>
    %and3A_514 = arith.andi %iota3A_451, %and3A_513 : vector<32x1xi32>
    %ne3A_515 = arith.constant 0 : i32
    %ne3A_516 = vector.broadcast %ne3A_515 : i32 to vector<32x1xi32>
    %ne3A_517 = arith.cmpi ne, %and3A_514, %ne3A_516 : vector<32x1xi32>
    %broadcast_in_dim3A_518 = vector.shape_cast %ne3A_517 : vector<32x1xi1> to vector<32x1xi1>
    %broadcast_in_dim3A_519 = vector.broadcast %broadcast_in_dim3A_518 : vector<32x1xi1> to vector<32x7168xi1>
    %select_n3A_520 = arith.select %broadcast_in_dim3A_519, %concatenate3A_508, %concatenate3A_511 : vector<32x7168xi1>, vector<32x7168xf32>
    %and3A_521 = arith.constant 4 : i32
    %and3A_522 = vector.broadcast %and3A_521 : i32 to vector<32x1xi32>
    %and3A_523 = arith.andi %iota3A_451, %and3A_522 : vector<32x1xi32>
    %eq3A_524 = arith.constant 0 : i32
    %eq3A_525 = vector.broadcast %eq3A_524 : i32 to vector<32x1xi32>
    %eq3A_526 = arith.cmpi eq, %and3A_523, %eq3A_525 : vector<32x1xi32>
    %ne3A_527 = arith.xori %ne3A_517, %eq3A_526 : vector<32x1xi1>
    %min3A_528 = arith.minimumf %select_n3A_505, %select_n3A_520 : vector<32x7168xf32>
    %max3A_529 = arith.maximumf %select_n3A_505, %select_n3A_520 : vector<32x7168xf32>
    %broadcast_in_dim3A_530 = vector.shape_cast %ne3A_527 : vector<32x1xi1> to vector<32x1xi1>
    %broadcast_in_dim3A_531 = vector.broadcast %broadcast_in_dim3A_530 : vector<32x1xi1> to vector<32x7168xi1>
    %select_n3A_532 = arith.select %broadcast_in_dim3A_531, %min3A_528, %max3A_529 : vector<32x7168xi1>, vector<32x7168xf32>
    %slice3A_533 = vector.extract_strided_slice %select_n3A_532 {offsets = [28, 0], sizes = [4, 7168], strides = [1, 1]} : vector<32x7168xf32> to vector<4x7168xf32>
    %slice3A_534 = vector.extract_strided_slice %select_n3A_532 {offsets = [0, 0], sizes = [28, 7168], strides = [1, 1]} : vector<32x7168xf32> to vector<28x7168xf32>
    %concatenate3A_535 = tpu.concatenate %slice3A_533, %slice3A_534 in 0 : vector<4x7168xf32>, vector<28x7168xf32> -> vector<32x7168xf32>
    %slice3A_536 = vector.extract_strided_slice %select_n3A_532 {offsets = [4, 0], sizes = [28, 7168], strides = [1, 1]} : vector<32x7168xf32> to vector<28x7168xf32>
    %slice3A_537 = vector.extract_strided_slice %select_n3A_532 {offsets = [0, 0], sizes = [4, 7168], strides = [1, 1]} : vector<32x7168xf32> to vector<4x7168xf32>
    %concatenate3A_538 = tpu.concatenate %slice3A_536, %slice3A_537 in 0 : vector<28x7168xf32>, vector<4x7168xf32> -> vector<32x7168xf32>
    %and3A_539 = arith.constant 4 : i32
    %and3A_540 = vector.broadcast %and3A_539 : i32 to vector<32x1xi32>
    %and3A_541 = arith.andi %iota3A_451, %and3A_540 : vector<32x1xi32>
    %ne3A_542 = arith.constant 0 : i32
    %ne3A_543 = vector.broadcast %ne3A_542 : i32 to vector<32x1xi32>
    %ne3A_544 = arith.cmpi ne, %and3A_541, %ne3A_543 : vector<32x1xi32>
    %broadcast_in_dim3A_545 = vector.shape_cast %ne3A_544 : vector<32x1xi1> to vector<32x1xi1>
    %broadcast_in_dim3A_546 = vector.broadcast %broadcast_in_dim3A_545 : vector<32x1xi1> to vector<32x7168xi1>
    %select_n3A_547 = arith.select %broadcast_in_dim3A_546, %concatenate3A_535, %concatenate3A_538 : vector<32x7168xi1>, vector<32x7168xf32>
    %and3A_548 = arith.constant 8 : i32
    %and3A_549 = vector.broadcast %and3A_548 : i32 to vector<32x1xi32>
    %and3A_550 = arith.andi %iota3A_451, %and3A_549 : vector<32x1xi32>
    %eq3A_551 = arith.constant 0 : i32
    %eq3A_552 = vector.broadcast %eq3A_551 : i32 to vector<32x1xi32>
    %eq3A_553 = arith.cmpi eq, %and3A_550, %eq3A_552 : vector<32x1xi32>
    %ne3A_554 = arith.xori %ne3A_544, %eq3A_553 : vector<32x1xi1>
    %min3A_555 = arith.minimumf %select_n3A_532, %select_n3A_547 : vector<32x7168xf32>
    %max3A_556 = arith.maximumf %select_n3A_532, %select_n3A_547 : vector<32x7168xf32>
    %broadcast_in_dim3A_557 = vector.shape_cast %ne3A_554 : vector<32x1xi1> to vector<32x1xi1>
    %broadcast_in_dim3A_558 = vector.broadcast %broadcast_in_dim3A_557 : vector<32x1xi1> to vector<32x7168xi1>
    %select_n3A_559 = arith.select %broadcast_in_dim3A_558, %min3A_555, %max3A_556 : vector<32x7168xi1>, vector<32x7168xf32>
    %slice3A_560 = vector.extract_strided_slice %select_n3A_559 {offsets = [30, 0], sizes = [2, 7168], strides = [1, 1]} : vector<32x7168xf32> to vector<2x7168xf32>
    %slice3A_561 = vector.extract_strided_slice %select_n3A_559 {offsets = [0, 0], sizes = [30, 7168], strides = [1, 1]} : vector<32x7168xf32> to vector<30x7168xf32>
    %concatenate3A_562 = tpu.concatenate %slice3A_560, %slice3A_561 in 0 : vector<2x7168xf32>, vector<30x7168xf32> -> vector<32x7168xf32>
    %slice3A_563 = vector.extract_strided_slice %select_n3A_559 {offsets = [2, 0], sizes = [30, 7168], strides = [1, 1]} : vector<32x7168xf32> to vector<30x7168xf32>
    %slice3A_564 = vector.extract_strided_slice %select_n3A_559 {offsets = [0, 0], sizes = [2, 7168], strides = [1, 1]} : vector<32x7168xf32> to vector<2x7168xf32>
    %concatenate3A_565 = tpu.concatenate %slice3A_563, %slice3A_564 in 0 : vector<30x7168xf32>, vector<2x7168xf32> -> vector<32x7168xf32>
    %and3A_566 = arith.constant 2 : i32
    %and3A_567 = vector.broadcast %and3A_566 : i32 to vector<32x1xi32>
    %and3A_568 = arith.andi %iota3A_451, %and3A_567 : vector<32x1xi32>
    %ne3A_569 = arith.constant 0 : i32
    %ne3A_570 = vector.broadcast %ne3A_569 : i32 to vector<32x1xi32>
    %ne3A_571 = arith.cmpi ne, %and3A_568, %ne3A_570 : vector<32x1xi32>
    %broadcast_in_dim3A_572 = vector.shape_cast %ne3A_571 : vector<32x1xi1> to vector<32x1xi1>
    %broadcast_in_dim3A_573 = vector.broadcast %broadcast_in_dim3A_572 : vector<32x1xi1> to vector<32x7168xi1>
    %select_n3A_574 = arith.select %broadcast_in_dim3A_573, %concatenate3A_562, %concatenate3A_565 : vector<32x7168xi1>, vector<32x7168xf32>
    %and3A_575 = arith.constant 8 : i32
    %and3A_576 = vector.broadcast %and3A_575 : i32 to vector<32x1xi32>
    %and3A_577 = arith.andi %iota3A_451, %and3A_576 : vector<32x1xi32>
    %eq3A_578 = arith.constant 0 : i32
    %eq3A_579 = vector.broadcast %eq3A_578 : i32 to vector<32x1xi32>
    %eq3A_580 = arith.cmpi eq, %and3A_577, %eq3A_579 : vector<32x1xi32>
    %ne3A_581 = arith.xori %ne3A_571, %eq3A_580 : vector<32x1xi1>
    %min3A_582 = arith.minimumf %select_n3A_559, %select_n3A_574 : vector<32x7168xf32>
    %max3A_583 = arith.maximumf %select_n3A_559, %select_n3A_574 : vector<32x7168xf32>
    %broadcast_in_dim3A_584 = vector.shape_cast %ne3A_581 : vector<32x1xi1> to vector<32x1xi1>
    %broadcast_in_dim3A_585 = vector.broadcast %broadcast_in_dim3A_584 : vector<32x1xi1> to vector<32x7168xi1>
    %select_n3A_586 = arith.select %broadcast_in_dim3A_585, %min3A_582, %max3A_583 : vector<32x7168xi1>, vector<32x7168xf32>
    %slice3A_587 = vector.extract_strided_slice %select_n3A_586 {offsets = [31, 0], sizes = [1, 7168], strides = [1, 1]} : vector<32x7168xf32> to vector<1x7168xf32>
    %slice3A_588 = vector.extract_strided_slice %select_n3A_586 {offsets = [0, 0], sizes = [31, 7168], strides = [1, 1]} : vector<32x7168xf32> to vector<31x7168xf32>
    %concatenate3A_589 = tpu.concatenate %slice3A_587, %slice3A_588 in 0 : vector<1x7168xf32>, vector<31x7168xf32> -> vector<32x7168xf32>
    %slice3A_590 = vector.extract_strided_slice %select_n3A_586 {offsets = [1, 0], sizes = [31, 7168], strides = [1, 1]} : vector<32x7168xf32> to vector<31x7168xf32>
    %slice3A_591 = vector.extract_strided_slice %select_n3A_586 {offsets = [0, 0], sizes = [1, 7168], strides = [1, 1]} : vector<32x7168xf32> to vector<1x7168xf32>
    %concatenate3A_592 = tpu.concatenate %slice3A_590, %slice3A_591 in 0 : vector<31x7168xf32>, vector<1x7168xf32> -> vector<32x7168xf32>
    %and3A_593 = arith.constant 1 : i32
    %and3A_594 = vector.broadcast %and3A_593 : i32 to vector<32x1xi32>
    %and3A_595 = arith.andi %iota3A_451, %and3A_594 : vector<32x1xi32>
    %ne3A_596 = arith.constant 0 : i32
    %ne3A_597 = vector.broadcast %ne3A_596 : i32 to vector<32x1xi32>
    %ne3A_598 = arith.cmpi ne, %and3A_595, %ne3A_597 : vector<32x1xi32>
    %broadcast_in_dim3A_599 = vector.shape_cast %ne3A_598 : vector<32x1xi1> to vector<32x1xi1>
    %broadcast_in_dim3A_600 = vector.broadcast %broadcast_in_dim3A_599 : vector<32x1xi1> to vector<32x7168xi1>
    %select_n3A_601 = arith.select %broadcast_in_dim3A_600, %concatenate3A_589, %concatenate3A_592 : vector<32x7168xi1>, vector<32x7168xf32>
    %and3A_602 = arith.constant 8 : i32
    %and3A_603 = vector.broadcast %and3A_602 : i32 to vector<32x1xi32>
    %and3A_604 = arith.andi %iota3A_451, %and3A_603 : vector<32x1xi32>
    %eq3A_605 = arith.constant 0 : i32
    %eq3A_606 = vector.broadcast %eq3A_605 : i32 to vector<32x1xi32>
    %eq3A_607 = arith.cmpi eq, %and3A_604, %eq3A_606 : vector<32x1xi32>
    %ne3A_608 = arith.xori %ne3A_598, %eq3A_607 : vector<32x1xi1>
    %min3A_609 = arith.minimumf %select_n3A_586, %select_n3A_601 : vector<32x7168xf32>
    %max3A_610 = arith.maximumf %select_n3A_586, %select_n3A_601 : vector<32x7168xf32>
    %broadcast_in_dim3A_611 = vector.shape_cast %ne3A_608 : vector<32x1xi1> to vector<32x1xi1>
    %broadcast_in_dim3A_612 = vector.broadcast %broadcast_in_dim3A_611 : vector<32x1xi1> to vector<32x7168xi1>
    %select_n3A_613 = arith.select %broadcast_in_dim3A_612, %min3A_609, %max3A_610 : vector<32x7168xi1>, vector<32x7168xf32>
    %slice3A_614 = vector.extract_strided_slice %select_n3A_613 {offsets = [24, 0], sizes = [8, 7168], strides = [1, 1]} : vector<32x7168xf32> to vector<8x7168xf32>
    %slice3A_615 = vector.extract_strided_slice %select_n3A_613 {offsets = [0, 0], sizes = [24, 7168], strides = [1, 1]} : vector<32x7168xf32> to vector<24x7168xf32>
    %concatenate3A_616 = tpu.concatenate %slice3A_614, %slice3A_615 in 0 : vector<8x7168xf32>, vector<24x7168xf32> -> vector<32x7168xf32>
    %slice3A_617 = vector.extract_strided_slice %select_n3A_613 {offsets = [8, 0], sizes = [24, 7168], strides = [1, 1]} : vector<32x7168xf32> to vector<24x7168xf32>
    %slice3A_618 = vector.extract_strided_slice %select_n3A_613 {offsets = [0, 0], sizes = [8, 7168], strides = [1, 1]} : vector<32x7168xf32> to vector<8x7168xf32>
    %concatenate3A_619 = tpu.concatenate %slice3A_617, %slice3A_618 in 0 : vector<24x7168xf32>, vector<8x7168xf32> -> vector<32x7168xf32>
    %and3A_620 = arith.constant 8 : i32
    %and3A_621 = vector.broadcast %and3A_620 : i32 to vector<32x1xi32>
    %and3A_622 = arith.andi %iota3A_451, %and3A_621 : vector<32x1xi32>
    %ne3A_623 = arith.constant 0 : i32
    %ne3A_624 = vector.broadcast %ne3A_623 : i32 to vector<32x1xi32>
    %ne3A_625 = arith.cmpi ne, %and3A_622, %ne3A_624 : vector<32x1xi32>
    %broadcast_in_dim3A_626 = vector.shape_cast %ne3A_625 : vector<32x1xi1> to vector<32x1xi1>
    %broadcast_in_dim3A_627 = vector.broadcast %broadcast_in_dim3A_626 : vector<32x1xi1> to vector<32x7168xi1>
    %select_n3A_628 = arith.select %broadcast_in_dim3A_627, %concatenate3A_616, %concatenate3A_619 : vector<32x7168xi1>, vector<32x7168xf32>
    %and3A_629 = arith.constant 16 : i32
    %and3A_630 = vector.broadcast %and3A_629 : i32 to vector<32x1xi32>
    %and3A_631 = arith.andi %iota3A_451, %and3A_630 : vector<32x1xi32>
    %eq3A_632 = arith.constant 0 : i32
    %eq3A_633 = vector.broadcast %eq3A_632 : i32 to vector<32x1xi32>
    %eq3A_634 = arith.cmpi eq, %and3A_631, %eq3A_633 : vector<32x1xi32>
    %ne3A_635 = arith.xori %ne3A_625, %eq3A_634 : vector<32x1xi1>
    %min3A_636 = arith.minimumf %select_n3A_613, %select_n3A_628 : vector<32x7168xf32>
    %max3A_637 = arith.maximumf %select_n3A_613, %select_n3A_628 : vector<32x7168xf32>
    %broadcast_in_dim3A_638 = vector.shape_cast %ne3A_635 : vector<32x1xi1> to vector<32x1xi1>
    %broadcast_in_dim3A_639 = vector.broadcast %broadcast_in_dim3A_638 : vector<32x1xi1> to vector<32x7168xi1>
    %select_n3A_640 = arith.select %broadcast_in_dim3A_639, %min3A_636, %max3A_637 : vector<32x7168xi1>, vector<32x7168xf32>
    %slice3A_641 = vector.extract_strided_slice %select_n3A_640 {offsets = [28, 0], sizes = [4, 7168], strides = [1, 1]} : vector<32x7168xf32> to vector<4x7168xf32>
    %slice3A_642 = vector.extract_strided_slice %select_n3A_640 {offsets = [0, 0], sizes = [28, 7168], strides = [1, 1]} : vector<32x7168xf32> to vector<28x7168xf32>
    %concatenate3A_643 = tpu.concatenate %slice3A_641, %slice3A_642 in 0 : vector<4x7168xf32>, vector<28x7168xf32> -> vector<32x7168xf32>
    %slice3A_644 = vector.extract_strided_slice %select_n3A_640 {offsets = [4, 0], sizes = [28, 7168], strides = [1, 1]} : vector<32x7168xf32> to vector<28x7168xf32>
    %slice3A_645 = vector.extract_strided_slice %select_n3A_640 {offsets = [0, 0], sizes = [4, 7168], strides = [1, 1]} : vector<32x7168xf32> to vector<4x7168xf32>
    %concatenate3A_646 = tpu.concatenate %slice3A_644, %slice3A_645 in 0 : vector<28x7168xf32>, vector<4x7168xf32> -> vector<32x7168xf32>
    %and3A_647 = arith.constant 4 : i32
    %and3A_648 = vector.broadcast %and3A_647 : i32 to vector<32x1xi32>
    %and3A_649 = arith.andi %iota3A_451, %and3A_648 : vector<32x1xi32>
    %ne3A_650 = arith.constant 0 : i32
    %ne3A_651 = vector.broadcast %ne3A_650 : i32 to vector<32x1xi32>
    %ne3A_652 = arith.cmpi ne, %and3A_649, %ne3A_651 : vector<32x1xi32>
    %broadcast_in_dim3A_653 = vector.shape_cast %ne3A_652 : vector<32x1xi1> to vector<32x1xi1>
    %broadcast_in_dim3A_654 = vector.broadcast %broadcast_in_dim3A_653 : vector<32x1xi1> to vector<32x7168xi1>
    %select_n3A_655 = arith.select %broadcast_in_dim3A_654, %concatenate3A_643, %concatenate3A_646 : vector<32x7168xi1>, vector<32x7168xf32>
    %and3A_656 = arith.constant 16 : i32
    %and3A_657 = vector.broadcast %and3A_656 : i32 to vector<32x1xi32>
    %and3A_658 = arith.andi %iota3A_451, %and3A_657 : vector<32x1xi32>
    %eq3A_659 = arith.constant 0 : i32
    %eq3A_660 = vector.broadcast %eq3A_659 : i32 to vector<32x1xi32>
    %eq3A_661 = arith.cmpi eq, %and3A_658, %eq3A_660 : vector<32x1xi32>
    %ne3A_662 = arith.xori %ne3A_652, %eq3A_661 : vector<32x1xi1>
    %min3A_663 = arith.minimumf %select_n3A_640, %select_n3A_655 : vector<32x7168xf32>
    %max3A_664 = arith.maximumf %select_n3A_640, %select_n3A_655 : vector<32x7168xf32>
    %broadcast_in_dim3A_665 = vector.shape_cast %ne3A_662 : vector<32x1xi1> to vector<32x1xi1>
    %broadcast_in_dim3A_666 = vector.broadcast %broadcast_in_dim3A_665 : vector<32x1xi1> to vector<32x7168xi1>
    %select_n3A_667 = arith.select %broadcast_in_dim3A_666, %min3A_663, %max3A_664 : vector<32x7168xi1>, vector<32x7168xf32>
    %slice3A_668 = vector.extract_strided_slice %select_n3A_667 {offsets = [30, 0], sizes = [2, 7168], strides = [1, 1]} : vector<32x7168xf32> to vector<2x7168xf32>
    %slice3A_669 = vector.extract_strided_slice %select_n3A_667 {offsets = [0, 0], sizes = [30, 7168], strides = [1, 1]} : vector<32x7168xf32> to vector<30x7168xf32>
    %concatenate3A_670 = tpu.concatenate %slice3A_668, %slice3A_669 in 0 : vector<2x7168xf32>, vector<30x7168xf32> -> vector<32x7168xf32>
    %slice3A_671 = vector.extract_strided_slice %select_n3A_667 {offsets = [2, 0], sizes = [30, 7168], strides = [1, 1]} : vector<32x7168xf32> to vector<30x7168xf32>
    %slice3A_672 = vector.extract_strided_slice %select_n3A_667 {offsets = [0, 0], sizes = [2, 7168], strides = [1, 1]} : vector<32x7168xf32> to vector<2x7168xf32>
    %concatenate3A_673 = tpu.concatenate %slice3A_671, %slice3A_672 in 0 : vector<30x7168xf32>, vector<2x7168xf32> -> vector<32x7168xf32>
    %and3A_674 = arith.constant 2 : i32
    %and3A_675 = vector.broadcast %and3A_674 : i32 to vector<32x1xi32>
    %and3A_676 = arith.andi %iota3A_451, %and3A_675 : vector<32x1xi32>
    %ne3A_677 = arith.constant 0 : i32
    %ne3A_678 = vector.broadcast %ne3A_677 : i32 to vector<32x1xi32>
    %ne3A_679 = arith.cmpi ne, %and3A_676, %ne3A_678 : vector<32x1xi32>
    %broadcast_in_dim3A_680 = vector.shape_cast %ne3A_679 : vector<32x1xi1> to vector<32x1xi1>
    %broadcast_in_dim3A_681 = vector.broadcast %broadcast_in_dim3A_680 : vector<32x1xi1> to vector<32x7168xi1>
    %select_n3A_682 = arith.select %broadcast_in_dim3A_681, %concatenate3A_670, %concatenate3A_673 : vector<32x7168xi1>, vector<32x7168xf32>
    %and3A_683 = arith.constant 16 : i32
    %and3A_684 = vector.broadcast %and3A_683 : i32 to vector<32x1xi32>
    %and3A_685 = arith.andi %iota3A_451, %and3A_684 : vector<32x1xi32>
    %eq3A_686 = arith.constant 0 : i32
    %eq3A_687 = vector.broadcast %eq3A_686 : i32 to vector<32x1xi32>
    %eq3A_688 = arith.cmpi eq, %and3A_685, %eq3A_687 : vector<32x1xi32>
    %ne3A_689 = arith.xori %ne3A_679, %eq3A_688 : vector<32x1xi1>
    %min3A_690 = arith.minimumf %select_n3A_667, %select_n3A_682 : vector<32x7168xf32>
    %max3A_691 = arith.maximumf %select_n3A_667, %select_n3A_682 : vector<32x7168xf32>
    %broadcast_in_dim3A_692 = vector.shape_cast %ne3A_689 : vector<32x1xi1> to vector<32x1xi1>
    %broadcast_in_dim3A_693 = vector.broadcast %broadcast_in_dim3A_692 : vector<32x1xi1> to vector<32x7168xi1>
    %select_n3A_694 = arith.select %broadcast_in_dim3A_693, %min3A_690, %max3A_691 : vector<32x7168xi1>, vector<32x7168xf32>
    %slice3A_695 = vector.extract_strided_slice %select_n3A_694 {offsets = [31, 0], sizes = [1, 7168], strides = [1, 1]} : vector<32x7168xf32> to vector<1x7168xf32>
    %slice3A_696 = vector.extract_strided_slice %select_n3A_694 {offsets = [0, 0], sizes = [31, 7168], strides = [1, 1]} : vector<32x7168xf32> to vector<31x7168xf32>
    %concatenate3A_697 = tpu.concatenate %slice3A_695, %slice3A_696 in 0 : vector<1x7168xf32>, vector<31x7168xf32> -> vector<32x7168xf32>
    %slice3A_698 = vector.extract_strided_slice %select_n3A_694 {offsets = [1, 0], sizes = [31, 7168], strides = [1, 1]} : vector<32x7168xf32> to vector<31x7168xf32>
    %slice3A_699 = vector.extract_strided_slice %select_n3A_694 {offsets = [0, 0], sizes = [1, 7168], strides = [1, 1]} : vector<32x7168xf32> to vector<1x7168xf32>
    %concatenate3A_700 = tpu.concatenate %slice3A_698, %slice3A_699 in 0 : vector<31x7168xf32>, vector<1x7168xf32> -> vector<32x7168xf32>
    %and3A_701 = arith.constant 1 : i32
    %and3A_702 = vector.broadcast %and3A_701 : i32 to vector<32x1xi32>
    %and3A_703 = arith.andi %iota3A_451, %and3A_702 : vector<32x1xi32>
    %ne3A_704 = arith.constant 0 : i32
    %ne3A_705 = vector.broadcast %ne3A_704 : i32 to vector<32x1xi32>
    %ne3A_706 = arith.cmpi ne, %and3A_703, %ne3A_705 : vector<32x1xi32>
    %broadcast_in_dim3A_707 = vector.shape_cast %ne3A_706 : vector<32x1xi1> to vector<32x1xi1>
    %broadcast_in_dim3A_708 = vector.broadcast %broadcast_in_dim3A_707 : vector<32x1xi1> to vector<32x7168xi1>
    %select_n3A_709 = arith.select %broadcast_in_dim3A_708, %concatenate3A_697, %concatenate3A_700 : vector<32x7168xi1>, vector<32x7168xf32>
    %and3A_710 = arith.constant 16 : i32
    %and3A_711 = vector.broadcast %and3A_710 : i32 to vector<32x1xi32>
    %and3A_712 = arith.andi %iota3A_451, %and3A_711 : vector<32x1xi32>
    %eq3A_713 = arith.constant 0 : i32
    %eq3A_714 = vector.broadcast %eq3A_713 : i32 to vector<32x1xi32>
    %eq3A_715 = arith.cmpi eq, %and3A_712, %eq3A_714 : vector<32x1xi32>
    %ne3A_716 = arith.xori %ne3A_706, %eq3A_715 : vector<32x1xi1>
    %min3A_717 = arith.minimumf %select_n3A_694, %select_n3A_709 : vector<32x7168xf32>
    %max3A_718 = arith.maximumf %select_n3A_694, %select_n3A_709 : vector<32x7168xf32>
    %broadcast_in_dim3A_719 = vector.shape_cast %ne3A_716 : vector<32x1xi1> to vector<32x1xi1>
    %broadcast_in_dim3A_720 = vector.broadcast %broadcast_in_dim3A_719 : vector<32x1xi1> to vector<32x7168xi1>
    %select_n3A_721 = arith.select %broadcast_in_dim3A_720, %min3A_717, %max3A_718 : vector<32x7168xi1>, vector<32x7168xf32>
    %slice3A_722 = vector.extract_strided_slice %select_n3A_721 {offsets = [16, 0], sizes = [16, 7168], strides = [1, 1]} : vector<32x7168xf32> to vector<16x7168xf32>
    %slice3A_723 = vector.extract_strided_slice %select_n3A_721 {offsets = [0, 0], sizes = [16, 7168], strides = [1, 1]} : vector<32x7168xf32> to vector<16x7168xf32>
    %concatenate3A_724 = tpu.concatenate %slice3A_722, %slice3A_723 in 0 : vector<16x7168xf32>, vector<16x7168xf32> -> vector<32x7168xf32>
    %slice3A_725 = vector.extract_strided_slice %select_n3A_721 {offsets = [16, 0], sizes = [16, 7168], strides = [1, 1]} : vector<32x7168xf32> to vector<16x7168xf32>
    %slice3A_726 = vector.extract_strided_slice %select_n3A_721 {offsets = [0, 0], sizes = [16, 7168], strides = [1, 1]} : vector<32x7168xf32> to vector<16x7168xf32>
    %concatenate3A_727 = tpu.concatenate %slice3A_725, %slice3A_726 in 0 : vector<16x7168xf32>, vector<16x7168xf32> -> vector<32x7168xf32>
    %and3A_728 = arith.constant 16 : i32
    %and3A_729 = vector.broadcast %and3A_728 : i32 to vector<32x1xi32>
    %and3A_730 = arith.andi %iota3A_451, %and3A_729 : vector<32x1xi32>
    %ne3A_731 = arith.constant 0 : i32
    %ne3A_732 = vector.broadcast %ne3A_731 : i32 to vector<32x1xi32>
    %ne3A_733 = arith.cmpi ne, %and3A_730, %ne3A_732 : vector<32x1xi32>
    %broadcast_in_dim3A_734 = vector.shape_cast %ne3A_733 : vector<32x1xi1> to vector<32x1xi1>
    %broadcast_in_dim3A_735 = vector.broadcast %broadcast_in_dim3A_734 : vector<32x1xi1> to vector<32x7168xi1>
    %select_n3A_736 = arith.select %broadcast_in_dim3A_735, %concatenate3A_724, %concatenate3A_727 : vector<32x7168xi1>, vector<32x7168xf32>
    %and3A_737 = arith.constant 32 : i32
    %and3A_738 = vector.broadcast %and3A_737 : i32 to vector<32x1xi32>
    %and3A_739 = arith.andi %iota3A_451, %and3A_738 : vector<32x1xi32>
    %eq3A_740 = arith.constant 0 : i32
    %eq3A_741 = vector.broadcast %eq3A_740 : i32 to vector<32x1xi32>
    %eq3A_742 = arith.cmpi eq, %and3A_739, %eq3A_741 : vector<32x1xi32>
    %ne3A_743 = arith.xori %ne3A_733, %eq3A_742 : vector<32x1xi1>
    %min3A_744 = arith.minimumf %select_n3A_721, %select_n3A_736 : vector<32x7168xf32>
    %max3A_745 = arith.maximumf %select_n3A_721, %select_n3A_736 : vector<32x7168xf32>
    %broadcast_in_dim3A_746 = vector.shape_cast %ne3A_743 : vector<32x1xi1> to vector<32x1xi1>
    %broadcast_in_dim3A_747 = vector.broadcast %broadcast_in_dim3A_746 : vector<32x1xi1> to vector<32x7168xi1>
    %select_n3A_748 = arith.select %broadcast_in_dim3A_747, %min3A_744, %max3A_745 : vector<32x7168xi1>, vector<32x7168xf32>
    %slice3A_749 = vector.extract_strided_slice %select_n3A_748 {offsets = [24, 0], sizes = [8, 7168], strides = [1, 1]} : vector<32x7168xf32> to vector<8x7168xf32>
    %slice3A_750 = vector.extract_strided_slice %select_n3A_748 {offsets = [0, 0], sizes = [24, 7168], strides = [1, 1]} : vector<32x7168xf32> to vector<24x7168xf32>
    %concatenate3A_751 = tpu.concatenate %slice3A_749, %slice3A_750 in 0 : vector<8x7168xf32>, vector<24x7168xf32> -> vector<32x7168xf32>
    %slice3A_752 = vector.extract_strided_slice %select_n3A_748 {offsets = [8, 0], sizes = [24, 7168], strides = [1, 1]} : vector<32x7168xf32> to vector<24x7168xf32>
    %slice3A_753 = vector.extract_strided_slice %select_n3A_748 {offsets = [0, 0], sizes = [8, 7168], strides = [1, 1]} : vector<32x7168xf32> to vector<8x7168xf32>
    %concatenate3A_754 = tpu.concatenate %slice3A_752, %slice3A_753 in 0 : vector<24x7168xf32>, vector<8x7168xf32> -> vector<32x7168xf32>
    %and3A_755 = arith.constant 8 : i32
    %and3A_756 = vector.broadcast %and3A_755 : i32 to vector<32x1xi32>
    %and3A_757 = arith.andi %iota3A_451, %and3A_756 : vector<32x1xi32>
    %ne3A_758 = arith.constant 0 : i32
    %ne3A_759 = vector.broadcast %ne3A_758 : i32 to vector<32x1xi32>
    %ne3A_760 = arith.cmpi ne, %and3A_757, %ne3A_759 : vector<32x1xi32>
    %broadcast_in_dim3A_761 = vector.shape_cast %ne3A_760 : vector<32x1xi1> to vector<32x1xi1>
    %broadcast_in_dim3A_762 = vector.broadcast %broadcast_in_dim3A_761 : vector<32x1xi1> to vector<32x7168xi1>
    %select_n3A_763 = arith.select %broadcast_in_dim3A_762, %concatenate3A_751, %concatenate3A_754 : vector<32x7168xi1>, vector<32x7168xf32>
    %and3A_764 = arith.constant 32 : i32
    %and3A_765 = vector.broadcast %and3A_764 : i32 to vector<32x1xi32>
    %and3A_766 = arith.andi %iota3A_451, %and3A_765 : vector<32x1xi32>
    %eq3A_767 = arith.constant 0 : i32
    %eq3A_768 = vector.broadcast %eq3A_767 : i32 to vector<32x1xi32>
    %eq3A_769 = arith.cmpi eq, %and3A_766, %eq3A_768 : vector<32x1xi32>
    %ne3A_770 = arith.xori %ne3A_760, %eq3A_769 : vector<32x1xi1>
    %min3A_771 = arith.minimumf %select_n3A_748, %select_n3A_763 : vector<32x7168xf32>
    %max3A_772 = arith.maximumf %select_n3A_748, %select_n3A_763 : vector<32x7168xf32>
    %broadcast_in_dim3A_773 = vector.shape_cast %ne3A_770 : vector<32x1xi1> to vector<32x1xi1>
    %broadcast_in_dim3A_774 = vector.broadcast %broadcast_in_dim3A_773 : vector<32x1xi1> to vector<32x7168xi1>
    %select_n3A_775 = arith.select %broadcast_in_dim3A_774, %min3A_771, %max3A_772 : vector<32x7168xi1>, vector<32x7168xf32>
    %slice3A_776 = vector.extract_strided_slice %select_n3A_775 {offsets = [28, 0], sizes = [4, 7168], strides = [1, 1]} : vector<32x7168xf32> to vector<4x7168xf32>
    %slice3A_777 = vector.extract_strided_slice %select_n3A_775 {offsets = [0, 0], sizes = [28, 7168], strides = [1, 1]} : vector<32x7168xf32> to vector<28x7168xf32>
    %concatenate3A_778 = tpu.concatenate %slice3A_776, %slice3A_777 in 0 : vector<4x7168xf32>, vector<28x7168xf32> -> vector<32x7168xf32>
    %slice3A_779 = vector.extract_strided_slice %select_n3A_775 {offsets = [4, 0], sizes = [28, 7168], strides = [1, 1]} : vector<32x7168xf32> to vector<28x7168xf32>
    %slice3A_780 = vector.extract_strided_slice %select_n3A_775 {offsets = [0, 0], sizes = [4, 7168], strides = [1, 1]} : vector<32x7168xf32> to vector<4x7168xf32>
    %concatenate3A_781 = tpu.concatenate %slice3A_779, %slice3A_780 in 0 : vector<28x7168xf32>, vector<4x7168xf32> -> vector<32x7168xf32>
    %and3A_782 = arith.constant 4 : i32
    %and3A_783 = vector.broadcast %and3A_782 : i32 to vector<32x1xi32>
    %and3A_784 = arith.andi %iota3A_451, %and3A_783 : vector<32x1xi32>
    %ne3A_785 = arith.constant 0 : i32
    %ne3A_786 = vector.broadcast %ne3A_785 : i32 to vector<32x1xi32>
    %ne3A_787 = arith.cmpi ne, %and3A_784, %ne3A_786 : vector<32x1xi32>
    %broadcast_in_dim3A_788 = vector.shape_cast %ne3A_787 : vector<32x1xi1> to vector<32x1xi1>
    %broadcast_in_dim3A_789 = vector.broadcast %broadcast_in_dim3A_788 : vector<32x1xi1> to vector<32x7168xi1>
    %select_n3A_790 = arith.select %broadcast_in_dim3A_789, %concatenate3A_778, %concatenate3A_781 : vector<32x7168xi1>, vector<32x7168xf32>
    %and3A_791 = arith.constant 32 : i32
    %and3A_792 = vector.broadcast %and3A_791 : i32 to vector<32x1xi32>
    %and3A_793 = arith.andi %iota3A_451, %and3A_792 : vector<32x1xi32>
    %eq3A_794 = arith.constant 0 : i32
    %eq3A_795 = vector.broadcast %eq3A_794 : i32 to vector<32x1xi32>
    %eq3A_796 = arith.cmpi eq, %and3A_793, %eq3A_795 : vector<32x1xi32>
    %ne3A_797 = arith.xori %ne3A_787, %eq3A_796 : vector<32x1xi1>
    %min3A_798 = arith.minimumf %select_n3A_775, %select_n3A_790 : vector<32x7168xf32>
    %max3A_799 = arith.maximumf %select_n3A_775, %select_n3A_790 : vector<32x7168xf32>
    %broadcast_in_dim3A_800 = vector.shape_cast %ne3A_797 : vector<32x1xi1> to vector<32x1xi1>
    %broadcast_in_dim3A_801 = vector.broadcast %broadcast_in_dim3A_800 : vector<32x1xi1> to vector<32x7168xi1>
    %select_n3A_802 = arith.select %broadcast_in_dim3A_801, %min3A_798, %max3A_799 : vector<32x7168xi1>, vector<32x7168xf32>
    %slice3A_803 = vector.extract_strided_slice %select_n3A_802 {offsets = [30, 0], sizes = [2, 7168], strides = [1, 1]} : vector<32x7168xf32> to vector<2x7168xf32>
    %slice3A_804 = vector.extract_strided_slice %select_n3A_802 {offsets = [0, 0], sizes = [30, 7168], strides = [1, 1]} : vector<32x7168xf32> to vector<30x7168xf32>
    %concatenate3A_805 = tpu.concatenate %slice3A_803, %slice3A_804 in 0 : vector<2x7168xf32>, vector<30x7168xf32> -> vector<32x7168xf32>
    %slice3A_806 = vector.extract_strided_slice %select_n3A_802 {offsets = [2, 0], sizes = [30, 7168], strides = [1, 1]} : vector<32x7168xf32> to vector<30x7168xf32>
    %slice3A_807 = vector.extract_strided_slice %select_n3A_802 {offsets = [0, 0], sizes = [2, 7168], strides = [1, 1]} : vector<32x7168xf32> to vector<2x7168xf32>
    %concatenate3A_808 = tpu.concatenate %slice3A_806, %slice3A_807 in 0 : vector<30x7168xf32>, vector<2x7168xf32> -> vector<32x7168xf32>
    %and3A_809 = arith.constant 2 : i32
    %and3A_810 = vector.broadcast %and3A_809 : i32 to vector<32x1xi32>
    %and3A_811 = arith.andi %iota3A_451, %and3A_810 : vector<32x1xi32>
    %ne3A_812 = arith.constant 0 : i32
    %ne3A_813 = vector.broadcast %ne3A_812 : i32 to vector<32x1xi32>
    %ne3A_814 = arith.cmpi ne, %and3A_811, %ne3A_813 : vector<32x1xi32>
    %broadcast_in_dim3A_815 = vector.shape_cast %ne3A_814 : vector<32x1xi1> to vector<32x1xi1>
    %broadcast_in_dim3A_816 = vector.broadcast %broadcast_in_dim3A_815 : vector<32x1xi1> to vector<32x7168xi1>
    %select_n3A_817 = arith.select %broadcast_in_dim3A_816, %concatenate3A_805, %concatenate3A_808 : vector<32x7168xi1>, vector<32x7168xf32>
    %and3A_818 = arith.constant 32 : i32
    %and3A_819 = vector.broadcast %and3A_818 : i32 to vector<32x1xi32>
    %and3A_820 = arith.andi %iota3A_451, %and3A_819 : vector<32x1xi32>
    %eq3A_821 = arith.constant 0 : i32
    %eq3A_822 = vector.broadcast %eq3A_821 : i32 to vector<32x1xi32>
    %eq3A_823 = arith.cmpi eq, %and3A_820, %eq3A_822 : vector<32x1xi32>
    %ne3A_824 = arith.xori %ne3A_814, %eq3A_823 : vector<32x1xi1>
    %min3A_825 = arith.minimumf %select_n3A_802, %select_n3A_817 : vector<32x7168xf32>
    %max3A_826 = arith.maximumf %select_n3A_802, %select_n3A_817 : vector<32x7168xf32>
    %broadcast_in_dim3A_827 = vector.shape_cast %ne3A_824 : vector<32x1xi1> to vector<32x1xi1>
    %broadcast_in_dim3A_828 = vector.broadcast %broadcast_in_dim3A_827 : vector<32x1xi1> to vector<32x7168xi1>
    %select_n3A_829 = arith.select %broadcast_in_dim3A_828, %min3A_825, %max3A_826 : vector<32x7168xi1>, vector<32x7168xf32>
    %slice3A_830 = vector.extract_strided_slice %select_n3A_829 {offsets = [31, 0], sizes = [1, 7168], strides = [1, 1]} : vector<32x7168xf32> to vector<1x7168xf32>
    %slice3A_831 = vector.extract_strided_slice %select_n3A_829 {offsets = [0, 0], sizes = [31, 7168], strides = [1, 1]} : vector<32x7168xf32> to vector<31x7168xf32>
    %concatenate3A_832 = tpu.concatenate %slice3A_830, %slice3A_831 in 0 : vector<1x7168xf32>, vector<31x7168xf32> -> vector<32x7168xf32>
    %slice3A_833 = vector.extract_strided_slice %select_n3A_829 {offsets = [1, 0], sizes = [31, 7168], strides = [1, 1]} : vector<32x7168xf32> to vector<31x7168xf32>
    %slice3A_834 = vector.extract_strided_slice %select_n3A_829 {offsets = [0, 0], sizes = [1, 7168], strides = [1, 1]} : vector<32x7168xf32> to vector<1x7168xf32>
    %concatenate3A_835 = tpu.concatenate %slice3A_833, %slice3A_834 in 0 : vector<31x7168xf32>, vector<1x7168xf32> -> vector<32x7168xf32>
    %and3A_836 = arith.constant 1 : i32
    %and3A_837 = vector.broadcast %and3A_836 : i32 to vector<32x1xi32>
    %and3A_838 = arith.andi %iota3A_451, %and3A_837 : vector<32x1xi32>
    %ne3A_839 = arith.constant 0 : i32
    %ne3A_840 = vector.broadcast %ne3A_839 : i32 to vector<32x1xi32>
    %ne3A_841 = arith.cmpi ne, %and3A_838, %ne3A_840 : vector<32x1xi32>
    %broadcast_in_dim3A_842 = vector.shape_cast %ne3A_841 : vector<32x1xi1> to vector<32x1xi1>
    %broadcast_in_dim3A_843 = vector.broadcast %broadcast_in_dim3A_842 : vector<32x1xi1> to vector<32x7168xi1>
    %select_n3A_844 = arith.select %broadcast_in_dim3A_843, %concatenate3A_832, %concatenate3A_835 : vector<32x7168xi1>, vector<32x7168xf32>
    %and3A_845 = arith.constant 32 : i32
    %and3A_846 = vector.broadcast %and3A_845 : i32 to vector<32x1xi32>
    %and3A_847 = arith.andi %iota3A_451, %and3A_846 : vector<32x1xi32>
    %eq3A_848 = arith.constant 0 : i32
    %eq3A_849 = vector.broadcast %eq3A_848 : i32 to vector<32x1xi32>
    %eq3A_850 = arith.cmpi eq, %and3A_847, %eq3A_849 : vector<32x1xi32>
    %ne3A_851 = arith.xori %ne3A_841, %eq3A_850 : vector<32x1xi1>
    %min3A_852 = arith.minimumf %select_n3A_829, %select_n3A_844 : vector<32x7168xf32>
    %max3A_853 = arith.maximumf %select_n3A_829, %select_n3A_844 : vector<32x7168xf32>
    %broadcast_in_dim3A_854 = vector.shape_cast %ne3A_851 : vector<32x1xi1> to vector<32x1xi1>
    %broadcast_in_dim3A_855 = vector.broadcast %broadcast_in_dim3A_854 : vector<32x1xi1> to vector<32x7168xi1>
    %select_n3A_856 = arith.select %broadcast_in_dim3A_855, %min3A_852, %max3A_853 : vector<32x7168xi1>, vector<32x7168xf32>
    %slice3A_857 = vector.extract_strided_slice %select_n3A_856 {offsets = [15, 0], sizes = [1, 7168], strides = [1, 1]} : vector<32x7168xf32> to vector<1x7168xf32>
    %broadcast_in_dim3A_858 = arith.constant 0.000000e+00 : f32
    %broadcast_in_dim3A_859 = vector.broadcast %broadcast_in_dim3A_858 : f32 to vector<1x7168xf32>
    %concatenate3A_860 = tpu.concatenate %slice3A_446, %slice3A_447, %div3A_6, %sqrt3A, %div3A_43, %sub3A_48, %slice3A_857, %broadcast_in_dim3A_859 in 0 : vector<1x7168xf32>, vector<1x7168xf32>, vector<1x7168xf32>, vector<1x7168xf32>, vector<1x7168xf32>, vector<1x7168xf32>, vector<1x7168xf32>, vector<1x7168xf32> -> vector<8x7168xf32>
    %transpose3A = tpu.transpose %concatenate3A_860, [1, 0] : vector<8x7168xf32> -> vector<7168x8xf32>
    %slice3A_861 = vector.extract_strided_slice %transpose3A {offsets = [0, 0], sizes = [7168, 7], strides = [1, 1]} : vector<7168x8xf32> to vector<7168x7xf32>
    %swap3A = arith.constant 0 : index
    %swap3A_862 = arith.constant 0 : index
    %swap3A_863 = arith.constant 0 : index
    %swap3A_864 = vector.load %arg2[%swap3A, %swap3A_862, %swap3A_863] : memref<1x7168x7xf32, #tpu.memory_space<vmem>>, vector<1x7168x7xf32>
    %swap3A_865 = vector.shape_cast %swap3A_864 : vector<1x7168x7xf32> to vector<7168x7xf32>
    %swap3A_866 = vector.shape_cast %slice3A_861 : vector<7168x7xf32> to vector<1x7168x7xf32>
    tpu.vector_store %arg2[%swap3A, %swap3A_862, %swap3A_863], %swap3A_866 {strides = array<i32>} : memref<1x7168x7xf32, #tpu.memory_space<vmem>>, vector<1x7168x7xf32>,
    return
  }
  func.func @transform_0(%arg0: i32) -> (i32, i32, i32) {
    %c0_i32 = arith.constant 0 : i32
    %c0_i32_0 = arith.constant 0 : i32
    %c0_i32_1 = arith.constant 0 : i32
    return %arg0, %c0_i32, %c0_i32_0 : i32, i32, i32
  }
  func.func @transform_1(%arg0: i32) -> (i32, i32, i32) {
    %c0_i32 = arith.constant 0 : i32
    %c0_i32_0 = arith.constant 0 : i32
    %c0_i32_1 = arith.constant 0 : i32
    return %arg0, %c0_i32, %c0_i32_0 : i32, i32, i32
  }
}

module attributes {stable_mosaic.version = 14 : i64} {
  func.func @_relieff_kernel(%arg0: i32, %arg1: memref<64x56x7xf32, #tpu.memory_space<vmem>>, %arg2: memref<64x7x56xf32, #tpu.memory_space<vmem>>, %arg3: memref<1x1x128xf32, #tpu.memory_space<vmem>>) attributes {dimension_semantics = [#tpu.dimension_semantics<arbitrary>], iteration_bounds = array<i64: 96>, scalar_prefetch = 0 : i64, scratch_operands = 0 : i64, tpu.core_type = #tpu.core_type<tc>, window_params = [{transform_indices = @transform_0, window_bounds = array<i64: 64, 56, 7>}, {transform_indices = @transform_1, window_bounds = array<i64: 64, 7, 56>}, {pipeline_mode = #tpu.pipeline_mode<synchronous>, transform_indices = @transform_2, window_bounds = array<i64: 1, 1, 128>}]} {
    %get3A = arith.constant 0 : index
    %get3A_0 = arith.constant 0 : index
    %get3A_1 = arith.constant 0 : index
    %get3A_2 = vector.load %arg1[%get3A, %get3A_0, %get3A_1] : memref<64x56x7xf32, #tpu.memory_space<vmem>>, vector<64x56x7xf32>
    %get3A_3 = arith.constant 0 : index
    %get3A_4 = arith.constant 0 : index
    %get3A_5 = arith.constant 0 : index
    %get3A_6 = vector.load %arg2[%get3A_3, %get3A_4, %get3A_5] : memref<64x7x56xf32, #tpu.memory_space<vmem>>, vector<64x7x56xf32>
    %broadcast_in_dim3A = arith.constant 0.000000e+00 : f32
    %broadcast_in_dim3A_7 = vector.broadcast %broadcast_in_dim3A : f32 to vector<64x56x56xf32>
    %slice3A = vector.extract_strided_slice %get3A_2 {offsets = [0, 0, 0], sizes = [64, 56, 1], strides = [1, 1, 1]} : vector<64x56x7xf32> to vector<64x56x1xf32>
    %slice3A_8 = vector.extract_strided_slice %get3A_6 {offsets = [0, 0, 0], sizes = [64, 1, 56], strides = [1, 1, 1]} : vector<64x7x56xf32> to vector<64x1x56xf32>
    %sub3A = vector.broadcast %slice3A : vector<64x56x1xf32> to vector<64x56x56xf32>
    %sub3A_9 = vector.broadcast %slice3A_8 : vector<64x1x56xf32> to vector<64x56x56xf32>
    %sub3A_10 = arith.subf %sub3A, %sub3A_9 : vector<64x56x56xf32>
    %mul3A = arith.mulf %sub3A_10, %sub3A_10 : vector<64x56x56xf32>
    %add3A = arith.addf %broadcast_in_dim3A_7, %mul3A : vector<64x56x56xf32>
    %slice3A_11 = vector.extract_strided_slice %get3A_2 {offsets = [0, 0, 1], sizes = [64, 56, 1], strides = [1, 1, 1]} : vector<64x56x7xf32> to vector<64x56x1xf32>
    %slice3A_12 = vector.extract_strided_slice %get3A_6 {offsets = [0, 1, 0], sizes = [64, 1, 56], strides = [1, 1, 1]} : vector<64x7x56xf32> to vector<64x1x56xf32>
    %sub3A_13 = vector.broadcast %slice3A_11 : vector<64x56x1xf32> to vector<64x56x56xf32>
    %sub3A_14 = vector.broadcast %slice3A_12 : vector<64x1x56xf32> to vector<64x56x56xf32>
    %sub3A_15 = arith.subf %sub3A_13, %sub3A_14 : vector<64x56x56xf32>
    %mul3A_16 = arith.mulf %sub3A_15, %sub3A_15 : vector<64x56x56xf32>
    %add3A_17 = arith.addf %add3A, %mul3A_16 : vector<64x56x56xf32>
    %slice3A_18 = vector.extract_strided_slice %get3A_2 {offsets = [0, 0, 2], sizes = [64, 56, 1], strides = [1, 1, 1]} : vector<64x56x7xf32> to vector<64x56x1xf32>
    %slice3A_19 = vector.extract_strided_slice %get3A_6 {offsets = [0, 2, 0], sizes = [64, 1, 56], strides = [1, 1, 1]} : vector<64x7x56xf32> to vector<64x1x56xf32>
    %sub3A_20 = vector.broadcast %slice3A_18 : vector<64x56x1xf32> to vector<64x56x56xf32>
    %sub3A_21 = vector.broadcast %slice3A_19 : vector<64x1x56xf32> to vector<64x56x56xf32>
    %sub3A_22 = arith.subf %sub3A_20, %sub3A_21 : vector<64x56x56xf32>
    %mul3A_23 = arith.mulf %sub3A_22, %sub3A_22 : vector<64x56x56xf32>
    %add3A_24 = arith.addf %add3A_17, %mul3A_23 : vector<64x56x56xf32>
    %slice3A_25 = vector.extract_strided_slice %get3A_2 {offsets = [0, 0, 3], sizes = [64, 56, 1], strides = [1, 1, 1]} : vector<64x56x7xf32> to vector<64x56x1xf32>
    %slice3A_26 = vector.extract_strided_slice %get3A_6 {offsets = [0, 3, 0], sizes = [64, 1, 56], strides = [1, 1, 1]} : vector<64x7x56xf32> to vector<64x1x56xf32>
    %sub3A_27 = vector.broadcast %slice3A_25 : vector<64x56x1xf32> to vector<64x56x56xf32>
    %sub3A_28 = vector.broadcast %slice3A_26 : vector<64x1x56xf32> to vector<64x56x56xf32>
    %sub3A_29 = arith.subf %sub3A_27, %sub3A_28 : vector<64x56x56xf32>
    %mul3A_30 = arith.mulf %sub3A_29, %sub3A_29 : vector<64x56x56xf32>
    %add3A_31 = arith.addf %add3A_24, %mul3A_30 : vector<64x56x56xf32>
    %slice3A_32 = vector.extract_strided_slice %get3A_2 {offsets = [0, 0, 4], sizes = [64, 56, 1], strides = [1, 1, 1]} : vector<64x56x7xf32> to vector<64x56x1xf32>
    %slice3A_33 = vector.extract_strided_slice %get3A_6 {offsets = [0, 4, 0], sizes = [64, 1, 56], strides = [1, 1, 1]} : vector<64x7x56xf32> to vector<64x1x56xf32>
    %sub3A_34 = vector.broadcast %slice3A_32 : vector<64x56x1xf32> to vector<64x56x56xf32>
    %sub3A_35 = vector.broadcast %slice3A_33 : vector<64x1x56xf32> to vector<64x56x56xf32>
    %sub3A_36 = arith.subf %sub3A_34, %sub3A_35 : vector<64x56x56xf32>
    %mul3A_37 = arith.mulf %sub3A_36, %sub3A_36 : vector<64x56x56xf32>
    %add3A_38 = arith.addf %add3A_31, %mul3A_37 : vector<64x56x56xf32>
    %slice3A_39 = vector.extract_strided_slice %get3A_2 {offsets = [0, 0, 5], sizes = [64, 56, 1], strides = [1, 1, 1]} : vector<64x56x7xf32> to vector<64x56x1xf32>
    %slice3A_40 = vector.extract_strided_slice %get3A_6 {offsets = [0, 5, 0], sizes = [64, 1, 56], strides = [1, 1, 1]} : vector<64x7x56xf32> to vector<64x1x56xf32>
    %sub3A_41 = vector.broadcast %slice3A_39 : vector<64x56x1xf32> to vector<64x56x56xf32>
    %sub3A_42 = vector.broadcast %slice3A_40 : vector<64x1x56xf32> to vector<64x56x56xf32>
    %sub3A_43 = arith.subf %sub3A_41, %sub3A_42 : vector<64x56x56xf32>
    %mul3A_44 = arith.mulf %sub3A_43, %sub3A_43 : vector<64x56x56xf32>
    %add3A_45 = arith.addf %add3A_38, %mul3A_44 : vector<64x56x56xf32>
    %slice3A_46 = vector.extract_strided_slice %get3A_2 {offsets = [0, 0, 6], sizes = [64, 56, 1], strides = [1, 1, 1]} : vector<64x56x7xf32> to vector<64x56x1xf32>
    %slice3A_47 = vector.extract_strided_slice %get3A_6 {offsets = [0, 6, 0], sizes = [64, 1, 56], strides = [1, 1, 1]} : vector<64x7x56xf32> to vector<64x1x56xf32>
    %sub3A_48 = vector.broadcast %slice3A_46 : vector<64x56x1xf32> to vector<64x56x56xf32>
    %sub3A_49 = vector.broadcast %slice3A_47 : vector<64x1x56xf32> to vector<64x56x56xf32>
    %sub3A_50 = arith.subf %sub3A_48, %sub3A_49 : vector<64x56x56xf32>
    %mul3A_51 = arith.mulf %sub3A_50, %sub3A_50 : vector<64x56x56xf32>
    %add3A_52 = arith.addf %add3A_45, %mul3A_51 : vector<64x56x56xf32>
    %max3A = arith.constant 0.000000e+00 : f32
    %max3A_53 = vector.broadcast %max3A : f32 to vector<64x56x56xf32>
    %max3A_54 = arith.maximumf %add3A_52, %max3A_53 : vector<64x56x56xf32>
    %sqrt3A = math.sqrt %max3A_54 : vector<64x56x56xf32>
    %reshape3A = vector.shape_cast %sqrt3A : vector<64x56x56xf32> to vector<3584x56xf32>
    %iota3A = tpu.iota {dimensions = array<i32: 1>} : vector<3584x56xi32>
    %broadcast_in_dim3A_55 = arith.constant 0 : i32
    %broadcast_in_dim3A_56 = vector.broadcast %broadcast_in_dim3A_55 : i32 to vector<3584x56xi32>
    %slice3A_57 = vector.extract_strided_slice %reshape3A {offsets = [0, 0], sizes = [3584, 1], strides = [1, 1]} : vector<3584x56xf32> to vector<3584x1xf32>
    %lt3A = vector.broadcast %slice3A_57 : vector<3584x1xf32> to vector<3584x56xf32>
    %lt3A_58 = arith.cmpf olt, %lt3A, %reshape3A : vector<3584x56xf32>
    %convert_element_type3A = arith.extui %lt3A_58 : vector<3584x56xi1> to vector<3584x56xi32>
    %eq3A = vector.broadcast %slice3A_57 : vector<3584x1xf32> to vector<3584x56xf32>
    %eq3A_59 = arith.cmpf oeq, %eq3A, %reshape3A : vector<3584x56xf32>
    %gt3A = arith.constant 0 : i32
    %gt3A_60 = vector.broadcast %gt3A : i32 to vector<3584x56xi32>
    %gt3A_61 = arith.cmpi sgt, %iota3A, %gt3A_60 : vector<3584x56xi32>
    %and3A = arith.andi %eq3A_59, %gt3A_61 : vector<3584x56xi1>
    %convert_element_type3A_62 = arith.extui %and3A : vector<3584x56xi1> to vector<3584x56xi32>
    %add3A_63 = arith.addi %broadcast_in_dim3A_56, %convert_element_type3A : vector<3584x56xi32>
    %add3A_64 = arith.addi %add3A_63, %convert_element_type3A_62 : vector<3584x56xi32>
    %slice3A_65 = vector.extract_strided_slice %reshape3A {offsets = [0, 1], sizes = [3584, 1], strides = [1, 1]} : vector<3584x56xf32> to vector<3584x1xf32>
    %lt3A_66 = vector.broadcast %slice3A_65 : vector<3584x1xf32> to vector<3584x56xf32>
    %lt3A_67 = arith.cmpf olt, %lt3A_66, %reshape3A : vector<3584x56xf32>
    %convert_element_type3A_68 = arith.extui %lt3A_67 : vector<3584x56xi1> to vector<3584x56xi32>
    %eq3A_69 = vector.broadcast %slice3A_65 : vector<3584x1xf32> to vector<3584x56xf32>
    %eq3A_70 = arith.cmpf oeq, %eq3A_69, %reshape3A : vector<3584x56xf32>
    %gt3A_71 = arith.constant 1 : i32
    %gt3A_72 = vector.broadcast %gt3A_71 : i32 to vector<3584x56xi32>
    %gt3A_73 = arith.cmpi sgt, %iota3A, %gt3A_72 : vector<3584x56xi32>
    %and3A_74 = arith.andi %eq3A_70, %gt3A_73 : vector<3584x56xi1>
    %convert_element_type3A_75 = arith.extui %and3A_74 : vector<3584x56xi1> to vector<3584x56xi32>
    %add3A_76 = arith.addi %add3A_64, %convert_element_type3A_68 : vector<3584x56xi32>
    %add3A_77 = arith.addi %add3A_76, %convert_element_type3A_75 : vector<3584x56xi32>
    %slice3A_78 = vector.extract_strided_slice %reshape3A {offsets = [0, 2], sizes = [3584, 1], strides = [1, 1]} : vector<3584x56xf32> to vector<3584x1xf32>
    %lt3A_79 = vector.broadcast %slice3A_78 : vector<3584x1xf32> to vector<3584x56xf32>
    %lt3A_80 = arith.cmpf olt, %lt3A_79, %reshape3A : vector<3584x56xf32>
    %convert_element_type3A_81 = arith.extui %lt3A_80 : vector<3584x56xi1> to vector<3584x56xi32>
    %eq3A_82 = vector.broadcast %slice3A_78 : vector<3584x1xf32> to vector<3584x56xf32>
    %eq3A_83 = arith.cmpf oeq, %eq3A_82, %reshape3A : vector<3584x56xf32>
    %gt3A_84 = arith.constant 2 : i32
    %gt3A_85 = vector.broadcast %gt3A_84 : i32 to vector<3584x56xi32>
    %gt3A_86 = arith.cmpi sgt, %iota3A, %gt3A_85 : vector<3584x56xi32>
    %and3A_87 = arith.andi %eq3A_83, %gt3A_86 : vector<3584x56xi1>
    %convert_element_type3A_88 = arith.extui %and3A_87 : vector<3584x56xi1> to vector<3584x56xi32>
    %add3A_89 = arith.addi %add3A_77, %convert_element_type3A_81 : vector<3584x56xi32>
    %add3A_90 = arith.addi %add3A_89, %convert_element_type3A_88 : vector<3584x56xi32>
    %slice3A_91 = vector.extract_strided_slice %reshape3A {offsets = [0, 3], sizes = [3584, 1], strides = [1, 1]} : vector<3584x56xf32> to vector<3584x1xf32>
    %lt3A_92 = vector.broadcast %slice3A_91 : vector<3584x1xf32> to vector<3584x56xf32>
    %lt3A_93 = arith.cmpf olt, %lt3A_92, %reshape3A : vector<3584x56xf32>
    %convert_element_type3A_94 = arith.extui %lt3A_93 : vector<3584x56xi1> to vector<3584x56xi32>
    %eq3A_95 = vector.broadcast %slice3A_91 : vector<3584x1xf32> to vector<3584x56xf32>
    %eq3A_96 = arith.cmpf oeq, %eq3A_95, %reshape3A : vector<3584x56xf32>
    %gt3A_97 = arith.constant 3 : i32
    %gt3A_98 = vector.broadcast %gt3A_97 : i32 to vector<3584x56xi32>
    %gt3A_99 = arith.cmpi sgt, %iota3A, %gt3A_98 : vector<3584x56xi32>
    %and3A_100 = arith.andi %eq3A_96, %gt3A_99 : vector<3584x56xi1>
    %convert_element_type3A_101 = arith.extui %and3A_100 : vector<3584x56xi1> to vector<3584x56xi32>
    %add3A_102 = arith.addi %add3A_90, %convert_element_type3A_94 : vector<3584x56xi32>
    %add3A_103 = arith.addi %add3A_102, %convert_element_type3A_101 : vector<3584x56xi32>
    %slice3A_104 = vector.extract_strided_slice %reshape3A {offsets = [0, 4], sizes = [3584, 1], strides = [1, 1]} : vector<3584x56xf32> to vector<3584x1xf32>
    %lt3A_105 = vector.broadcast %slice3A_104 : vector<3584x1xf32> to vector<3584x56xf32>
    %lt3A_106 = arith.cmpf olt, %lt3A_105, %reshape3A : vector<3584x56xf32>
    %convert_element_type3A_107 = arith.extui %lt3A_106 : vector<3584x56xi1> to vector<3584x56xi32>
    %eq3A_108 = vector.broadcast %slice3A_104 : vector<3584x1xf32> to vector<3584x56xf32>
    %eq3A_109 = arith.cmpf oeq, %eq3A_108, %reshape3A : vector<3584x56xf32>
    %gt3A_110 = arith.constant 4 : i32
    %gt3A_111 = vector.broadcast %gt3A_110 : i32 to vector<3584x56xi32>
    %gt3A_112 = arith.cmpi sgt, %iota3A, %gt3A_111 : vector<3584x56xi32>
    %and3A_113 = arith.andi %eq3A_109, %gt3A_112 : vector<3584x56xi1>
    %convert_element_type3A_114 = arith.extui %and3A_113 : vector<3584x56xi1> to vector<3584x56xi32>
    %add3A_115 = arith.addi %add3A_103, %convert_element_type3A_107 : vector<3584x56xi32>
    %add3A_116 = arith.addi %add3A_115, %convert_element_type3A_114 : vector<3584x56xi32>
    %slice3A_117 = vector.extract_strided_slice %reshape3A {offsets = [0, 5], sizes = [3584, 1], strides = [1, 1]} : vector<3584x56xf32> to vector<3584x1xf32>
    %lt3A_118 = vector.broadcast %slice3A_117 : vector<3584x1xf32> to vector<3584x56xf32>
    %lt3A_119 = arith.cmpf olt, %lt3A_118, %reshape3A : vector<3584x56xf32>
    %convert_element_type3A_120 = arith.extui %lt3A_119 : vector<3584x56xi1> to vector<3584x56xi32>
    %eq3A_121 = vector.broadcast %slice3A_117 : vector<3584x1xf32> to vector<3584x56xf32>
    %eq3A_122 = arith.cmpf oeq, %eq3A_121, %reshape3A : vector<3584x56xf32>
    %gt3A_123 = arith.constant 5 : i32
    %gt3A_124 = vector.broadcast %gt3A_123 : i32 to vector<3584x56xi32>
    %gt3A_125 = arith.cmpi sgt, %iota3A, %gt3A_124 : vector<3584x56xi32>
    %and3A_126 = arith.andi %eq3A_122, %gt3A_125 : vector<3584x56xi1>
    %convert_element_type3A_127 = arith.extui %and3A_126 : vector<3584x56xi1> to vector<3584x56xi32>
    %add3A_128 = arith.addi %add3A_116, %convert_element_type3A_120 : vector<3584x56xi32>
    %add3A_129 = arith.addi %add3A_128, %convert_element_type3A_127 : vector<3584x56xi32>
    %slice3A_130 = vector.extract_strided_slice %reshape3A {offsets = [0, 6], sizes = [3584, 1], strides = [1, 1]} : vector<3584x56xf32> to vector<3584x1xf32>
    %lt3A_131 = vector.broadcast %slice3A_130 : vector<3584x1xf32> to vector<3584x56xf32>
    %lt3A_132 = arith.cmpf olt, %lt3A_131, %reshape3A : vector<3584x56xf32>
    %convert_element_type3A_133 = arith.extui %lt3A_132 : vector<3584x56xi1> to vector<3584x56xi32>
    %eq3A_134 = vector.broadcast %slice3A_130 : vector<3584x1xf32> to vector<3584x56xf32>
    %eq3A_135 = arith.cmpf oeq, %eq3A_134, %reshape3A : vector<3584x56xf32>
    %gt3A_136 = arith.constant 6 : i32
    %gt3A_137 = vector.broadcast %gt3A_136 : i32 to vector<3584x56xi32>
    %gt3A_138 = arith.cmpi sgt, %iota3A, %gt3A_137 : vector<3584x56xi32>
    %and3A_139 = arith.andi %eq3A_135, %gt3A_138 : vector<3584x56xi1>
    %convert_element_type3A_140 = arith.extui %and3A_139 : vector<3584x56xi1> to vector<3584x56xi32>
    %add3A_141 = arith.addi %add3A_129, %convert_element_type3A_133 : vector<3584x56xi32>
    %add3A_142 = arith.addi %add3A_141, %convert_element_type3A_140 : vector<3584x56xi32>
    %slice3A_143 = vector.extract_strided_slice %reshape3A {offsets = [0, 7], sizes = [3584, 1], strides = [1, 1]} : vector<3584x56xf32> to vector<3584x1xf32>
    %lt3A_144 = vector.broadcast %slice3A_143 : vector<3584x1xf32> to vector<3584x56xf32>
    %lt3A_145 = arith.cmpf olt, %lt3A_144, %reshape3A : vector<3584x56xf32>
    %convert_element_type3A_146 = arith.extui %lt3A_145 : vector<3584x56xi1> to vector<3584x56xi32>
    %eq3A_147 = vector.broadcast %slice3A_143 : vector<3584x1xf32> to vector<3584x56xf32>
    %eq3A_148 = arith.cmpf oeq, %eq3A_147, %reshape3A : vector<3584x56xf32>
    %gt3A_149 = arith.constant 7 : i32
    %gt3A_150 = vector.broadcast %gt3A_149 : i32 to vector<3584x56xi32>
    %gt3A_151 = arith.cmpi sgt, %iota3A, %gt3A_150 : vector<3584x56xi32>
    %and3A_152 = arith.andi %eq3A_148, %gt3A_151 : vector<3584x56xi1>
    %convert_element_type3A_153 = arith.extui %and3A_152 : vector<3584x56xi1> to vector<3584x56xi32>
    %add3A_154 = arith.addi %add3A_142, %convert_element_type3A_146 : vector<3584x56xi32>
    %add3A_155 = arith.addi %add3A_154, %convert_element_type3A_153 : vector<3584x56xi32>
    %slice3A_156 = vector.extract_strided_slice %reshape3A {offsets = [0, 8], sizes = [3584, 1], strides = [1, 1]} : vector<3584x56xf32> to vector<3584x1xf32>
    %lt3A_157 = vector.broadcast %slice3A_156 : vector<3584x1xf32> to vector<3584x56xf32>
    %lt3A_158 = arith.cmpf olt, %lt3A_157, %reshape3A : vector<3584x56xf32>
    %convert_element_type3A_159 = arith.extui %lt3A_158 : vector<3584x56xi1> to vector<3584x56xi32>
    %eq3A_160 = vector.broadcast %slice3A_156 : vector<3584x1xf32> to vector<3584x56xf32>
    %eq3A_161 = arith.cmpf oeq, %eq3A_160, %reshape3A : vector<3584x56xf32>
    %gt3A_162 = arith.constant 8 : i32
    %gt3A_163 = vector.broadcast %gt3A_162 : i32 to vector<3584x56xi32>
    %gt3A_164 = arith.cmpi sgt, %iota3A, %gt3A_163 : vector<3584x56xi32>
    %and3A_165 = arith.andi %eq3A_161, %gt3A_164 : vector<3584x56xi1>
    %convert_element_type3A_166 = arith.extui %and3A_165 : vector<3584x56xi1> to vector<3584x56xi32>
    %add3A_167 = arith.addi %add3A_155, %convert_element_type3A_159 : vector<3584x56xi32>
    %add3A_168 = arith.addi %add3A_167, %convert_element_type3A_166 : vector<3584x56xi32>
    %slice3A_169 = vector.extract_strided_slice %reshape3A {offsets = [0, 9], sizes = [3584, 1], strides = [1, 1]} : vector<3584x56xf32> to vector<3584x1xf32>
    %lt3A_170 = vector.broadcast %slice3A_169 : vector<3584x1xf32> to vector<3584x56xf32>
    %lt3A_171 = arith.cmpf olt, %lt3A_170, %reshape3A : vector<3584x56xf32>
    %convert_element_type3A_172 = arith.extui %lt3A_171 : vector<3584x56xi1> to vector<3584x56xi32>
    %eq3A_173 = vector.broadcast %slice3A_169 : vector<3584x1xf32> to vector<3584x56xf32>
    %eq3A_174 = arith.cmpf oeq, %eq3A_173, %reshape3A : vector<3584x56xf32>
    %gt3A_175 = arith.constant 9 : i32
    %gt3A_176 = vector.broadcast %gt3A_175 : i32 to vector<3584x56xi32>
    %gt3A_177 = arith.cmpi sgt, %iota3A, %gt3A_176 : vector<3584x56xi32>
    %and3A_178 = arith.andi %eq3A_174, %gt3A_177 : vector<3584x56xi1>
    %convert_element_type3A_179 = arith.extui %and3A_178 : vector<3584x56xi1> to vector<3584x56xi32>
    %add3A_180 = arith.addi %add3A_168, %convert_element_type3A_172 : vector<3584x56xi32>
    %add3A_181 = arith.addi %add3A_180, %convert_element_type3A_179 : vector<3584x56xi32>
    %slice3A_182 = vector.extract_strided_slice %reshape3A {offsets = [0, 10], sizes = [3584, 1], strides = [1, 1]} : vector<3584x56xf32> to vector<3584x1xf32>
    %lt3A_183 = vector.broadcast %slice3A_182 : vector<3584x1xf32> to vector<3584x56xf32>
    %lt3A_184 = arith.cmpf olt, %lt3A_183, %reshape3A : vector<3584x56xf32>
    %convert_element_type3A_185 = arith.extui %lt3A_184 : vector<3584x56xi1> to vector<3584x56xi32>
    %eq3A_186 = vector.broadcast %slice3A_182 : vector<3584x1xf32> to vector<3584x56xf32>
    %eq3A_187 = arith.cmpf oeq, %eq3A_186, %reshape3A : vector<3584x56xf32>
    %gt3A_188 = arith.constant 10 : i32
    %gt3A_189 = vector.broadcast %gt3A_188 : i32 to vector<3584x56xi32>
    %gt3A_190 = arith.cmpi sgt, %iota3A, %gt3A_189 : vector<3584x56xi32>
    %and3A_191 = arith.andi %eq3A_187, %gt3A_190 : vector<3584x56xi1>
    %convert_element_type3A_192 = arith.extui %and3A_191 : vector<3584x56xi1> to vector<3584x56xi32>
    %add3A_193 = arith.addi %add3A_181, %convert_element_type3A_185 : vector<3584x56xi32>
    %add3A_194 = arith.addi %add3A_193, %convert_element_type3A_192 : vector<3584x56xi32>
    %slice3A_195 = vector.extract_strided_slice %reshape3A {offsets = [0, 11], sizes = [3584, 1], strides = [1, 1]} : vector<3584x56xf32> to vector<3584x1xf32>
    %lt3A_196 = vector.broadcast %slice3A_195 : vector<3584x1xf32> to vector<3584x56xf32>
    %lt3A_197 = arith.cmpf olt, %lt3A_196, %reshape3A : vector<3584x56xf32>
    %convert_element_type3A_198 = arith.extui %lt3A_197 : vector<3584x56xi1> to vector<3584x56xi32>
    %eq3A_199 = vector.broadcast %slice3A_195 : vector<3584x1xf32> to vector<3584x56xf32>
    %eq3A_200 = arith.cmpf oeq, %eq3A_199, %reshape3A : vector<3584x56xf32>
    %gt3A_201 = arith.constant 11 : i32
    %gt3A_202 = vector.broadcast %gt3A_201 : i32 to vector<3584x56xi32>
    %gt3A_203 = arith.cmpi sgt, %iota3A, %gt3A_202 : vector<3584x56xi32>
    %and3A_204 = arith.andi %eq3A_200, %gt3A_203 : vector<3584x56xi1>
    %convert_element_type3A_205 = arith.extui %and3A_204 : vector<3584x56xi1> to vector<3584x56xi32>
    %add3A_206 = arith.addi %add3A_194, %convert_element_type3A_198 : vector<3584x56xi32>
    %add3A_207 = arith.addi %add3A_206, %convert_element_type3A_205 : vector<3584x56xi32>
    %slice3A_208 = vector.extract_strided_slice %reshape3A {offsets = [0, 12], sizes = [3584, 1], strides = [1, 1]} : vector<3584x56xf32> to vector<3584x1xf32>
    %lt3A_209 = vector.broadcast %slice3A_208 : vector<3584x1xf32> to vector<3584x56xf32>
    %lt3A_210 = arith.cmpf olt, %lt3A_209, %reshape3A : vector<3584x56xf32>
    %convert_element_type3A_211 = arith.extui %lt3A_210 : vector<3584x56xi1> to vector<3584x56xi32>
    %eq3A_212 = vector.broadcast %slice3A_208 : vector<3584x1xf32> to vector<3584x56xf32>
    %eq3A_213 = arith.cmpf oeq, %eq3A_212, %reshape3A : vector<3584x56xf32>
    %gt3A_214 = arith.constant 12 : i32
    %gt3A_215 = vector.broadcast %gt3A_214 : i32 to vector<3584x56xi32>
    %gt3A_216 = arith.cmpi sgt, %iota3A, %gt3A_215 : vector<3584x56xi32>
    %and3A_217 = arith.andi %eq3A_213, %gt3A_216 : vector<3584x56xi1>
    %convert_element_type3A_218 = arith.extui %and3A_217 : vector<3584x56xi1> to vector<3584x56xi32>
    %add3A_219 = arith.addi %add3A_207, %convert_element_type3A_211 : vector<3584x56xi32>
    %add3A_220 = arith.addi %add3A_219, %convert_element_type3A_218 : vector<3584x56xi32>
    %slice3A_221 = vector.extract_strided_slice %reshape3A {offsets = [0, 13], sizes = [3584, 1], strides = [1, 1]} : vector<3584x56xf32> to vector<3584x1xf32>
    %lt3A_222 = vector.broadcast %slice3A_221 : vector<3584x1xf32> to vector<3584x56xf32>
    %lt3A_223 = arith.cmpf olt, %lt3A_222, %reshape3A : vector<3584x56xf32>
    %convert_element_type3A_224 = arith.extui %lt3A_223 : vector<3584x56xi1> to vector<3584x56xi32>
    %eq3A_225 = vector.broadcast %slice3A_221 : vector<3584x1xf32> to vector<3584x56xf32>
    %eq3A_226 = arith.cmpf oeq, %eq3A_225, %reshape3A : vector<3584x56xf32>
    %gt3A_227 = arith.constant 13 : i32
    %gt3A_228 = vector.broadcast %gt3A_227 : i32 to vector<3584x56xi32>
    %gt3A_229 = arith.cmpi sgt, %iota3A, %gt3A_228 : vector<3584x56xi32>
    %and3A_230 = arith.andi %eq3A_226, %gt3A_229 : vector<3584x56xi1>
    %convert_element_type3A_231 = arith.extui %and3A_230 : vector<3584x56xi1> to vector<3584x56xi32>
    %add3A_232 = arith.addi %add3A_220, %convert_element_type3A_224 : vector<3584x56xi32>
    %add3A_233 = arith.addi %add3A_232, %convert_element_type3A_231 : vector<3584x56xi32>
    %slice3A_234 = vector.extract_strided_slice %reshape3A {offsets = [0, 14], sizes = [3584, 1], strides = [1, 1]} : vector<3584x56xf32> to vector<3584x1xf32>
    %lt3A_235 = vector.broadcast %slice3A_234 : vector<3584x1xf32> to vector<3584x56xf32>
    %lt3A_236 = arith.cmpf olt, %lt3A_235, %reshape3A : vector<3584x56xf32>
    %convert_element_type3A_237 = arith.extui %lt3A_236 : vector<3584x56xi1> to vector<3584x56xi32>
    %eq3A_238 = vector.broadcast %slice3A_234 : vector<3584x1xf32> to vector<3584x56xf32>
    %eq3A_239 = arith.cmpf oeq, %eq3A_238, %reshape3A : vector<3584x56xf32>
    %gt3A_240 = arith.constant 14 : i32
    %gt3A_241 = vector.broadcast %gt3A_240 : i32 to vector<3584x56xi32>
    %gt3A_242 = arith.cmpi sgt, %iota3A, %gt3A_241 : vector<3584x56xi32>
    %and3A_243 = arith.andi %eq3A_239, %gt3A_242 : vector<3584x56xi1>
    %convert_element_type3A_244 = arith.extui %and3A_243 : vector<3584x56xi1> to vector<3584x56xi32>
    %add3A_245 = arith.addi %add3A_233, %convert_element_type3A_237 : vector<3584x56xi32>
    %add3A_246 = arith.addi %add3A_245, %convert_element_type3A_244 : vector<3584x56xi32>
    %slice3A_247 = vector.extract_strided_slice %reshape3A {offsets = [0, 15], sizes = [3584, 1], strides = [1, 1]} : vector<3584x56xf32> to vector<3584x1xf32>
    %lt3A_248 = vector.broadcast %slice3A_247 : vector<3584x1xf32> to vector<3584x56xf32>
    %lt3A_249 = arith.cmpf olt, %lt3A_248, %reshape3A : vector<3584x56xf32>
    %convert_element_type3A_250 = arith.extui %lt3A_249 : vector<3584x56xi1> to vector<3584x56xi32>
    %eq3A_251 = vector.broadcast %slice3A_247 : vector<3584x1xf32> to vector<3584x56xf32>
    %eq3A_252 = arith.cmpf oeq, %eq3A_251, %reshape3A : vector<3584x56xf32>
    %gt3A_253 = arith.constant 15 : i32
    %gt3A_254 = vector.broadcast %gt3A_253 : i32 to vector<3584x56xi32>
    %gt3A_255 = arith.cmpi sgt, %iota3A, %gt3A_254 : vector<3584x56xi32>
    %and3A_256 = arith.andi %eq3A_252, %gt3A_255 : vector<3584x56xi1>
    %convert_element_type3A_257 = arith.extui %and3A_256 : vector<3584x56xi1> to vector<3584x56xi32>
    %add3A_258 = arith.addi %add3A_246, %convert_element_type3A_250 : vector<3584x56xi32>
    %add3A_259 = arith.addi %add3A_258, %convert_element_type3A_257 : vector<3584x56xi32>
    %slice3A_260 = vector.extract_strided_slice %reshape3A {offsets = [0, 16], sizes = [3584, 1], strides = [1, 1]} : vector<3584x56xf32> to vector<3584x1xf32>
    %lt3A_261 = vector.broadcast %slice3A_260 : vector<3584x1xf32> to vector<3584x56xf32>
    %lt3A_262 = arith.cmpf olt, %lt3A_261, %reshape3A : vector<3584x56xf32>
    %convert_element_type3A_263 = arith.extui %lt3A_262 : vector<3584x56xi1> to vector<3584x56xi32>
    %eq3A_264 = vector.broadcast %slice3A_260 : vector<3584x1xf32> to vector<3584x56xf32>
    %eq3A_265 = arith.cmpf oeq, %eq3A_264, %reshape3A : vector<3584x56xf32>
    %gt3A_266 = arith.constant 16 : i32
    %gt3A_267 = vector.broadcast %gt3A_266 : i32 to vector<3584x56xi32>
    %gt3A_268 = arith.cmpi sgt, %iota3A, %gt3A_267 : vector<3584x56xi32>
    %and3A_269 = arith.andi %eq3A_265, %gt3A_268 : vector<3584x56xi1>
    %convert_element_type3A_270 = arith.extui %and3A_269 : vector<3584x56xi1> to vector<3584x56xi32>
    %add3A_271 = arith.addi %add3A_259, %convert_element_type3A_263 : vector<3584x56xi32>
    %add3A_272 = arith.addi %add3A_271, %convert_element_type3A_270 : vector<3584x56xi32>
    %slice3A_273 = vector.extract_strided_slice %reshape3A {offsets = [0, 17], sizes = [3584, 1], strides = [1, 1]} : vector<3584x56xf32> to vector<3584x1xf32>
    %lt3A_274 = vector.broadcast %slice3A_273 : vector<3584x1xf32> to vector<3584x56xf32>
    %lt3A_275 = arith.cmpf olt, %lt3A_274, %reshape3A : vector<3584x56xf32>
    %convert_element_type3A_276 = arith.extui %lt3A_275 : vector<3584x56xi1> to vector<3584x56xi32>
    %eq3A_277 = vector.broadcast %slice3A_273 : vector<3584x1xf32> to vector<3584x56xf32>
    %eq3A_278 = arith.cmpf oeq, %eq3A_277, %reshape3A : vector<3584x56xf32>
    %gt3A_279 = arith.constant 17 : i32
    %gt3A_280 = vector.broadcast %gt3A_279 : i32 to vector<3584x56xi32>
    %gt3A_281 = arith.cmpi sgt, %iota3A, %gt3A_280 : vector<3584x56xi32>
    %and3A_282 = arith.andi %eq3A_278, %gt3A_281 : vector<3584x56xi1>
    %convert_element_type3A_283 = arith.extui %and3A_282 : vector<3584x56xi1> to vector<3584x56xi32>
    %add3A_284 = arith.addi %add3A_272, %convert_element_type3A_276 : vector<3584x56xi32>
    %add3A_285 = arith.addi %add3A_284, %convert_element_type3A_283 : vector<3584x56xi32>
    %slice3A_286 = vector.extract_strided_slice %reshape3A {offsets = [0, 18], sizes = [3584, 1], strides = [1, 1]} : vector<3584x56xf32> to vector<3584x1xf32>
    %lt3A_287 = vector.broadcast %slice3A_286 : vector<3584x1xf32> to vector<3584x56xf32>
    %lt3A_288 = arith.cmpf olt, %lt3A_287, %reshape3A : vector<3584x56xf32>
    %convert_element_type3A_289 = arith.extui %lt3A_288 : vector<3584x56xi1> to vector<3584x56xi32>
    %eq3A_290 = vector.broadcast %slice3A_286 : vector<3584x1xf32> to vector<3584x56xf32>
    %eq3A_291 = arith.cmpf oeq, %eq3A_290, %reshape3A : vector<3584x56xf32>
    %gt3A_292 = arith.constant 18 : i32
    %gt3A_293 = vector.broadcast %gt3A_292 : i32 to vector<3584x56xi32>
    %gt3A_294 = arith.cmpi sgt, %iota3A, %gt3A_293 : vector<3584x56xi32>
    %and3A_295 = arith.andi %eq3A_291, %gt3A_294 : vector<3584x56xi1>
    %convert_element_type3A_296 = arith.extui %and3A_295 : vector<3584x56xi1> to vector<3584x56xi32>
    %add3A_297 = arith.addi %add3A_285, %convert_element_type3A_289 : vector<3584x56xi32>
    %add3A_298 = arith.addi %add3A_297, %convert_element_type3A_296 : vector<3584x56xi32>
    %slice3A_299 = vector.extract_strided_slice %reshape3A {offsets = [0, 19], sizes = [3584, 1], strides = [1, 1]} : vector<3584x56xf32> to vector<3584x1xf32>
    %lt3A_300 = vector.broadcast %slice3A_299 : vector<3584x1xf32> to vector<3584x56xf32>
    %lt3A_301 = arith.cmpf olt, %lt3A_300, %reshape3A : vector<3584x56xf32>
    %convert_element_type3A_302 = arith.extui %lt3A_301 : vector<3584x56xi1> to vector<3584x56xi32>
    %eq3A_303 = vector.broadcast %slice3A_299 : vector<3584x1xf32> to vector<3584x56xf32>
    %eq3A_304 = arith.cmpf oeq, %eq3A_303, %reshape3A : vector<3584x56xf32>
    %gt3A_305 = arith.constant 19 : i32
    %gt3A_306 = vector.broadcast %gt3A_305 : i32 to vector<3584x56xi32>
    %gt3A_307 = arith.cmpi sgt, %iota3A, %gt3A_306 : vector<3584x56xi32>
    %and3A_308 = arith.andi %eq3A_304, %gt3A_307 : vector<3584x56xi1>
    %convert_element_type3A_309 = arith.extui %and3A_308 : vector<3584x56xi1> to vector<3584x56xi32>
    %add3A_310 = arith.addi %add3A_298, %convert_element_type3A_302 : vector<3584x56xi32>
    %add3A_311 = arith.addi %add3A_310, %convert_element_type3A_309 : vector<3584x56xi32>
    %slice3A_312 = vector.extract_strided_slice %reshape3A {offsets = [0, 20], sizes = [3584, 1], strides = [1, 1]} : vector<3584x56xf32> to vector<3584x1xf32>
    %lt3A_313 = vector.broadcast %slice3A_312 : vector<3584x1xf32> to vector<3584x56xf32>
    %lt3A_314 = arith.cmpf olt, %lt3A_313, %reshape3A : vector<3584x56xf32>
    %convert_element_type3A_315 = arith.extui %lt3A_314 : vector<3584x56xi1> to vector<3584x56xi32>
    %eq3A_316 = vector.broadcast %slice3A_312 : vector<3584x1xf32> to vector<3584x56xf32>
    %eq3A_317 = arith.cmpf oeq, %eq3A_316, %reshape3A : vector<3584x56xf32>
    %gt3A_318 = arith.constant 20 : i32
    %gt3A_319 = vector.broadcast %gt3A_318 : i32 to vector<3584x56xi32>
    %gt3A_320 = arith.cmpi sgt, %iota3A, %gt3A_319 : vector<3584x56xi32>
    %and3A_321 = arith.andi %eq3A_317, %gt3A_320 : vector<3584x56xi1>
    %convert_element_type3A_322 = arith.extui %and3A_321 : vector<3584x56xi1> to vector<3584x56xi32>
    %add3A_323 = arith.addi %add3A_311, %convert_element_type3A_315 : vector<3584x56xi32>
    %add3A_324 = arith.addi %add3A_323, %convert_element_type3A_322 : vector<3584x56xi32>
    %slice3A_325 = vector.extract_strided_slice %reshape3A {offsets = [0, 21], sizes = [3584, 1], strides = [1, 1]} : vector<3584x56xf32> to vector<3584x1xf32>
    %lt3A_326 = vector.broadcast %slice3A_325 : vector<3584x1xf32> to vector<3584x56xf32>
    %lt3A_327 = arith.cmpf olt, %lt3A_326, %reshape3A : vector<3584x56xf32>
    %convert_element_type3A_328 = arith.extui %lt3A_327 : vector<3584x56xi1> to vector<3584x56xi32>
    %eq3A_329 = vector.broadcast %slice3A_325 : vector<3584x1xf32> to vector<3584x56xf32>
    %eq3A_330 = arith.cmpf oeq, %eq3A_329, %reshape3A : vector<3584x56xf32>
    %gt3A_331 = arith.constant 21 : i32
    %gt3A_332 = vector.broadcast %gt3A_331 : i32 to vector<3584x56xi32>
    %gt3A_333 = arith.cmpi sgt, %iota3A, %gt3A_332 : vector<3584x56xi32>
    %and3A_334 = arith.andi %eq3A_330, %gt3A_333 : vector<3584x56xi1>
    %convert_element_type3A_335 = arith.extui %and3A_334 : vector<3584x56xi1> to vector<3584x56xi32>
    %add3A_336 = arith.addi %add3A_324, %convert_element_type3A_328 : vector<3584x56xi32>
    %add3A_337 = arith.addi %add3A_336, %convert_element_type3A_335 : vector<3584x56xi32>
    %slice3A_338 = vector.extract_strided_slice %reshape3A {offsets = [0, 22], sizes = [3584, 1], strides = [1, 1]} : vector<3584x56xf32> to vector<3584x1xf32>
    %lt3A_339 = vector.broadcast %slice3A_338 : vector<3584x1xf32> to vector<3584x56xf32>
    %lt3A_340 = arith.cmpf olt, %lt3A_339, %reshape3A : vector<3584x56xf32>
    %convert_element_type3A_341 = arith.extui %lt3A_340 : vector<3584x56xi1> to vector<3584x56xi32>
    %eq3A_342 = vector.broadcast %slice3A_338 : vector<3584x1xf32> to vector<3584x56xf32>
    %eq3A_343 = arith.cmpf oeq, %eq3A_342, %reshape3A : vector<3584x56xf32>
    %gt3A_344 = arith.constant 22 : i32
    %gt3A_345 = vector.broadcast %gt3A_344 : i32 to vector<3584x56xi32>
    %gt3A_346 = arith.cmpi sgt, %iota3A, %gt3A_345 : vector<3584x56xi32>
    %and3A_347 = arith.andi %eq3A_343, %gt3A_346 : vector<3584x56xi1>
    %convert_element_type3A_348 = arith.extui %and3A_347 : vector<3584x56xi1> to vector<3584x56xi32>
    %add3A_349 = arith.addi %add3A_337, %convert_element_type3A_341 : vector<3584x56xi32>
    %add3A_350 = arith.addi %add3A_349, %convert_element_type3A_348 : vector<3584x56xi32>
    %slice3A_351 = vector.extract_strided_slice %reshape3A {offsets = [0, 23], sizes = [3584, 1], strides = [1, 1]} : vector<3584x56xf32> to vector<3584x1xf32>
    %lt3A_352 = vector.broadcast %slice3A_351 : vector<3584x1xf32> to vector<3584x56xf32>
    %lt3A_353 = arith.cmpf olt, %lt3A_352, %reshape3A : vector<3584x56xf32>
    %convert_element_type3A_354 = arith.extui %lt3A_353 : vector<3584x56xi1> to vector<3584x56xi32>
    %eq3A_355 = vector.broadcast %slice3A_351 : vector<3584x1xf32> to vector<3584x56xf32>
    %eq3A_356 = arith.cmpf oeq, %eq3A_355, %reshape3A : vector<3584x56xf32>
    %gt3A_357 = arith.constant 23 : i32
    %gt3A_358 = vector.broadcast %gt3A_357 : i32 to vector<3584x56xi32>
    %gt3A_359 = arith.cmpi sgt, %iota3A, %gt3A_358 : vector<3584x56xi32>
    %and3A_360 = arith.andi %eq3A_356, %gt3A_359 : vector<3584x56xi1>
    %convert_element_type3A_361 = arith.extui %and3A_360 : vector<3584x56xi1> to vector<3584x56xi32>
    %add3A_362 = arith.addi %add3A_350, %convert_element_type3A_354 : vector<3584x56xi32>
    %add3A_363 = arith.addi %add3A_362, %convert_element_type3A_361 : vector<3584x56xi32>
    %slice3A_364 = vector.extract_strided_slice %reshape3A {offsets = [0, 24], sizes = [3584, 1], strides = [1, 1]} : vector<3584x56xf32> to vector<3584x1xf32>
    %lt3A_365 = vector.broadcast %slice3A_364 : vector<3584x1xf32> to vector<3584x56xf32>
    %lt3A_366 = arith.cmpf olt, %lt3A_365, %reshape3A : vector<3584x56xf32>
    %convert_element_type3A_367 = arith.extui %lt3A_366 : vector<3584x56xi1> to vector<3584x56xi32>
    %eq3A_368 = vector.broadcast %slice3A_364 : vector<3584x1xf32> to vector<3584x56xf32>
    %eq3A_369 = arith.cmpf oeq, %eq3A_368, %reshape3A : vector<3584x56xf32>
    %gt3A_370 = arith.constant 24 : i32
    %gt3A_371 = vector.broadcast %gt3A_370 : i32 to vector<3584x56xi32>
    %gt3A_372 = arith.cmpi sgt, %iota3A, %gt3A_371 : vector<3584x56xi32>
    %and3A_373 = arith.andi %eq3A_369, %gt3A_372 : vector<3584x56xi1>
    %convert_element_type3A_374 = arith.extui %and3A_373 : vector<3584x56xi1> to vector<3584x56xi32>
    %add3A_375 = arith.addi %add3A_363, %convert_element_type3A_367 : vector<3584x56xi32>
    %add3A_376 = arith.addi %add3A_375, %convert_element_type3A_374 : vector<3584x56xi32>
    %slice3A_377 = vector.extract_strided_slice %reshape3A {offsets = [0, 25], sizes = [3584, 1], strides = [1, 1]} : vector<3584x56xf32> to vector<3584x1xf32>
    %lt3A_378 = vector.broadcast %slice3A_377 : vector<3584x1xf32> to vector<3584x56xf32>
    %lt3A_379 = arith.cmpf olt, %lt3A_378, %reshape3A : vector<3584x56xf32>
    %convert_element_type3A_380 = arith.extui %lt3A_379 : vector<3584x56xi1> to vector<3584x56xi32>
    %eq3A_381 = vector.broadcast %slice3A_377 : vector<3584x1xf32> to vector<3584x56xf32>
    %eq3A_382 = arith.cmpf oeq, %eq3A_381, %reshape3A : vector<3584x56xf32>
    %gt3A_383 = arith.constant 25 : i32
    %gt3A_384 = vector.broadcast %gt3A_383 : i32 to vector<3584x56xi32>
    %gt3A_385 = arith.cmpi sgt, %iota3A, %gt3A_384 : vector<3584x56xi32>
    %and3A_386 = arith.andi %eq3A_382, %gt3A_385 : vector<3584x56xi1>
    %convert_element_type3A_387 = arith.extui %and3A_386 : vector<3584x56xi1> to vector<3584x56xi32>
    %add3A_388 = arith.addi %add3A_376, %convert_element_type3A_380 : vector<3584x56xi32>
    %add3A_389 = arith.addi %add3A_388, %convert_element_type3A_387 : vector<3584x56xi32>
    %slice3A_390 = vector.extract_strided_slice %reshape3A {offsets = [0, 26], sizes = [3584, 1], strides = [1, 1]} : vector<3584x56xf32> to vector<3584x1xf32>
    %lt3A_391 = vector.broadcast %slice3A_390 : vector<3584x1xf32> to vector<3584x56xf32>
    %lt3A_392 = arith.cmpf olt, %lt3A_391, %reshape3A : vector<3584x56xf32>
    %convert_element_type3A_393 = arith.extui %lt3A_392 : vector<3584x56xi1> to vector<3584x56xi32>
    %eq3A_394 = vector.broadcast %slice3A_390 : vector<3584x1xf32> to vector<3584x56xf32>
    %eq3A_395 = arith.cmpf oeq, %eq3A_394, %reshape3A : vector<3584x56xf32>
    %gt3A_396 = arith.constant 26 : i32
    %gt3A_397 = vector.broadcast %gt3A_396 : i32 to vector<3584x56xi32>
    %gt3A_398 = arith.cmpi sgt, %iota3A, %gt3A_397 : vector<3584x56xi32>
    %and3A_399 = arith.andi %eq3A_395, %gt3A_398 : vector<3584x56xi1>
    %convert_element_type3A_400 = arith.extui %and3A_399 : vector<3584x56xi1> to vector<3584x56xi32>
    %add3A_401 = arith.addi %add3A_389, %convert_element_type3A_393 : vector<3584x56xi32>
    %add3A_402 = arith.addi %add3A_401, %convert_element_type3A_400 : vector<3584x56xi32>
    %slice3A_403 = vector.extract_strided_slice %reshape3A {offsets = [0, 27], sizes = [3584, 1], strides = [1, 1]} : vector<3584x56xf32> to vector<3584x1xf32>
    %lt3A_404 = vector.broadcast %slice3A_403 : vector<3584x1xf32> to vector<3584x56xf32>
    %lt3A_405 = arith.cmpf olt, %lt3A_404, %reshape3A : vector<3584x56xf32>
    %convert_element_type3A_406 = arith.extui %lt3A_405 : vector<3584x56xi1> to vector<3584x56xi32>
    %eq3A_407 = vector.broadcast %slice3A_403 : vector<3584x1xf32> to vector<3584x56xf32>
    %eq3A_408 = arith.cmpf oeq, %eq3A_407, %reshape3A : vector<3584x56xf32>
    %gt3A_409 = arith.constant 27 : i32
    %gt3A_410 = vector.broadcast %gt3A_409 : i32 to vector<3584x56xi32>
    %gt3A_411 = arith.cmpi sgt, %iota3A, %gt3A_410 : vector<3584x56xi32>
    %and3A_412 = arith.andi %eq3A_408, %gt3A_411 : vector<3584x56xi1>
    %convert_element_type3A_413 = arith.extui %and3A_412 : vector<3584x56xi1> to vector<3584x56xi32>
    %add3A_414 = arith.addi %add3A_402, %convert_element_type3A_406 : vector<3584x56xi32>
    %add3A_415 = arith.addi %add3A_414, %convert_element_type3A_413 : vector<3584x56xi32>
    %slice3A_416 = vector.extract_strided_slice %reshape3A {offsets = [0, 28], sizes = [3584, 1], strides = [1, 1]} : vector<3584x56xf32> to vector<3584x1xf32>
    %lt3A_417 = vector.broadcast %slice3A_416 : vector<3584x1xf32> to vector<3584x56xf32>
    %lt3A_418 = arith.cmpf olt, %lt3A_417, %reshape3A : vector<3584x56xf32>
    %convert_element_type3A_419 = arith.extui %lt3A_418 : vector<3584x56xi1> to vector<3584x56xi32>
    %eq3A_420 = vector.broadcast %slice3A_416 : vector<3584x1xf32> to vector<3584x56xf32>
    %eq3A_421 = arith.cmpf oeq, %eq3A_420, %reshape3A : vector<3584x56xf32>
    %gt3A_422 = arith.constant 28 : i32
    %gt3A_423 = vector.broadcast %gt3A_422 : i32 to vector<3584x56xi32>
    %gt3A_424 = arith.cmpi sgt, %iota3A, %gt3A_423 : vector<3584x56xi32>
    %and3A_425 = arith.andi %eq3A_421, %gt3A_424 : vector<3584x56xi1>
    %convert_element_type3A_426 = arith.extui %and3A_425 : vector<3584x56xi1> to vector<3584x56xi32>
    %add3A_427 = arith.addi %add3A_415, %convert_element_type3A_419 : vector<3584x56xi32>
    %add3A_428 = arith.addi %add3A_427, %convert_element_type3A_426 : vector<3584x56xi32>
    %slice3A_429 = vector.extract_strided_slice %reshape3A {offsets = [0, 29], sizes = [3584, 1], strides = [1, 1]} : vector<3584x56xf32> to vector<3584x1xf32>
    %lt3A_430 = vector.broadcast %slice3A_429 : vector<3584x1xf32> to vector<3584x56xf32>
    %lt3A_431 = arith.cmpf olt, %lt3A_430, %reshape3A : vector<3584x56xf32>
    %convert_element_type3A_432 = arith.extui %lt3A_431 : vector<3584x56xi1> to vector<3584x56xi32>
    %eq3A_433 = vector.broadcast %slice3A_429 : vector<3584x1xf32> to vector<3584x56xf32>
    %eq3A_434 = arith.cmpf oeq, %eq3A_433, %reshape3A : vector<3584x56xf32>
    %gt3A_435 = arith.constant 29 : i32
    %gt3A_436 = vector.broadcast %gt3A_435 : i32 to vector<3584x56xi32>
    %gt3A_437 = arith.cmpi sgt, %iota3A, %gt3A_436 : vector<3584x56xi32>
    %and3A_438 = arith.andi %eq3A_434, %gt3A_437 : vector<3584x56xi1>
    %convert_element_type3A_439 = arith.extui %and3A_438 : vector<3584x56xi1> to vector<3584x56xi32>
    %add3A_440 = arith.addi %add3A_428, %convert_element_type3A_432 : vector<3584x56xi32>
    %add3A_441 = arith.addi %add3A_440, %convert_element_type3A_439 : vector<3584x56xi32>
    %slice3A_442 = vector.extract_strided_slice %reshape3A {offsets = [0, 30], sizes = [3584, 1], strides = [1, 1]} : vector<3584x56xf32> to vector<3584x1xf32>
    %lt3A_443 = vector.broadcast %slice3A_442 : vector<3584x1xf32> to vector<3584x56xf32>
    %lt3A_444 = arith.cmpf olt, %lt3A_443, %reshape3A : vector<3584x56xf32>
    %convert_element_type3A_445 = arith.extui %lt3A_444 : vector<3584x56xi1> to vector<3584x56xi32>
    %eq3A_446 = vector.broadcast %slice3A_442 : vector<3584x1xf32> to vector<3584x56xf32>
    %eq3A_447 = arith.cmpf oeq, %eq3A_446, %reshape3A : vector<3584x56xf32>
    %gt3A_448 = arith.constant 30 : i32
    %gt3A_449 = vector.broadcast %gt3A_448 : i32 to vector<3584x56xi32>
    %gt3A_450 = arith.cmpi sgt, %iota3A, %gt3A_449 : vector<3584x56xi32>
    %and3A_451 = arith.andi %eq3A_447, %gt3A_450 : vector<3584x56xi1>
    %convert_element_type3A_452 = arith.extui %and3A_451 : vector<3584x56xi1> to vector<3584x56xi32>
    %add3A_453 = arith.addi %add3A_441, %convert_element_type3A_445 : vector<3584x56xi32>
    %add3A_454 = arith.addi %add3A_453, %convert_element_type3A_452 : vector<3584x56xi32>
    %slice3A_455 = vector.extract_strided_slice %reshape3A {offsets = [0, 31], sizes = [3584, 1], strides = [1, 1]} : vector<3584x56xf32> to vector<3584x1xf32>
    %lt3A_456 = vector.broadcast %slice3A_455 : vector<3584x1xf32> to vector<3584x56xf32>
    %lt3A_457 = arith.cmpf olt, %lt3A_456, %reshape3A : vector<3584x56xf32>
    %convert_element_type3A_458 = arith.extui %lt3A_457 : vector<3584x56xi1> to vector<3584x56xi32>
    %eq3A_459 = vector.broadcast %slice3A_455 : vector<3584x1xf32> to vector<3584x56xf32>
    %eq3A_460 = arith.cmpf oeq, %eq3A_459, %reshape3A : vector<3584x56xf32>
    %gt3A_461 = arith.constant 31 : i32
    %gt3A_462 = vector.broadcast %gt3A_461 : i32 to vector<3584x56xi32>
    %gt3A_463 = arith.cmpi sgt, %iota3A, %gt3A_462 : vector<3584x56xi32>
    %and3A_464 = arith.andi %eq3A_460, %gt3A_463 : vector<3584x56xi1>
    %convert_element_type3A_465 = arith.extui %and3A_464 : vector<3584x56xi1> to vector<3584x56xi32>
    %add3A_466 = arith.addi %add3A_454, %convert_element_type3A_458 : vector<3584x56xi32>
    %add3A_467 = arith.addi %add3A_466, %convert_element_type3A_465 : vector<3584x56xi32>
    %slice3A_468 = vector.extract_strided_slice %reshape3A {offsets = [0, 32], sizes = [3584, 1], strides = [1, 1]} : vector<3584x56xf32> to vector<3584x1xf32>
    %lt3A_469 = vector.broadcast %slice3A_468 : vector<3584x1xf32> to vector<3584x56xf32>
    %lt3A_470 = arith.cmpf olt, %lt3A_469, %reshape3A : vector<3584x56xf32>
    %convert_element_type3A_471 = arith.extui %lt3A_470 : vector<3584x56xi1> to vector<3584x56xi32>
    %eq3A_472 = vector.broadcast %slice3A_468 : vector<3584x1xf32> to vector<3584x56xf32>
    %eq3A_473 = arith.cmpf oeq, %eq3A_472, %reshape3A : vector<3584x56xf32>
    %gt3A_474 = arith.constant 32 : i32
    %gt3A_475 = vector.broadcast %gt3A_474 : i32 to vector<3584x56xi32>
    %gt3A_476 = arith.cmpi sgt, %iota3A, %gt3A_475 : vector<3584x56xi32>
    %and3A_477 = arith.andi %eq3A_473, %gt3A_476 : vector<3584x56xi1>
    %convert_element_type3A_478 = arith.extui %and3A_477 : vector<3584x56xi1> to vector<3584x56xi32>
    %add3A_479 = arith.addi %add3A_467, %convert_element_type3A_471 : vector<3584x56xi32>
    %add3A_480 = arith.addi %add3A_479, %convert_element_type3A_478 : vector<3584x56xi32>
    %slice3A_481 = vector.extract_strided_slice %reshape3A {offsets = [0, 33], sizes = [3584, 1], strides = [1, 1]} : vector<3584x56xf32> to vector<3584x1xf32>
    %lt3A_482 = vector.broadcast %slice3A_481 : vector<3584x1xf32> to vector<3584x56xf32>
    %lt3A_483 = arith.cmpf olt, %lt3A_482, %reshape3A : vector<3584x56xf32>
    %convert_element_type3A_484 = arith.extui %lt3A_483 : vector<3584x56xi1> to vector<3584x56xi32>
    %eq3A_485 = vector.broadcast %slice3A_481 : vector<3584x1xf32> to vector<3584x56xf32>
    %eq3A_486 = arith.cmpf oeq, %eq3A_485, %reshape3A : vector<3584x56xf32>
    %gt3A_487 = arith.constant 33 : i32
    %gt3A_488 = vector.broadcast %gt3A_487 : i32 to vector<3584x56xi32>
    %gt3A_489 = arith.cmpi sgt, %iota3A, %gt3A_488 : vector<3584x56xi32>
    %and3A_490 = arith.andi %eq3A_486, %gt3A_489 : vector<3584x56xi1>
    %convert_element_type3A_491 = arith.extui %and3A_490 : vector<3584x56xi1> to vector<3584x56xi32>
    %add3A_492 = arith.addi %add3A_480, %convert_element_type3A_484 : vector<3584x56xi32>
    %add3A_493 = arith.addi %add3A_492, %convert_element_type3A_491 : vector<3584x56xi32>
    %slice3A_494 = vector.extract_strided_slice %reshape3A {offsets = [0, 34], sizes = [3584, 1], strides = [1, 1]} : vector<3584x56xf32> to vector<3584x1xf32>
    %lt3A_495 = vector.broadcast %slice3A_494 : vector<3584x1xf32> to vector<3584x56xf32>
    %lt3A_496 = arith.cmpf olt, %lt3A_495, %reshape3A : vector<3584x56xf32>
    %convert_element_type3A_497 = arith.extui %lt3A_496 : vector<3584x56xi1> to vector<3584x56xi32>
    %eq3A_498 = vector.broadcast %slice3A_494 : vector<3584x1xf32> to vector<3584x56xf32>
    %eq3A_499 = arith.cmpf oeq, %eq3A_498, %reshape3A : vector<3584x56xf32>
    %gt3A_500 = arith.constant 34 : i32
    %gt3A_501 = vector.broadcast %gt3A_500 : i32 to vector<3584x56xi32>
    %gt3A_502 = arith.cmpi sgt, %iota3A, %gt3A_501 : vector<3584x56xi32>
    %and3A_503 = arith.andi %eq3A_499, %gt3A_502 : vector<3584x56xi1>
    %convert_element_type3A_504 = arith.extui %and3A_503 : vector<3584x56xi1> to vector<3584x56xi32>
    %add3A_505 = arith.addi %add3A_493, %convert_element_type3A_497 : vector<3584x56xi32>
    %add3A_506 = arith.addi %add3A_505, %convert_element_type3A_504 : vector<3584x56xi32>
    %slice3A_507 = vector.extract_strided_slice %reshape3A {offsets = [0, 35], sizes = [3584, 1], strides = [1, 1]} : vector<3584x56xf32> to vector<3584x1xf32>
    %lt3A_508 = vector.broadcast %slice3A_507 : vector<3584x1xf32> to vector<3584x56xf32>
    %lt3A_509 = arith.cmpf olt, %lt3A_508, %reshape3A : vector<3584x56xf32>
    %convert_element_type3A_510 = arith.extui %lt3A_509 : vector<3584x56xi1> to vector<3584x56xi32>
    %eq3A_511 = vector.broadcast %slice3A_507 : vector<3584x1xf32> to vector<3584x56xf32>
    %eq3A_512 = arith.cmpf oeq, %eq3A_511, %reshape3A : vector<3584x56xf32>
    %gt3A_513 = arith.constant 35 : i32
    %gt3A_514 = vector.broadcast %gt3A_513 : i32 to vector<3584x56xi32>
    %gt3A_515 = arith.cmpi sgt, %iota3A, %gt3A_514 : vector<3584x56xi32>
    %and3A_516 = arith.andi %eq3A_512, %gt3A_515 : vector<3584x56xi1>
    %convert_element_type3A_517 = arith.extui %and3A_516 : vector<3584x56xi1> to vector<3584x56xi32>
    %add3A_518 = arith.addi %add3A_506, %convert_element_type3A_510 : vector<3584x56xi32>
    %add3A_519 = arith.addi %add3A_518, %convert_element_type3A_517 : vector<3584x56xi32>
    %slice3A_520 = vector.extract_strided_slice %reshape3A {offsets = [0, 36], sizes = [3584, 1], strides = [1, 1]} : vector<3584x56xf32> to vector<3584x1xf32>
    %lt3A_521 = vector.broadcast %slice3A_520 : vector<3584x1xf32> to vector<3584x56xf32>
    %lt3A_522 = arith.cmpf olt, %lt3A_521, %reshape3A : vector<3584x56xf32>
    %convert_element_type3A_523 = arith.extui %lt3A_522 : vector<3584x56xi1> to vector<3584x56xi32>
    %eq3A_524 = vector.broadcast %slice3A_520 : vector<3584x1xf32> to vector<3584x56xf32>
    %eq3A_525 = arith.cmpf oeq, %eq3A_524, %reshape3A : vector<3584x56xf32>
    %gt3A_526 = arith.constant 36 : i32
    %gt3A_527 = vector.broadcast %gt3A_526 : i32 to vector<3584x56xi32>
    %gt3A_528 = arith.cmpi sgt, %iota3A, %gt3A_527 : vector<3584x56xi32>
    %and3A_529 = arith.andi %eq3A_525, %gt3A_528 : vector<3584x56xi1>
    %convert_element_type3A_530 = arith.extui %and3A_529 : vector<3584x56xi1> to vector<3584x56xi32>
    %add3A_531 = arith.addi %add3A_519, %convert_element_type3A_523 : vector<3584x56xi32>
    %add3A_532 = arith.addi %add3A_531, %convert_element_type3A_530 : vector<3584x56xi32>
    %slice3A_533 = vector.extract_strided_slice %reshape3A {offsets = [0, 37], sizes = [3584, 1], strides = [1, 1]} : vector<3584x56xf32> to vector<3584x1xf32>
    %lt3A_534 = vector.broadcast %slice3A_533 : vector<3584x1xf32> to vector<3584x56xf32>
    %lt3A_535 = arith.cmpf olt, %lt3A_534, %reshape3A : vector<3584x56xf32>
    %convert_element_type3A_536 = arith.extui %lt3A_535 : vector<3584x56xi1> to vector<3584x56xi32>
    %eq3A_537 = vector.broadcast %slice3A_533 : vector<3584x1xf32> to vector<3584x56xf32>
    %eq3A_538 = arith.cmpf oeq, %eq3A_537, %reshape3A : vector<3584x56xf32>
    %gt3A_539 = arith.constant 37 : i32
    %gt3A_540 = vector.broadcast %gt3A_539 : i32 to vector<3584x56xi32>
    %gt3A_541 = arith.cmpi sgt, %iota3A, %gt3A_540 : vector<3584x56xi32>
    %and3A_542 = arith.andi %eq3A_538, %gt3A_541 : vector<3584x56xi1>
    %convert_element_type3A_543 = arith.extui %and3A_542 : vector<3584x56xi1> to vector<3584x56xi32>
    %add3A_544 = arith.addi %add3A_532, %convert_element_type3A_536 : vector<3584x56xi32>
    %add3A_545 = arith.addi %add3A_544, %convert_element_type3A_543 : vector<3584x56xi32>
    %slice3A_546 = vector.extract_strided_slice %reshape3A {offsets = [0, 38], sizes = [3584, 1], strides = [1, 1]} : vector<3584x56xf32> to vector<3584x1xf32>
    %lt3A_547 = vector.broadcast %slice3A_546 : vector<3584x1xf32> to vector<3584x56xf32>
    %lt3A_548 = arith.cmpf olt, %lt3A_547, %reshape3A : vector<3584x56xf32>
    %convert_element_type3A_549 = arith.extui %lt3A_548 : vector<3584x56xi1> to vector<3584x56xi32>
    %eq3A_550 = vector.broadcast %slice3A_546 : vector<3584x1xf32> to vector<3584x56xf32>
    %eq3A_551 = arith.cmpf oeq, %eq3A_550, %reshape3A : vector<3584x56xf32>
    %gt3A_552 = arith.constant 38 : i32
    %gt3A_553 = vector.broadcast %gt3A_552 : i32 to vector<3584x56xi32>
    %gt3A_554 = arith.cmpi sgt, %iota3A, %gt3A_553 : vector<3584x56xi32>
    %and3A_555 = arith.andi %eq3A_551, %gt3A_554 : vector<3584x56xi1>
    %convert_element_type3A_556 = arith.extui %and3A_555 : vector<3584x56xi1> to vector<3584x56xi32>
    %add3A_557 = arith.addi %add3A_545, %convert_element_type3A_549 : vector<3584x56xi32>
    %add3A_558 = arith.addi %add3A_557, %convert_element_type3A_556 : vector<3584x56xi32>
    %slice3A_559 = vector.extract_strided_slice %reshape3A {offsets = [0, 39], sizes = [3584, 1], strides = [1, 1]} : vector<3584x56xf32> to vector<3584x1xf32>
    %lt3A_560 = vector.broadcast %slice3A_559 : vector<3584x1xf32> to vector<3584x56xf32>
    %lt3A_561 = arith.cmpf olt, %lt3A_560, %reshape3A : vector<3584x56xf32>
    %convert_element_type3A_562 = arith.extui %lt3A_561 : vector<3584x56xi1> to vector<3584x56xi32>
    %eq3A_563 = vector.broadcast %slice3A_559 : vector<3584x1xf32> to vector<3584x56xf32>
    %eq3A_564 = arith.cmpf oeq, %eq3A_563, %reshape3A : vector<3584x56xf32>
    %gt3A_565 = arith.constant 39 : i32
    %gt3A_566 = vector.broadcast %gt3A_565 : i32 to vector<3584x56xi32>
    %gt3A_567 = arith.cmpi sgt, %iota3A, %gt3A_566 : vector<3584x56xi32>
    %and3A_568 = arith.andi %eq3A_564, %gt3A_567 : vector<3584x56xi1>
    %convert_element_type3A_569 = arith.extui %and3A_568 : vector<3584x56xi1> to vector<3584x56xi32>
    %add3A_570 = arith.addi %add3A_558, %convert_element_type3A_562 : vector<3584x56xi32>
    %add3A_571 = arith.addi %add3A_570, %convert_element_type3A_569 : vector<3584x56xi32>
    %slice3A_572 = vector.extract_strided_slice %reshape3A {offsets = [0, 40], sizes = [3584, 1], strides = [1, 1]} : vector<3584x56xf32> to vector<3584x1xf32>
    %lt3A_573 = vector.broadcast %slice3A_572 : vector<3584x1xf32> to vector<3584x56xf32>
    %lt3A_574 = arith.cmpf olt, %lt3A_573, %reshape3A : vector<3584x56xf32>
    %convert_element_type3A_575 = arith.extui %lt3A_574 : vector<3584x56xi1> to vector<3584x56xi32>
    %eq3A_576 = vector.broadcast %slice3A_572 : vector<3584x1xf32> to vector<3584x56xf32>
    %eq3A_577 = arith.cmpf oeq, %eq3A_576, %reshape3A : vector<3584x56xf32>
    %gt3A_578 = arith.constant 40 : i32
    %gt3A_579 = vector.broadcast %gt3A_578 : i32 to vector<3584x56xi32>
    %gt3A_580 = arith.cmpi sgt, %iota3A, %gt3A_579 : vector<3584x56xi32>
    %and3A_581 = arith.andi %eq3A_577, %gt3A_580 : vector<3584x56xi1>
    %convert_element_type3A_582 = arith.extui %and3A_581 : vector<3584x56xi1> to vector<3584x56xi32>
    %add3A_583 = arith.addi %add3A_571, %convert_element_type3A_575 : vector<3584x56xi32>
    %add3A_584 = arith.addi %add3A_583, %convert_element_type3A_582 : vector<3584x56xi32>
    %slice3A_585 = vector.extract_strided_slice %reshape3A {offsets = [0, 41], sizes = [3584, 1], strides = [1, 1]} : vector<3584x56xf32> to vector<3584x1xf32>
    %lt3A_586 = vector.broadcast %slice3A_585 : vector<3584x1xf32> to vector<3584x56xf32>
    %lt3A_587 = arith.cmpf olt, %lt3A_586, %reshape3A : vector<3584x56xf32>
    %convert_element_type3A_588 = arith.extui %lt3A_587 : vector<3584x56xi1> to vector<3584x56xi32>
    %eq3A_589 = vector.broadcast %slice3A_585 : vector<3584x1xf32> to vector<3584x56xf32>
    %eq3A_590 = arith.cmpf oeq, %eq3A_589, %reshape3A : vector<3584x56xf32>
    %gt3A_591 = arith.constant 41 : i32
    %gt3A_592 = vector.broadcast %gt3A_591 : i32 to vector<3584x56xi32>
    %gt3A_593 = arith.cmpi sgt, %iota3A, %gt3A_592 : vector<3584x56xi32>
    %and3A_594 = arith.andi %eq3A_590, %gt3A_593 : vector<3584x56xi1>
    %convert_element_type3A_595 = arith.extui %and3A_594 : vector<3584x56xi1> to vector<3584x56xi32>
    %add3A_596 = arith.addi %add3A_584, %convert_element_type3A_588 : vector<3584x56xi32>
    %add3A_597 = arith.addi %add3A_596, %convert_element_type3A_595 : vector<3584x56xi32>
    %slice3A_598 = vector.extract_strided_slice %reshape3A {offsets = [0, 42], sizes = [3584, 1], strides = [1, 1]} : vector<3584x56xf32> to vector<3584x1xf32>
    %lt3A_599 = vector.broadcast %slice3A_598 : vector<3584x1xf32> to vector<3584x56xf32>
    %lt3A_600 = arith.cmpf olt, %lt3A_599, %reshape3A : vector<3584x56xf32>
    %convert_element_type3A_601 = arith.extui %lt3A_600 : vector<3584x56xi1> to vector<3584x56xi32>
    %eq3A_602 = vector.broadcast %slice3A_598 : vector<3584x1xf32> to vector<3584x56xf32>
    %eq3A_603 = arith.cmpf oeq, %eq3A_602, %reshape3A : vector<3584x56xf32>
    %gt3A_604 = arith.constant 42 : i32
    %gt3A_605 = vector.broadcast %gt3A_604 : i32 to vector<3584x56xi32>
    %gt3A_606 = arith.cmpi sgt, %iota3A, %gt3A_605 : vector<3584x56xi32>
    %and3A_607 = arith.andi %eq3A_603, %gt3A_606 : vector<3584x56xi1>
    %convert_element_type3A_608 = arith.extui %and3A_607 : vector<3584x56xi1> to vector<3584x56xi32>
    %add3A_609 = arith.addi %add3A_597, %convert_element_type3A_601 : vector<3584x56xi32>
    %add3A_610 = arith.addi %add3A_609, %convert_element_type3A_608 : vector<3584x56xi32>
    %slice3A_611 = vector.extract_strided_slice %reshape3A {offsets = [0, 43], sizes = [3584, 1], strides = [1, 1]} : vector<3584x56xf32> to vector<3584x1xf32>
    %lt3A_612 = vector.broadcast %slice3A_611 : vector<3584x1xf32> to vector<3584x56xf32>
    %lt3A_613 = arith.cmpf olt, %lt3A_612, %reshape3A : vector<3584x56xf32>
    %convert_element_type3A_614 = arith.extui %lt3A_613 : vector<3584x56xi1> to vector<3584x56xi32>
    %eq3A_615 = vector.broadcast %slice3A_611 : vector<3584x1xf32> to vector<3584x56xf32>
    %eq3A_616 = arith.cmpf oeq, %eq3A_615, %reshape3A : vector<3584x56xf32>
    %gt3A_617 = arith.constant 43 : i32
    %gt3A_618 = vector.broadcast %gt3A_617 : i32 to vector<3584x56xi32>
    %gt3A_619 = arith.cmpi sgt, %iota3A, %gt3A_618 : vector<3584x56xi32>
    %and3A_620 = arith.andi %eq3A_616, %gt3A_619 : vector<3584x56xi1>
    %convert_element_type3A_621 = arith.extui %and3A_620 : vector<3584x56xi1> to vector<3584x56xi32>
    %add3A_622 = arith.addi %add3A_610, %convert_element_type3A_614 : vector<3584x56xi32>
    %add3A_623 = arith.addi %add3A_622, %convert_element_type3A_621 : vector<3584x56xi32>
    %slice3A_624 = vector.extract_strided_slice %reshape3A {offsets = [0, 44], sizes = [3584, 1], strides = [1, 1]} : vector<3584x56xf32> to vector<3584x1xf32>
    %lt3A_625 = vector.broadcast %slice3A_624 : vector<3584x1xf32> to vector<3584x56xf32>
    %lt3A_626 = arith.cmpf olt, %lt3A_625, %reshape3A : vector<3584x56xf32>
    %convert_element_type3A_627 = arith.extui %lt3A_626 : vector<3584x56xi1> to vector<3584x56xi32>
    %eq3A_628 = vector.broadcast %slice3A_624 : vector<3584x1xf32> to vector<3584x56xf32>
    %eq3A_629 = arith.cmpf oeq, %eq3A_628, %reshape3A : vector<3584x56xf32>
    %gt3A_630 = arith.constant 44 : i32
    %gt3A_631 = vector.broadcast %gt3A_630 : i32 to vector<3584x56xi32>
    %gt3A_632 = arith.cmpi sgt, %iota3A, %gt3A_631 : vector<3584x56xi32>
    %and3A_633 = arith.andi %eq3A_629, %gt3A_632 : vector<3584x56xi1>
    %convert_element_type3A_634 = arith.extui %and3A_633 : vector<3584x56xi1> to vector<3584x56xi32>
    %add3A_635 = arith.addi %add3A_623, %convert_element_type3A_627 : vector<3584x56xi32>
    %add3A_636 = arith.addi %add3A_635, %convert_element_type3A_634 : vector<3584x56xi32>
    %slice3A_637 = vector.extract_strided_slice %reshape3A {offsets = [0, 45], sizes = [3584, 1], strides = [1, 1]} : vector<3584x56xf32> to vector<3584x1xf32>
    %lt3A_638 = vector.broadcast %slice3A_637 : vector<3584x1xf32> to vector<3584x56xf32>
    %lt3A_639 = arith.cmpf olt, %lt3A_638, %reshape3A : vector<3584x56xf32>
    %convert_element_type3A_640 = arith.extui %lt3A_639 : vector<3584x56xi1> to vector<3584x56xi32>
    %eq3A_641 = vector.broadcast %slice3A_637 : vector<3584x1xf32> to vector<3584x56xf32>
    %eq3A_642 = arith.cmpf oeq, %eq3A_641, %reshape3A : vector<3584x56xf32>
    %gt3A_643 = arith.constant 45 : i32
    %gt3A_644 = vector.broadcast %gt3A_643 : i32 to vector<3584x56xi32>
    %gt3A_645 = arith.cmpi sgt, %iota3A, %gt3A_644 : vector<3584x56xi32>
    %and3A_646 = arith.andi %eq3A_642, %gt3A_645 : vector<3584x56xi1>
    %convert_element_type3A_647 = arith.extui %and3A_646 : vector<3584x56xi1> to vector<3584x56xi32>
    %add3A_648 = arith.addi %add3A_636, %convert_element_type3A_640 : vector<3584x56xi32>
    %add3A_649 = arith.addi %add3A_648, %convert_element_type3A_647 : vector<3584x56xi32>
    %slice3A_650 = vector.extract_strided_slice %reshape3A {offsets = [0, 46], sizes = [3584, 1], strides = [1, 1]} : vector<3584x56xf32> to vector<3584x1xf32>
    %lt3A_651 = vector.broadcast %slice3A_650 : vector<3584x1xf32> to vector<3584x56xf32>
    %lt3A_652 = arith.cmpf olt, %lt3A_651, %reshape3A : vector<3584x56xf32>
    %convert_element_type3A_653 = arith.extui %lt3A_652 : vector<3584x56xi1> to vector<3584x56xi32>
    %eq3A_654 = vector.broadcast %slice3A_650 : vector<3584x1xf32> to vector<3584x56xf32>
    %eq3A_655 = arith.cmpf oeq, %eq3A_654, %reshape3A : vector<3584x56xf32>
    %gt3A_656 = arith.constant 46 : i32
    %gt3A_657 = vector.broadcast %gt3A_656 : i32 to vector<3584x56xi32>
    %gt3A_658 = arith.cmpi sgt, %iota3A, %gt3A_657 : vector<3584x56xi32>
    %and3A_659 = arith.andi %eq3A_655, %gt3A_658 : vector<3584x56xi1>
    %convert_element_type3A_660 = arith.extui %and3A_659 : vector<3584x56xi1> to vector<3584x56xi32>
    %add3A_661 = arith.addi %add3A_649, %convert_element_type3A_653 : vector<3584x56xi32>
    %add3A_662 = arith.addi %add3A_661, %convert_element_type3A_660 : vector<3584x56xi32>
    %slice3A_663 = vector.extract_strided_slice %reshape3A {offsets = [0, 47], sizes = [3584, 1], strides = [1, 1]} : vector<3584x56xf32> to vector<3584x1xf32>
    %lt3A_664 = vector.broadcast %slice3A_663 : vector<3584x1xf32> to vector<3584x56xf32>
    %lt3A_665 = arith.cmpf olt, %lt3A_664, %reshape3A : vector<3584x56xf32>
    %convert_element_type3A_666 = arith.extui %lt3A_665 : vector<3584x56xi1> to vector<3584x56xi32>
    %eq3A_667 = vector.broadcast %slice3A_663 : vector<3584x1xf32> to vector<3584x56xf32>
    %eq3A_668 = arith.cmpf oeq, %eq3A_667, %reshape3A : vector<3584x56xf32>
    %gt3A_669 = arith.constant 47 : i32
    %gt3A_670 = vector.broadcast %gt3A_669 : i32 to vector<3584x56xi32>
    %gt3A_671 = arith.cmpi sgt, %iota3A, %gt3A_670 : vector<3584x56xi32>
    %and3A_672 = arith.andi %eq3A_668, %gt3A_671 : vector<3584x56xi1>
    %convert_element_type3A_673 = arith.extui %and3A_672 : vector<3584x56xi1> to vector<3584x56xi32>
    %add3A_674 = arith.addi %add3A_662, %convert_element_type3A_666 : vector<3584x56xi32>
    %add3A_675 = arith.addi %add3A_674, %convert_element_type3A_673 : vector<3584x56xi32>
    %slice3A_676 = vector.extract_strided_slice %reshape3A {offsets = [0, 48], sizes = [3584, 1], strides = [1, 1]} : vector<3584x56xf32> to vector<3584x1xf32>
    %lt3A_677 = vector.broadcast %slice3A_676 : vector<3584x1xf32> to vector<3584x56xf32>
    %lt3A_678 = arith.cmpf olt, %lt3A_677, %reshape3A : vector<3584x56xf32>
    %convert_element_type3A_679 = arith.extui %lt3A_678 : vector<3584x56xi1> to vector<3584x56xi32>
    %eq3A_680 = vector.broadcast %slice3A_676 : vector<3584x1xf32> to vector<3584x56xf32>
    %eq3A_681 = arith.cmpf oeq, %eq3A_680, %reshape3A : vector<3584x56xf32>
    %gt3A_682 = arith.constant 48 : i32
    %gt3A_683 = vector.broadcast %gt3A_682 : i32 to vector<3584x56xi32>
    %gt3A_684 = arith.cmpi sgt, %iota3A, %gt3A_683 : vector<3584x56xi32>
    %and3A_685 = arith.andi %eq3A_681, %gt3A_684 : vector<3584x56xi1>
    %convert_element_type3A_686 = arith.extui %and3A_685 : vector<3584x56xi1> to vector<3584x56xi32>
    %add3A_687 = arith.addi %add3A_675, %convert_element_type3A_679 : vector<3584x56xi32>
    %add3A_688 = arith.addi %add3A_687, %convert_element_type3A_686 : vector<3584x56xi32>
    %slice3A_689 = vector.extract_strided_slice %reshape3A {offsets = [0, 49], sizes = [3584, 1], strides = [1, 1]} : vector<3584x56xf32> to vector<3584x1xf32>
    %lt3A_690 = vector.broadcast %slice3A_689 : vector<3584x1xf32> to vector<3584x56xf32>
    %lt3A_691 = arith.cmpf olt, %lt3A_690, %reshape3A : vector<3584x56xf32>
    %convert_element_type3A_692 = arith.extui %lt3A_691 : vector<3584x56xi1> to vector<3584x56xi32>
    %eq3A_693 = vector.broadcast %slice3A_689 : vector<3584x1xf32> to vector<3584x56xf32>
    %eq3A_694 = arith.cmpf oeq, %eq3A_693, %reshape3A : vector<3584x56xf32>
    %gt3A_695 = arith.constant 49 : i32
    %gt3A_696 = vector.broadcast %gt3A_695 : i32 to vector<3584x56xi32>
    %gt3A_697 = arith.cmpi sgt, %iota3A, %gt3A_696 : vector<3584x56xi32>
    %and3A_698 = arith.andi %eq3A_694, %gt3A_697 : vector<3584x56xi1>
    %convert_element_type3A_699 = arith.extui %and3A_698 : vector<3584x56xi1> to vector<3584x56xi32>
    %add3A_700 = arith.addi %add3A_688, %convert_element_type3A_692 : vector<3584x56xi32>
    %add3A_701 = arith.addi %add3A_700, %convert_element_type3A_699 : vector<3584x56xi32>
    %slice3A_702 = vector.extract_strided_slice %reshape3A {offsets = [0, 50], sizes = [3584, 1], strides = [1, 1]} : vector<3584x56xf32> to vector<3584x1xf32>
    %lt3A_703 = vector.broadcast %slice3A_702 : vector<3584x1xf32> to vector<3584x56xf32>
    %lt3A_704 = arith.cmpf olt, %lt3A_703, %reshape3A : vector<3584x56xf32>
    %convert_element_type3A_705 = arith.extui %lt3A_704 : vector<3584x56xi1> to vector<3584x56xi32>
    %eq3A_706 = vector.broadcast %slice3A_702 : vector<3584x1xf32> to vector<3584x56xf32>
    %eq3A_707 = arith.cmpf oeq, %eq3A_706, %reshape3A : vector<3584x56xf32>
    %gt3A_708 = arith.constant 50 : i32
    %gt3A_709 = vector.broadcast %gt3A_708 : i32 to vector<3584x56xi32>
    %gt3A_710 = arith.cmpi sgt, %iota3A, %gt3A_709 : vector<3584x56xi32>
    %and3A_711 = arith.andi %eq3A_707, %gt3A_710 : vector<3584x56xi1>
    %convert_element_type3A_712 = arith.extui %and3A_711 : vector<3584x56xi1> to vector<3584x56xi32>
    %add3A_713 = arith.addi %add3A_701, %convert_element_type3A_705 : vector<3584x56xi32>
    %add3A_714 = arith.addi %add3A_713, %convert_element_type3A_712 : vector<3584x56xi32>
    %slice3A_715 = vector.extract_strided_slice %reshape3A {offsets = [0, 51], sizes = [3584, 1], strides = [1, 1]} : vector<3584x56xf32> to vector<3584x1xf32>
    %lt3A_716 = vector.broadcast %slice3A_715 : vector<3584x1xf32> to vector<3584x56xf32>
    %lt3A_717 = arith.cmpf olt, %lt3A_716, %reshape3A : vector<3584x56xf32>
    %convert_element_type3A_718 = arith.extui %lt3A_717 : vector<3584x56xi1> to vector<3584x56xi32>
    %eq3A_719 = vector.broadcast %slice3A_715 : vector<3584x1xf32> to vector<3584x56xf32>
    %eq3A_720 = arith.cmpf oeq, %eq3A_719, %reshape3A : vector<3584x56xf32>
    %gt3A_721 = arith.constant 51 : i32
    %gt3A_722 = vector.broadcast %gt3A_721 : i32 to vector<3584x56xi32>
    %gt3A_723 = arith.cmpi sgt, %iota3A, %gt3A_722 : vector<3584x56xi32>
    %and3A_724 = arith.andi %eq3A_720, %gt3A_723 : vector<3584x56xi1>
    %convert_element_type3A_725 = arith.extui %and3A_724 : vector<3584x56xi1> to vector<3584x56xi32>
    %add3A_726 = arith.addi %add3A_714, %convert_element_type3A_718 : vector<3584x56xi32>
    %add3A_727 = arith.addi %add3A_726, %convert_element_type3A_725 : vector<3584x56xi32>
    %slice3A_728 = vector.extract_strided_slice %reshape3A {offsets = [0, 52], sizes = [3584, 1], strides = [1, 1]} : vector<3584x56xf32> to vector<3584x1xf32>
    %lt3A_729 = vector.broadcast %slice3A_728 : vector<3584x1xf32> to vector<3584x56xf32>
    %lt3A_730 = arith.cmpf olt, %lt3A_729, %reshape3A : vector<3584x56xf32>
    %convert_element_type3A_731 = arith.extui %lt3A_730 : vector<3584x56xi1> to vector<3584x56xi32>
    %eq3A_732 = vector.broadcast %slice3A_728 : vector<3584x1xf32> to vector<3584x56xf32>
    %eq3A_733 = arith.cmpf oeq, %eq3A_732, %reshape3A : vector<3584x56xf32>
    %gt3A_734 = arith.constant 52 : i32
    %gt3A_735 = vector.broadcast %gt3A_734 : i32 to vector<3584x56xi32>
    %gt3A_736 = arith.cmpi sgt, %iota3A, %gt3A_735 : vector<3584x56xi32>
    %and3A_737 = arith.andi %eq3A_733, %gt3A_736 : vector<3584x56xi1>
    %convert_element_type3A_738 = arith.extui %and3A_737 : vector<3584x56xi1> to vector<3584x56xi32>
    %add3A_739 = arith.addi %add3A_727, %convert_element_type3A_731 : vector<3584x56xi32>
    %add3A_740 = arith.addi %add3A_739, %convert_element_type3A_738 : vector<3584x56xi32>
    %slice3A_741 = vector.extract_strided_slice %reshape3A {offsets = [0, 53], sizes = [3584, 1], strides = [1, 1]} : vector<3584x56xf32> to vector<3584x1xf32>
    %lt3A_742 = vector.broadcast %slice3A_741 : vector<3584x1xf32> to vector<3584x56xf32>
    %lt3A_743 = arith.cmpf olt, %lt3A_742, %reshape3A : vector<3584x56xf32>
    %convert_element_type3A_744 = arith.extui %lt3A_743 : vector<3584x56xi1> to vector<3584x56xi32>
    %eq3A_745 = vector.broadcast %slice3A_741 : vector<3584x1xf32> to vector<3584x56xf32>
    %eq3A_746 = arith.cmpf oeq, %eq3A_745, %reshape3A : vector<3584x56xf32>
    %gt3A_747 = arith.constant 53 : i32
    %gt3A_748 = vector.broadcast %gt3A_747 : i32 to vector<3584x56xi32>
    %gt3A_749 = arith.cmpi sgt, %iota3A, %gt3A_748 : vector<3584x56xi32>
    %and3A_750 = arith.andi %eq3A_746, %gt3A_749 : vector<3584x56xi1>
    %convert_element_type3A_751 = arith.extui %and3A_750 : vector<3584x56xi1> to vector<3584x56xi32>
    %add3A_752 = arith.addi %add3A_740, %convert_element_type3A_744 : vector<3584x56xi32>
    %add3A_753 = arith.addi %add3A_752, %convert_element_type3A_751 : vector<3584x56xi32>
    %slice3A_754 = vector.extract_strided_slice %reshape3A {offsets = [0, 54], sizes = [3584, 1], strides = [1, 1]} : vector<3584x56xf32> to vector<3584x1xf32>
    %lt3A_755 = vector.broadcast %slice3A_754 : vector<3584x1xf32> to vector<3584x56xf32>
    %lt3A_756 = arith.cmpf olt, %lt3A_755, %reshape3A : vector<3584x56xf32>
    %convert_element_type3A_757 = arith.extui %lt3A_756 : vector<3584x56xi1> to vector<3584x56xi32>
    %eq3A_758 = vector.broadcast %slice3A_754 : vector<3584x1xf32> to vector<3584x56xf32>
    %eq3A_759 = arith.cmpf oeq, %eq3A_758, %reshape3A : vector<3584x56xf32>
    %gt3A_760 = arith.constant 54 : i32
    %gt3A_761 = vector.broadcast %gt3A_760 : i32 to vector<3584x56xi32>
    %gt3A_762 = arith.cmpi sgt, %iota3A, %gt3A_761 : vector<3584x56xi32>
    %and3A_763 = arith.andi %eq3A_759, %gt3A_762 : vector<3584x56xi1>
    %convert_element_type3A_764 = arith.extui %and3A_763 : vector<3584x56xi1> to vector<3584x56xi32>
    %add3A_765 = arith.addi %add3A_753, %convert_element_type3A_757 : vector<3584x56xi32>
    %add3A_766 = arith.addi %add3A_765, %convert_element_type3A_764 : vector<3584x56xi32>
    %slice3A_767 = vector.extract_strided_slice %reshape3A {offsets = [0, 55], sizes = [3584, 1], strides = [1, 1]} : vector<3584x56xf32> to vector<3584x1xf32>
    %lt3A_768 = vector.broadcast %slice3A_767 : vector<3584x1xf32> to vector<3584x56xf32>
    %lt3A_769 = arith.cmpf olt, %lt3A_768, %reshape3A : vector<3584x56xf32>
    %convert_element_type3A_770 = arith.extui %lt3A_769 : vector<3584x56xi1> to vector<3584x56xi32>
    %eq3A_771 = vector.broadcast %slice3A_767 : vector<3584x1xf32> to vector<3584x56xf32>
    %eq3A_772 = arith.cmpf oeq, %eq3A_771, %reshape3A : vector<3584x56xf32>
    %gt3A_773 = arith.constant 55 : i32
    %gt3A_774 = vector.broadcast %gt3A_773 : i32 to vector<3584x56xi32>
    %gt3A_775 = arith.cmpi sgt, %iota3A, %gt3A_774 : vector<3584x56xi32>
    %and3A_776 = arith.andi %eq3A_772, %gt3A_775 : vector<3584x56xi1>
    %convert_element_type3A_777 = arith.extui %and3A_776 : vector<3584x56xi1> to vector<3584x56xi32>
    %add3A_778 = arith.addi %add3A_766, %convert_element_type3A_770 : vector<3584x56xi32>
    %add3A_779 = arith.addi %add3A_778, %convert_element_type3A_777 : vector<3584x56xi32>
    %lt3A_780 = arith.constant 10 : i32
    %lt3A_781 = vector.broadcast %lt3A_780 : i32 to vector<3584x56xi32>
    %lt3A_782 = arith.cmpi slt, %add3A_779, %lt3A_781 : vector<3584x56xi32>
    %lt3A_783 = arith.constant 20 : i32
    %lt3A_784 = vector.broadcast %lt3A_783 : i32 to vector<3584x56xi32>
    %lt3A_785 = arith.cmpi slt, %add3A_779, %lt3A_784 : vector<3584x56xi32>
    %jit3A = arith.constant 1.000000e+00 : f32
    %jit3A_786 = arith.constant 0.000000e+00 : f32
    %broadcast_in_dim3A_787 = vector.broadcast %jit3A : f32 to vector<3584x56xf32>
    %broadcast_in_dim3A_788 = vector.broadcast %jit3A_786 : f32 to vector<3584x56xf32>
    %select_n3A = arith.select %lt3A_785, %broadcast_in_dim3A_787, %broadcast_in_dim3A_788 : vector<3584x56xi1>, vector<3584x56xf32>
    %jit3A_789 = arith.constant -1.000000e+00 : f32
    %broadcast_in_dim3A_790 = vector.broadcast %jit3A_789 : f32 to vector<3584x56xf32>
    %select_n3A_791 = arith.select %lt3A_782, %broadcast_in_dim3A_790, %select_n3A : vector<3584x56xi1>, vector<3584x56xf32>
    %reshape3A_792 = vector.shape_cast %select_n3A_791 : vector<3584x56xf32> to vector<64x56x56xf32>
    %iota3A_793 = tpu.iota {dimensions = array<i32: 2>} : vector<1x1x128xi32>
    %broadcast_in_dim3A_794 = arith.constant 0.000000e+00 : f32
    %broadcast_in_dim3A_795 = vector.broadcast %broadcast_in_dim3A_794 : f32 to vector<1x1x128xf32>
    %slice3A_796 = vector.extract_strided_slice %get3A_2 {offsets = [0, 0, 0], sizes = [64, 56, 1], strides = [1, 1, 1]} : vector<64x56x7xf32> to vector<64x56x1xf32>
    %slice3A_797 = vector.extract_strided_slice %get3A_6 {offsets = [0, 0, 0], sizes = [64, 1, 56], strides = [1, 1, 1]} : vector<64x7x56xf32> to vector<64x1x56xf32>
    %sub3A_798 = vector.broadcast %slice3A_796 : vector<64x56x1xf32> to vector<64x56x56xf32>
    %sub3A_799 = vector.broadcast %slice3A_797 : vector<64x1x56xf32> to vector<64x56x56xf32>
    %sub3A_800 = arith.subf %sub3A_798, %sub3A_799 : vector<64x56x56xf32>
    %abs3A = math.absf %sub3A_800 : vector<64x56x56xf32>
    %mul3A_801 = arith.mulf %reshape3A_792, %abs3A : vector<64x56x56xf32>
    %reduce_sum3A = vector.shape_cast %mul3A_801 : vector<64x56x56xf32> to vector<1x64x56x56xf32>
    %reduce_sum3A_802 = arith.constant dense<0.000000e+00> : vector<1xf32>
    %reduce_sum3A_803 = vector.multi_reduction <add>, %reduce_sum3A, %reduce_sum3A_802 [1, 2, 3] : vector<1x64x56x56xf32> to vector<1xf32>
    %reduce_sum3A_804 = vector.shape_cast %reduce_sum3A_803 : vector<1xf32> to vector<1x1x1x1xf32>
    %reduce_sum3A_805 = vector.extract %reduce_sum3A_804[0, 0, 0, 0] : f32 from vector<1x1x1x1xf32>
    %eq3A_806 = arith.constant 0 : i32
    %eq3A_807 = vector.broadcast %eq3A_806 : i32 to vector<1x1x128xi32>
    %eq3A_808 = arith.cmpi eq, %iota3A_793, %eq3A_807 : vector<1x1x128xi32>
    %jit3A_809 = arith.constant 0.000000e+00 : f32
    %broadcast_in_dim3A_810 = vector.broadcast %reduce_sum3A_805 : f32 to vector<1x1x128xf32>
    %broadcast_in_dim3A_811 = vector.broadcast %jit3A_809 : f32 to vector<1x1x128xf32>
    %select_n3A_812 = arith.select %eq3A_808, %broadcast_in_dim3A_810, %broadcast_in_dim3A_811 : vector<1x1x128xi1>, vector<1x1x128xf32>
    %add3A_813 = arith.addf %broadcast_in_dim3A_795, %select_n3A_812 : vector<1x1x128xf32>
    %slice3A_814 = vector.extract_strided_slice %get3A_2 {offsets = [0, 0, 1], sizes = [64, 56, 1], strides = [1, 1, 1]} : vector<64x56x7xf32> to vector<64x56x1xf32>
    %slice3A_815 = vector.extract_strided_slice %get3A_6 {offsets = [0, 1, 0], sizes = [64, 1, 56], strides = [1, 1, 1]} : vector<64x7x56xf32> to vector<64x1x56xf32>
    %sub3A_816 = vector.broadcast %slice3A_814 : vector<64x56x1xf32> to vector<64x56x56xf32>
    %sub3A_817 = vector.broadcast %slice3A_815 : vector<64x1x56xf32> to vector<64x56x56xf32>
    %sub3A_818 = arith.subf %sub3A_816, %sub3A_817 : vector<64x56x56xf32>
    %abs3A_819 = math.absf %sub3A_818 : vector<64x56x56xf32>
    %mul3A_820 = arith.mulf %reshape3A_792, %abs3A_819 : vector<64x56x56xf32>
    %reduce_sum3A_821 = vector.shape_cast %mul3A_820 : vector<64x56x56xf32> to vector<1x64x56x56xf32>
    %reduce_sum3A_822 = arith.constant dense<0.000000e+00> : vector<1xf32>
    %reduce_sum3A_823 = vector.multi_reduction <add>, %reduce_sum3A_821, %reduce_sum3A_822 [1, 2, 3] : vector<1x64x56x56xf32> to vector<1xf32>
    %reduce_sum3A_824 = vector.shape_cast %reduce_sum3A_823 : vector<1xf32> to vector<1x1x1x1xf32>
    %reduce_sum3A_825 = vector.extract %reduce_sum3A_824[0, 0, 0, 0] : f32 from vector<1x1x1x1xf32>
    %eq3A_826 = arith.constant 1 : i32
    %eq3A_827 = vector.broadcast %eq3A_826 : i32 to vector<1x1x128xi32>
    %eq3A_828 = arith.cmpi eq, %iota3A_793, %eq3A_827 : vector<1x1x128xi32>
    %jit3A_829 = arith.constant 0.000000e+00 : f32
    %broadcast_in_dim3A_830 = vector.broadcast %reduce_sum3A_825 : f32 to vector<1x1x128xf32>
    %broadcast_in_dim3A_831 = vector.broadcast %jit3A_829 : f32 to vector<1x1x128xf32>
    %select_n3A_832 = arith.select %eq3A_828, %broadcast_in_dim3A_830, %broadcast_in_dim3A_831 : vector<1x1x128xi1>, vector<1x1x128xf32>
    %add3A_833 = arith.addf %add3A_813, %select_n3A_832 : vector<1x1x128xf32>
    %slice3A_834 = vector.extract_strided_slice %get3A_2 {offsets = [0, 0, 2], sizes = [64, 56, 1], strides = [1, 1, 1]} : vector<64x56x7xf32> to vector<64x56x1xf32>
    %slice3A_835 = vector.extract_strided_slice %get3A_6 {offsets = [0, 2, 0], sizes = [64, 1, 56], strides = [1, 1, 1]} : vector<64x7x56xf32> to vector<64x1x56xf32>
    %sub3A_836 = vector.broadcast %slice3A_834 : vector<64x56x1xf32> to vector<64x56x56xf32>
    %sub3A_837 = vector.broadcast %slice3A_835 : vector<64x1x56xf32> to vector<64x56x56xf32>
    %sub3A_838 = arith.subf %sub3A_836, %sub3A_837 : vector<64x56x56xf32>
    %abs3A_839 = math.absf %sub3A_838 : vector<64x56x56xf32>
    %mul3A_840 = arith.mulf %reshape3A_792, %abs3A_839 : vector<64x56x56xf32>
    %reduce_sum3A_841 = vector.shape_cast %mul3A_840 : vector<64x56x56xf32> to vector<1x64x56x56xf32>
    %reduce_sum3A_842 = arith.constant dense<0.000000e+00> : vector<1xf32>
    %reduce_sum3A_843 = vector.multi_reduction <add>, %reduce_sum3A_841, %reduce_sum3A_842 [1, 2, 3] : vector<1x64x56x56xf32> to vector<1xf32>
    %reduce_sum3A_844 = vector.shape_cast %reduce_sum3A_843 : vector<1xf32> to vector<1x1x1x1xf32>
    %reduce_sum3A_845 = vector.extract %reduce_sum3A_844[0, 0, 0, 0] : f32 from vector<1x1x1x1xf32>
    %eq3A_846 = arith.constant 2 : i32
    %eq3A_847 = vector.broadcast %eq3A_846 : i32 to vector<1x1x128xi32>
    %eq3A_848 = arith.cmpi eq, %iota3A_793, %eq3A_847 : vector<1x1x128xi32>
    %jit3A_849 = arith.constant 0.000000e+00 : f32
    %broadcast_in_dim3A_850 = vector.broadcast %reduce_sum3A_845 : f32 to vector<1x1x128xf32>
    %broadcast_in_dim3A_851 = vector.broadcast %jit3A_849 : f32 to vector<1x1x128xf32>
    %select_n3A_852 = arith.select %eq3A_848, %broadcast_in_dim3A_850, %broadcast_in_dim3A_851 : vector<1x1x128xi1>, vector<1x1x128xf32>
    %add3A_853 = arith.addf %add3A_833, %select_n3A_852 : vector<1x1x128xf32>
    %slice3A_854 = vector.extract_strided_slice %get3A_2 {offsets = [0, 0, 3], sizes = [64, 56, 1], strides = [1, 1, 1]} : vector<64x56x7xf32> to vector<64x56x1xf32>
    %slice3A_855 = vector.extract_strided_slice %get3A_6 {offsets = [0, 3, 0], sizes = [64, 1, 56], strides = [1, 1, 1]} : vector<64x7x56xf32> to vector<64x1x56xf32>
    %sub3A_856 = vector.broadcast %slice3A_854 : vector<64x56x1xf32> to vector<64x56x56xf32>
    %sub3A_857 = vector.broadcast %slice3A_855 : vector<64x1x56xf32> to vector<64x56x56xf32>
    %sub3A_858 = arith.subf %sub3A_856, %sub3A_857 : vector<64x56x56xf32>
    %abs3A_859 = math.absf %sub3A_858 : vector<64x56x56xf32>
    %mul3A_860 = arith.mulf %reshape3A_792, %abs3A_859 : vector<64x56x56xf32>
    %reduce_sum3A_861 = vector.shape_cast %mul3A_860 : vector<64x56x56xf32> to vector<1x64x56x56xf32>
    %reduce_sum3A_862 = arith.constant dense<0.000000e+00> : vector<1xf32>
    %reduce_sum3A_863 = vector.multi_reduction <add>, %reduce_sum3A_861, %reduce_sum3A_862 [1, 2, 3] : vector<1x64x56x56xf32> to vector<1xf32>
    %reduce_sum3A_864 = vector.shape_cast %reduce_sum3A_863 : vector<1xf32> to vector<1x1x1x1xf32>
    %reduce_sum3A_865 = vector.extract %reduce_sum3A_864[0, 0, 0, 0] : f32 from vector<1x1x1x1xf32>
    %eq3A_866 = arith.constant 3 : i32
    %eq3A_867 = vector.broadcast %eq3A_866 : i32 to vector<1x1x128xi32>
    %eq3A_868 = arith.cmpi eq, %iota3A_793, %eq3A_867 : vector<1x1x128xi32>
    %jit3A_869 = arith.constant 0.000000e+00 : f32
    %broadcast_in_dim3A_870 = vector.broadcast %reduce_sum3A_865 : f32 to vector<1x1x128xf32>
    %broadcast_in_dim3A_871 = vector.broadcast %jit3A_869 : f32 to vector<1x1x128xf32>
    %select_n3A_872 = arith.select %eq3A_868, %broadcast_in_dim3A_870, %broadcast_in_dim3A_871 : vector<1x1x128xi1>, vector<1x1x128xf32>
    %add3A_873 = arith.addf %add3A_853, %select_n3A_872 : vector<1x1x128xf32>
    %slice3A_874 = vector.extract_strided_slice %get3A_2 {offsets = [0, 0, 4], sizes = [64, 56, 1], strides = [1, 1, 1]} : vector<64x56x7xf32> to vector<64x56x1xf32>
    %slice3A_875 = vector.extract_strided_slice %get3A_6 {offsets = [0, 4, 0], sizes = [64, 1, 56], strides = [1, 1, 1]} : vector<64x7x56xf32> to vector<64x1x56xf32>
    %sub3A_876 = vector.broadcast %slice3A_874 : vector<64x56x1xf32> to vector<64x56x56xf32>
    %sub3A_877 = vector.broadcast %slice3A_875 : vector<64x1x56xf32> to vector<64x56x56xf32>
    %sub3A_878 = arith.subf %sub3A_876, %sub3A_877 : vector<64x56x56xf32>
    %abs3A_879 = math.absf %sub3A_878 : vector<64x56x56xf32>
    %mul3A_880 = arith.mulf %reshape3A_792, %abs3A_879 : vector<64x56x56xf32>
    %reduce_sum3A_881 = vector.shape_cast %mul3A_880 : vector<64x56x56xf32> to vector<1x64x56x56xf32>
    %reduce_sum3A_882 = arith.constant dense<0.000000e+00> : vector<1xf32>
    %reduce_sum3A_883 = vector.multi_reduction <add>, %reduce_sum3A_881, %reduce_sum3A_882 [1, 2, 3] : vector<1x64x56x56xf32> to vector<1xf32>
    %reduce_sum3A_884 = vector.shape_cast %reduce_sum3A_883 : vector<1xf32> to vector<1x1x1x1xf32>
    %reduce_sum3A_885 = vector.extract %reduce_sum3A_884[0, 0, 0, 0] : f32 from vector<1x1x1x1xf32>
    %eq3A_886 = arith.constant 4 : i32
    %eq3A_887 = vector.broadcast %eq3A_886 : i32 to vector<1x1x128xi32>
    %eq3A_888 = arith.cmpi eq, %iota3A_793, %eq3A_887 : vector<1x1x128xi32>
    %jit3A_889 = arith.constant 0.000000e+00 : f32
    %broadcast_in_dim3A_890 = vector.broadcast %reduce_sum3A_885 : f32 to vector<1x1x128xf32>
    %broadcast_in_dim3A_891 = vector.broadcast %jit3A_889 : f32 to vector<1x1x128xf32>
    %select_n3A_892 = arith.select %eq3A_888, %broadcast_in_dim3A_890, %broadcast_in_dim3A_891 : vector<1x1x128xi1>, vector<1x1x128xf32>
    %add3A_893 = arith.addf %add3A_873, %select_n3A_892 : vector<1x1x128xf32>
    %slice3A_894 = vector.extract_strided_slice %get3A_2 {offsets = [0, 0, 5], sizes = [64, 56, 1], strides = [1, 1, 1]} : vector<64x56x7xf32> to vector<64x56x1xf32>
    %slice3A_895 = vector.extract_strided_slice %get3A_6 {offsets = [0, 5, 0], sizes = [64, 1, 56], strides = [1, 1, 1]} : vector<64x7x56xf32> to vector<64x1x56xf32>
    %sub3A_896 = vector.broadcast %slice3A_894 : vector<64x56x1xf32> to vector<64x56x56xf32>
    %sub3A_897 = vector.broadcast %slice3A_895 : vector<64x1x56xf32> to vector<64x56x56xf32>
    %sub3A_898 = arith.subf %sub3A_896, %sub3A_897 : vector<64x56x56xf32>
    %abs3A_899 = math.absf %sub3A_898 : vector<64x56x56xf32>
    %mul3A_900 = arith.mulf %reshape3A_792, %abs3A_899 : vector<64x56x56xf32>
    %reduce_sum3A_901 = vector.shape_cast %mul3A_900 : vector<64x56x56xf32> to vector<1x64x56x56xf32>
    %reduce_sum3A_902 = arith.constant dense<0.000000e+00> : vector<1xf32>
    %reduce_sum3A_903 = vector.multi_reduction <add>, %reduce_sum3A_901, %reduce_sum3A_902 [1, 2, 3] : vector<1x64x56x56xf32> to vector<1xf32>
    %reduce_sum3A_904 = vector.shape_cast %reduce_sum3A_903 : vector<1xf32> to vector<1x1x1x1xf32>
    %reduce_sum3A_905 = vector.extract %reduce_sum3A_904[0, 0, 0, 0] : f32 from vector<1x1x1x1xf32>
    %eq3A_906 = arith.constant 5 : i32
    %eq3A_907 = vector.broadcast %eq3A_906 : i32 to vector<1x1x128xi32>
    %eq3A_908 = arith.cmpi eq, %iota3A_793, %eq3A_907 : vector<1x1x128xi32>
    %jit3A_909 = arith.constant 0.000000e+00 : f32
    %broadcast_in_dim3A_910 = vector.broadcast %reduce_sum3A_905 : f32 to vector<1x1x128xf32>
    %broadcast_in_dim3A_911 = vector.broadcast %jit3A_909 : f32 to vector<1x1x128xf32>
    %select_n3A_912 = arith.select %eq3A_908, %broadcast_in_dim3A_910, %broadcast_in_dim3A_911 : vector<1x1x128xi1>, vector<1x1x128xf32>
    %add3A_913 = arith.addf %add3A_893, %select_n3A_912 : vector<1x1x128xf32>
    %slice3A_914 = vector.extract_strided_slice %get3A_2 {offsets = [0, 0, 6], sizes = [64, 56, 1], strides = [1, 1, 1]} : vector<64x56x7xf32> to vector<64x56x1xf32>
    %slice3A_915 = vector.extract_strided_slice %get3A_6 {offsets = [0, 6, 0], sizes = [64, 1, 56], strides = [1, 1, 1]} : vector<64x7x56xf32> to vector<64x1x56xf32>
    %sub3A_916 = vector.broadcast %slice3A_914 : vector<64x56x1xf32> to vector<64x56x56xf32>
    %sub3A_917 = vector.broadcast %slice3A_915 : vector<64x1x56xf32> to vector<64x56x56xf32>
    %sub3A_918 = arith.subf %sub3A_916, %sub3A_917 : vector<64x56x56xf32>
    %abs3A_919 = math.absf %sub3A_918 : vector<64x56x56xf32>
    %mul3A_920 = arith.mulf %reshape3A_792, %abs3A_919 : vector<64x56x56xf32>
    %reduce_sum3A_921 = vector.shape_cast %mul3A_920 : vector<64x56x56xf32> to vector<1x64x56x56xf32>
    %reduce_sum3A_922 = arith.constant dense<0.000000e+00> : vector<1xf32>
    %reduce_sum3A_923 = vector.multi_reduction <add>, %reduce_sum3A_921, %reduce_sum3A_922 [1, 2, 3] : vector<1x64x56x56xf32> to vector<1xf32>
    %reduce_sum3A_924 = vector.shape_cast %reduce_sum3A_923 : vector<1xf32> to vector<1x1x1x1xf32>
    %reduce_sum3A_925 = vector.extract %reduce_sum3A_924[0, 0, 0, 0] : f32 from vector<1x1x1x1xf32>
    %eq3A_926 = arith.constant 6 : i32
    %eq3A_927 = vector.broadcast %eq3A_926 : i32 to vector<1x1x128xi32>
    %eq3A_928 = arith.cmpi eq, %iota3A_793, %eq3A_927 : vector<1x1x128xi32>
    %jit3A_929 = arith.constant 0.000000e+00 : f32
    %broadcast_in_dim3A_930 = vector.broadcast %reduce_sum3A_925 : f32 to vector<1x1x128xf32>
    %broadcast_in_dim3A_931 = vector.broadcast %jit3A_929 : f32 to vector<1x1x128xf32>
    %select_n3A_932 = arith.select %eq3A_928, %broadcast_in_dim3A_930, %broadcast_in_dim3A_931 : vector<1x1x128xi1>, vector<1x1x128xf32>
    %add3A_933 = arith.addf %add3A_913, %select_n3A_932 : vector<1x1x128xf32>
    %eq3A_934 = arith.constant 0 : i32
    %eq3A_935 = arith.cmpi eq, %arg0, %eq3A_934 : i32
    %convert_element_type3A_936 = arith.extui %eq3A_935 : i1 to i32
    %cond3A = arith.constant 0 : i32
    %cond3A_937 = arith.cmpi ne, %convert_element_type3A_936, %cond3A : i32
    scf.if %cond3A_937 {
      %broadcast_in_dim3A_951 = arith.constant 0.000000e+00 : f32
      %broadcast_in_dim3A_952 = vector.broadcast %broadcast_in_dim3A_951 : f32 to vector<1x1x128xf32>
      %swap3A_953 = arith.constant 0 : index
      %swap3A_954 = arith.constant 0 : index
      %swap3A_955 = arith.constant 0 : index
      %swap3A_956 = vector.load %arg3[%swap3A_953, %swap3A_954, %swap3A_955] : memref<1x1x128xf32, #tpu.memory_space<vmem>>, vector<1x1x128xf32>
      tpu.vector_store %arg3[%swap3A_953, %swap3A_954, %swap3A_955], %broadcast_in_dim3A_952 {strides = array<i32>} : memref<1x1x128xf32, #tpu.memory_space<vmem>>, vector<1x1x128xf32>,
    } else {
    }
    %get3A_938 = arith.constant 0 : index
    %get3A_939 = arith.constant 0 : index
    %get3A_940 = arith.constant 0 : index
    %get3A_941 = vector.load %arg3[%get3A_938, %get3A_939, %get3A_940] : memref<1x1x128xf32, #tpu.memory_space<vmem>>, vector<1x1x128xf32>
    %add3A_942 = arith.addf %get3A_941, %add3A_933 : vector<1x1x128xf32>
    %swap3A = arith.constant 0 : index
    %swap3A_943 = arith.constant 0 : index
    %swap3A_944 = arith.constant 0 : index
    %swap3A_945 = vector.load %arg3[%swap3A, %swap3A_943, %swap3A_944] : memref<1x1x128xf32, #tpu.memory_space<vmem>>, vector<1x1x128xf32>
    tpu.vector_store %arg3[%swap3A, %swap3A_943, %swap3A_944], %add3A_942 {strides = array<i32>} : memref<1x1x128xf32, #tpu.memory_space<vmem>>, vector<1x1x128xf32>,
    %eq3A_946 = arith.constant 95 : i32
    %eq3A_947 = arith.cmpi eq, %arg0, %eq3A_946 : i32
    %convert_element_type3A_948 = arith.extui %eq3A_947 : i1 to i32
    %cond3A_949 = arith.constant 0 : i32
    %cond3A_950 = arith.cmpi ne, %convert_element_type3A_948, %cond3A_949 : i32
    scf.if %cond3A_950 {
      %get3A_951 = arith.constant 0 : index
      %get3A_952 = arith.constant 0 : index
      %get3A_953 = arith.constant 0 : index
      %get3A_954 = vector.load %arg3[%get3A_951, %get3A_952, %get3A_953] : memref<1x1x128xf32, #tpu.memory_space<vmem>>, vector<1x1x128xf32>
      %mul3A_955 = arith.constant 4.6502978E-6 : f32
      %mul3A_956 = vector.broadcast %mul3A_955 : f32 to vector<1x1x128xf32>
      %mul3A_957 = arith.mulf %get3A_954, %mul3A_956 : vector<1x1x128xf32>
      %swap3A_958 = arith.constant 0 : index
      %swap3A_959 = arith.constant 0 : index
      %swap3A_960 = arith.constant 0 : index
      %swap3A_961 = vector.load %arg3[%swap3A_958, %swap3A_959, %swap3A_960] : memref<1x1x128xf32, #tpu.memory_space<vmem>>, vector<1x1x128xf32>
      tpu.vector_store %arg3[%swap3A_958, %swap3A_959, %swap3A_960], %mul3A_957 {strides = array<i32>} : memref<1x1x128xf32, #tpu.memory_space<vmem>>, vector<1x1x128xf32>,
    } else {
    }
    return
  }
  func.func @transform_0(%arg0: i32) -> (i32, i32, i32) {
    %c0_i32 = arith.constant 0 : i32
    %c0_i32_0 = arith.constant 0 : i32
    %c0_i32_1 = arith.constant 0 : i32
    return %arg0, %c0_i32, %c0_i32_0 : i32, i32, i32
  }
  func.func @transform_1(%arg0: i32) -> (i32, i32, i32) {
    %c0_i32 = arith.constant 0 : i32
    %c0_i32_0 = arith.constant 0 : i32
    %c0_i32_1 = arith.constant 0 : i32
    return %arg0, %c0_i32, %c0_i32_0 : i32, i32, i32
  }
  func.func @transform_2(%arg0: i32) -> (i32, i32, i32) {
    %c0_i32 = arith.constant 0 : i32
    %c0_i32_0 = arith.constant 0 : i32
    %c0_i32_1 = arith.constant 0 : i32
    %c0_i32_2 = arith.constant 0 : i32
    return %c0_i32, %c0_i32_0, %c0_i32_1 : i32, i32, i32
  }
}

module attributes {stable_mosaic.version = 14 : i64} {
  func.func @_proj_kernel(%arg0: memref<2048x1176xf32, #tpu.memory_space<vmem>>, %arg1: memref<168x1176xf32, #tpu.memory_space<vmem>>, %arg2: memref<168x56xf32, #tpu.memory_space<vmem>>, %arg3: memref<1x168xf32, #tpu.memory_space<vmem>>, %arg4: memref<1x168xf32, #tpu.memory_space<vmem>>, %arg5: memref<168x7x56xf32, #tpu.memory_space<vmem>>, %arg6: memref<7x168xf32, #tpu.memory_space<vmem>>, %arg7: memref<3x3xf32, #tpu.memory_space<smem>>, %arg8: memref<1x3xf32, #tpu.memory_space<smem>>, %arg9: memref<1x7xf32, #tpu.memory_space<smem>>, %arg10: memref<2048x168xf32, #tpu.memory_space<vmem>>, %arg11: memref<168x1176xf32, #tpu.memory_space<vmem>>, %arg12: memref<2048x168xf32, #tpu.memory_space<vmem>>, %arg13: memref<2048x56xf32, #tpu.memory_space<vmem>>) attributes {dimension_semantics = [], scalar_prefetch = 0 : i64, scratch_operands = 3 : i64, tpu.core_type = #tpu.core_type<tc>} {
    %get3A = arith.constant 0 : index
    %get3A_0 = arith.constant 0 : index
    %get3A_1 = memref.load %arg7[%get3A, %get3A_0] : memref<3x3xf32, #tpu.memory_space<smem>>
    %get3A_2 = arith.constant 0 : index
    %get3A_3 = arith.constant 0 : index
    %get3A_4 = vector.load %arg1[%get3A_2, %get3A_3] : memref<168x1176xf32, #tpu.memory_space<vmem>>, vector<168x392xf32>
    %mul3A = vector.broadcast %get3A_1 : f32 to vector<168x392xf32>
    %mul3A_5 = arith.mulf %mul3A, %get3A_4 : vector<168x392xf32>
    %get3A_6 = arith.constant 1 : index
    %get3A_7 = arith.constant 0 : index
    %get3A_8 = memref.load %arg7[%get3A_6, %get3A_7] : memref<3x3xf32, #tpu.memory_space<smem>>
    %get3A_9 = arith.constant 0 : index
    %get3A_10 = arith.constant 392 : index
    %get3A_11 = vector.load %arg1[%get3A_9, %get3A_10] : memref<168x1176xf32, #tpu.memory_space<vmem>>, vector<168x392xf32>
    %mul3A_12 = vector.broadcast %get3A_8 : f32 to vector<168x392xf32>
    %mul3A_13 = arith.mulf %mul3A_12, %get3A_11 : vector<168x392xf32>
    %add3A = arith.addf %mul3A_5, %mul3A_13 : vector<168x392xf32>
    %get3A_14 = arith.constant 2 : index
    %get3A_15 = arith.constant 0 : index
    %get3A_16 = memref.load %arg7[%get3A_14, %get3A_15] : memref<3x3xf32, #tpu.memory_space<smem>>
    %get3A_17 = arith.constant 0 : index
    %get3A_18 = arith.constant 784 : index
    %get3A_19 = vector.load %arg1[%get3A_17, %get3A_18] : memref<168x1176xf32, #tpu.memory_space<vmem>>, vector<168x392xf32>
    %mul3A_20 = vector.broadcast %get3A_16 : f32 to vector<168x392xf32>
    %mul3A_21 = arith.mulf %mul3A_20, %get3A_19 : vector<168x392xf32>
    %add3A_22 = arith.addf %add3A, %mul3A_21 : vector<168x392xf32>
    %swap3A = arith.constant 0 : index
    %swap3A_23 = arith.constant 0 : index
    %swap3A_24 = vector.load %arg11[%swap3A, %swap3A_23] : memref<168x1176xf32, #tpu.memory_space<vmem>>, vector<168x392xf32>
    tpu.vector_store %arg11[%swap3A, %swap3A_23], %add3A_22 {strides = array<i32>} : memref<168x1176xf32, #tpu.memory_space<vmem>>, vector<168x392xf32>,
    %get3A_25 = arith.constant 0 : index
    %get3A_26 = arith.constant 1 : index
    %get3A_27 = memref.load %arg7[%get3A_25, %get3A_26] : memref<3x3xf32, #tpu.memory_space<smem>>
    %get3A_28 = arith.constant 0 : index
    %get3A_29 = arith.constant 0 : index
    %get3A_30 = vector.load %arg1[%get3A_28, %get3A_29] : memref<168x1176xf32, #tpu.memory_space<vmem>>, vector<168x392xf32>
    %mul3A_31 = vector.broadcast %get3A_27 : f32 to vector<168x392xf32>
    %mul3A_32 = arith.mulf %mul3A_31, %get3A_30 : vector<168x392xf32>
    %get3A_33 = arith.constant 1 : index
    %get3A_34 = arith.constant 1 : index
    %get3A_35 = memref.load %arg7[%get3A_33, %get3A_34] : memref<3x3xf32, #tpu.memory_space<smem>>
    %get3A_36 = arith.constant 0 : index
    %get3A_37 = arith.constant 392 : index
    %get3A_38 = vector.load %arg1[%get3A_36, %get3A_37] : memref<168x1176xf32, #tpu.memory_space<vmem>>, vector<168x392xf32>
    %mul3A_39 = vector.broadcast %get3A_35 : f32 to vector<168x392xf32>
    %mul3A_40 = arith.mulf %mul3A_39, %get3A_38 : vector<168x392xf32>
    %add3A_41 = arith.addf %mul3A_32, %mul3A_40 : vector<168x392xf32>
    %get3A_42 = arith.constant 2 : index
    %get3A_43 = arith.constant 1 : index
    %get3A_44 = memref.load %arg7[%get3A_42, %get3A_43] : memref<3x3xf32, #tpu.memory_space<smem>>
    %get3A_45 = arith.constant 0 : index
    %get3A_46 = arith.constant 784 : index
    %get3A_47 = vector.load %arg1[%get3A_45, %get3A_46] : memref<168x1176xf32, #tpu.memory_space<vmem>>, vector<168x392xf32>
    %mul3A_48 = vector.broadcast %get3A_44 : f32 to vector<168x392xf32>
    %mul3A_49 = arith.mulf %mul3A_48, %get3A_47 : vector<168x392xf32>
    %add3A_50 = arith.addf %add3A_41, %mul3A_49 : vector<168x392xf32>
    %swap3A_51 = arith.constant 0 : index
    %swap3A_52 = arith.constant 392 : index
    %swap3A_53 = vector.load %arg11[%swap3A_51, %swap3A_52] : memref<168x1176xf32, #tpu.memory_space<vmem>>, vector<168x392xf32>
    tpu.vector_store %arg11[%swap3A_51, %swap3A_52], %add3A_50 {strides = array<i32>} : memref<168x1176xf32, #tpu.memory_space<vmem>>, vector<168x392xf32>,
    %get3A_54 = arith.constant 0 : index
    %get3A_55 = arith.constant 2 : index
    %get3A_56 = memref.load %arg7[%get3A_54, %get3A_55] : memref<3x3xf32, #tpu.memory_space<smem>>
    %get3A_57 = arith.constant 0 : index
    %get3A_58 = arith.constant 0 : index
    %get3A_59 = vector.load %arg1[%get3A_57, %get3A_58] : memref<168x1176xf32, #tpu.memory_space<vmem>>, vector<168x392xf32>
    %mul3A_60 = vector.broadcast %get3A_56 : f32 to vector<168x392xf32>
    %mul3A_61 = arith.mulf %mul3A_60, %get3A_59 : vector<168x392xf32>
    %get3A_62 = arith.constant 1 : index
    %get3A_63 = arith.constant 2 : index
    %get3A_64 = memref.load %arg7[%get3A_62, %get3A_63] : memref<3x3xf32, #tpu.memory_space<smem>>
    %get3A_65 = arith.constant 0 : index
    %get3A_66 = arith.constant 392 : index
    %get3A_67 = vector.load %arg1[%get3A_65, %get3A_66] : memref<168x1176xf32, #tpu.memory_space<vmem>>, vector<168x392xf32>
    %mul3A_68 = vector.broadcast %get3A_64 : f32 to vector<168x392xf32>
    %mul3A_69 = arith.mulf %mul3A_68, %get3A_67 : vector<168x392xf32>
    %add3A_70 = arith.addf %mul3A_61, %mul3A_69 : vector<168x392xf32>
    %get3A_71 = arith.constant 2 : index
    %get3A_72 = arith.constant 2 : index
    %get3A_73 = memref.load %arg7[%get3A_71, %get3A_72] : memref<3x3xf32, #tpu.memory_space<smem>>
    %get3A_74 = arith.constant 0 : index
    %get3A_75 = arith.constant 784 : index
    %get3A_76 = vector.load %arg1[%get3A_74, %get3A_75] : memref<168x1176xf32, #tpu.memory_space<vmem>>, vector<168x392xf32>
    %mul3A_77 = vector.broadcast %get3A_73 : f32 to vector<168x392xf32>
    %mul3A_78 = arith.mulf %mul3A_77, %get3A_76 : vector<168x392xf32>
    %add3A_79 = arith.addf %add3A_70, %mul3A_78 : vector<168x392xf32>
    %swap3A_80 = arith.constant 0 : index
    %swap3A_81 = arith.constant 784 : index
    %swap3A_82 = vector.load %arg11[%swap3A_80, %swap3A_81] : memref<168x1176xf32, #tpu.memory_space<vmem>>, vector<168x392xf32>
    tpu.vector_store %arg11[%swap3A_80, %swap3A_81], %add3A_79 {strides = array<i32>} : memref<168x1176xf32, #tpu.memory_space<vmem>>, vector<168x392xf32>,
    %broadcast_in_dim3A = arith.constant 1.000000e+00 : f32
    %broadcast_in_dim3A_83 = vector.broadcast %broadcast_in_dim3A : f32 to vector<1x392xf32>
    %get3A_84 = arith.constant 0 : index
    %get3A_85 = arith.constant 0 : index
    %get3A_86 = vector.load %arg3[%get3A_84, %get3A_85] : memref<1x168xf32, #tpu.memory_space<vmem>>, vector<1x168xf32>
    %get3A_87 = arith.constant 0 : index
    %get3A_88 = arith.constant 0 : index
    %get3A_89 = vector.load %arg1[%get3A_87, %get3A_88] : memref<168x1176xf32, #tpu.memory_space<vmem>>, vector<168x392xf32>
    %dot_general3A = arith.constant dense<0.000000e+00> : vector<1x168xf32>
    %dot_general3A_90 = tpu.matmul %broadcast_in_dim3A_83, %get3A_89, %dot_general3A {dimension_numbers = #tpu.dot_dimension_numbers<[1], [1], [0], [0], [0, 0, 1, 0], [], []>, transpose_lhs_hint = false} : vector<1x392xf32>, vector<168x392xf32>, vector<1x168xf32> -> vector<1x168xf32>
    %get3A_91 = arith.constant 0 : index
    %get3A_92 = arith.constant 0 : index
    %get3A_93 = memref.load %arg8[%get3A_91, %get3A_92] : memref<1x3xf32, #tpu.memory_space<smem>>
    %mul3A_94 = vector.broadcast %get3A_93 : f32 to vector<1x168xf32>
    %mul3A_95 = arith.mulf %mul3A_94, %dot_general3A_90 : vector<1x168xf32>
    %add3A_96 = arith.addf %get3A_86, %mul3A_95 : vector<1x168xf32>
    %get3A_97 = arith.constant 0 : index
    %get3A_98 = arith.constant 392 : index
    %get3A_99 = vector.load %arg1[%get3A_97, %get3A_98] : memref<168x1176xf32, #tpu.memory_space<vmem>>, vector<168x392xf32>
    %dot_general3A_100 = arith.constant dense<0.000000e+00> : vector<1x168xf32>
    %dot_general3A_101 = tpu.matmul %broadcast_in_dim3A_83, %get3A_99, %dot_general3A_100 {dimension_numbers = #tpu.dot_dimension_numbers<[1], [1], [0], [0], [0, 0, 1, 0], [], []>, transpose_lhs_hint = false} : vector<1x392xf32>, vector<168x392xf32>, vector<1x168xf32> -> vector<1x168xf32>
    %get3A_102 = arith.constant 0 : index
    %get3A_103 = arith.constant 1 : index
    %get3A_104 = memref.load %arg8[%get3A_102, %get3A_103] : memref<1x3xf32, #tpu.memory_space<smem>>
    %mul3A_105 = vector.broadcast %get3A_104 : f32 to vector<1x168xf32>
    %mul3A_106 = arith.mulf %mul3A_105, %dot_general3A_101 : vector<1x168xf32>
    %add3A_107 = arith.addf %add3A_96, %mul3A_106 : vector<1x168xf32>
    %get3A_108 = arith.constant 0 : index
    %get3A_109 = arith.constant 784 : index
    %get3A_110 = vector.load %arg1[%get3A_108, %get3A_109] : memref<168x1176xf32, #tpu.memory_space<vmem>>, vector<168x392xf32>
    %dot_general3A_111 = arith.constant dense<0.000000e+00> : vector<1x168xf32>
    %dot_general3A_112 = tpu.matmul %broadcast_in_dim3A_83, %get3A_110, %dot_general3A_111 {dimension_numbers = #tpu.dot_dimension_numbers<[1], [1], [0], [0], [0, 0, 1, 0], [], []>, transpose_lhs_hint = false} : vector<1x392xf32>, vector<168x392xf32>, vector<1x168xf32> -> vector<1x168xf32>
    %get3A_113 = arith.constant 0 : index
    %get3A_114 = arith.constant 2 : index
    %get3A_115 = memref.load %arg8[%get3A_113, %get3A_114] : memref<1x3xf32, #tpu.memory_space<smem>>
    %mul3A_116 = vector.broadcast %get3A_115 : f32 to vector<1x168xf32>
    %mul3A_117 = arith.mulf %mul3A_116, %dot_general3A_112 : vector<1x168xf32>
    %add3A_118 = arith.addf %add3A_107, %mul3A_117 : vector<1x168xf32>
    %get3A_119 = arith.constant 0 : index
    %get3A_120 = arith.constant 0 : index
    %get3A_121 = vector.load %arg0[%get3A_119, %get3A_120] : memref<2048x1176xf32, #tpu.memory_space<vmem>>, vector<2048x1176xf32>
    %get3A_122 = arith.constant 0 : index
    %get3A_123 = arith.constant 0 : index
    %get3A_124 = vector.load %arg11[%get3A_122, %get3A_123] : memref<168x1176xf32, #tpu.memory_space<vmem>>, vector<168x1176xf32>
    %dot_general3A_125 = arith.constant dense<0.000000e+00> : vector<2048x168xf32>
    %dot_general3A_126 = tpu.matmul %get3A_121, %get3A_124, %dot_general3A_125 {dimension_numbers = #tpu.dot_dimension_numbers<[1], [1], [0], [0], [0, 0, 1, 0], [], []>, transpose_lhs_hint = false} : vector<2048x1176xf32>, vector<168x1176xf32>, vector<2048x168xf32> -> vector<2048x168xf32>
    %add3A_127 = vector.broadcast %add3A_118 : vector<1x168xf32> to vector<2048x168xf32>
    %add3A_128 = arith.addf %dot_general3A_126, %add3A_127 : vector<2048x168xf32>
    %swap3A_129 = arith.constant 0 : index
    %swap3A_130 = arith.constant 0 : index
    %swap3A_131 = vector.load %arg12[%swap3A_129, %swap3A_130] : memref<2048x168xf32, #tpu.memory_space<vmem>>, vector<2048x168xf32>
    tpu.vector_store %arg12[%swap3A_129, %swap3A_130], %add3A_128 {strides = array<i32>} : memref<2048x168xf32, #tpu.memory_space<vmem>>, vector<2048x168xf32>,
    %get3A_132 = arith.constant 0 : index
    %get3A_133 = arith.constant 0 : index
    %get3A_134 = vector.load %arg4[%get3A_132, %get3A_133] : memref<1x168xf32, #tpu.memory_space<vmem>>, vector<1x168xf32>
    %get3A_135 = arith.constant 0 : index
    %get3A_136 = arith.constant 0 : index
    %get3A_137 = vector.load %arg2[%get3A_135, %get3A_136] : memref<168x56xf32, #tpu.memory_space<vmem>>, vector<168x56xf32>
    %broadcast_in_dim3A_138 = arith.constant 0.000000e+00 : f32
    %broadcast_in_dim3A_139 = vector.broadcast %broadcast_in_dim3A_138 : f32 to vector<16x56xf32>
    %scan3A = arith.constant 0 : i32
    %scan3A_140 = arith.constant 128 : i32
    %scan3A_141 = arith.addi %scan3A, %scan3A_140 : i32
    %scan3A_142 = arith.constant 1 : i32
    %scan3A_143 = scf.for %scan3A_293 = %scan3A to %scan3A_141 step %scan3A_142 iter_args(%scan3A_294 = %broadcast_in_dim3A_139) -> (vector<16x56xf32>)  : i32 {
      %mul3A_295 = arith.constant 16 : i32
      %mul3A_296 = arith.muli %scan3A_293, %mul3A_295 : i32
      %get3A_297 = arith.index_cast %mul3A_296 : i32 to index
      %get3A_298 = arith.constant 0 : index
      %get3A_299 = vector.load %arg12[%get3A_297, %get3A_298] : memref<2048x168xf32, #tpu.memory_space<vmem>>, vector<16x168xf32>
      %dot_general3A_300 = arith.constant dense<0.000000e+00> : vector<16x168xf32>
      %dot_general3A_301 = tpu.matmul %scan3A_294, %get3A_137, %dot_general3A_300 {dimension_numbers = #tpu.dot_dimension_numbers<[1], [1], [0], [0], [0, 0, 1, 0], [], []>, transpose_lhs_hint = false} : vector<16x56xf32>, vector<168x56xf32>, vector<16x168xf32> -> vector<16x168xf32>
      %add3A_302 = vector.broadcast %get3A_134 : vector<1x168xf32> to vector<16x168xf32>
      %add3A_303 = arith.addf %dot_general3A_301, %add3A_302 : vector<16x168xf32>
      %slice3A = vector.extract_strided_slice %get3A_299 {offsets = [0, 0], sizes = [16, 56], strides = [1, 1]} : vector<16x168xf32> to vector<16x56xf32>
      %slice3A_304 = vector.extract_strided_slice %get3A_299 {offsets = [0, 56], sizes = [16, 56], strides = [1, 1]} : vector<16x168xf32> to vector<16x56xf32>
      %slice3A_305 = vector.extract_strided_slice %get3A_299 {offsets = [0, 112], sizes = [16, 56], strides = [1, 1]} : vector<16x168xf32> to vector<16x56xf32>
      %slice3A_306 = vector.extract_strided_slice %add3A_303 {offsets = [0, 0], sizes = [16, 56], strides = [1, 1]} : vector<16x168xf32> to vector<16x56xf32>
      %slice3A_307 = vector.extract_strided_slice %add3A_303 {offsets = [0, 56], sizes = [16, 56], strides = [1, 1]} : vector<16x168xf32> to vector<16x56xf32>
      %slice3A_308 = vector.extract_strided_slice %add3A_303 {offsets = [0, 112], sizes = [16, 56], strides = [1, 1]} : vector<16x168xf32> to vector<16x56xf32>
      %add3A_309 = arith.addf %slice3A, %slice3A_306 : vector<16x56xf32>
      %logistic3A = arith.negf %add3A_309 : vector<16x56xf32>
      %logistic3A_310 = math.exp %logistic3A : vector<16x56xf32>
      %logistic3A_311 = arith.constant 1.000000e+00 : f32
      %logistic3A_312 = vector.broadcast %logistic3A_311 : f32 to vector<16x56xf32>
      %logistic3A_313 = arith.addf %logistic3A_312, %logistic3A_310 : vector<16x56xf32>
      %logistic3A_314 = arith.divf %logistic3A_312, %logistic3A_313 : vector<16x56xf32>
      %add3A_315 = arith.addf %slice3A_304, %slice3A_307 : vector<16x56xf32>
      %logistic3A_316 = arith.negf %add3A_315 : vector<16x56xf32>
      %logistic3A_317 = math.exp %logistic3A_316 : vector<16x56xf32>
      %logistic3A_318 = arith.constant 1.000000e+00 : f32
      %logistic3A_319 = vector.broadcast %logistic3A_318 : f32 to vector<16x56xf32>
      %logistic3A_320 = arith.addf %logistic3A_319, %logistic3A_317 : vector<16x56xf32>
      %logistic3A_321 = arith.divf %logistic3A_319, %logistic3A_320 : vector<16x56xf32>
      %mul3A_322 = arith.mulf %logistic3A_314, %slice3A_308 : vector<16x56xf32>
      %add3A_323 = arith.addf %slice3A_305, %mul3A_322 : vector<16x56xf32>
      %tanh3A = math.tanh %add3A_323 : vector<16x56xf32>
      %sub3A = arith.constant 1.000000e+00 : f32
      %sub3A_324 = vector.broadcast %sub3A : f32 to vector<16x56xf32>
      %sub3A_325 = arith.subf %sub3A_324, %logistic3A_321 : vector<16x56xf32>
      %mul3A_326 = arith.mulf %sub3A_325, %tanh3A : vector<16x56xf32>
      %mul3A_327 = arith.mulf %logistic3A_321, %scan3A_294 : vector<16x56xf32>
      %add3A_328 = arith.addf %mul3A_326, %mul3A_327 : vector<16x56xf32>
      %mul3A_329 = arith.constant 16 : i32
      %mul3A_330 = arith.muli %scan3A_293, %mul3A_329 : i32
      %swap3A_331 = arith.index_cast %mul3A_330 : i32 to index
      %swap3A_332 = arith.constant 0 : index
      %swap3A_333 = vector.load %arg13[%swap3A_331, %swap3A_332] : memref<2048x56xf32, #tpu.memory_space<vmem>>, vector<16x56xf32>
      tpu.vector_store %arg13[%swap3A_331, %swap3A_332], %add3A_328 {strides = array<i32>} : memref<2048x56xf32, #tpu.memory_space<vmem>>, vector<16x56xf32>,
      scf.yield %add3A_328 : vector<16x56xf32>
    }
    %scan3A_144 = arith.constant 128 : i32
    %get3A_145 = arith.constant 0 : index
    %get3A_146 = arith.constant 0 : index
    %get3A_147 = memref.load %arg9[%get3A_145, %get3A_146] : memref<1x7xf32, #tpu.memory_space<smem>>
    %get3A_148 = arith.constant 0 : index
    %get3A_149 = arith.constant 0 : index
    %get3A_150 = arith.constant 0 : index
    %get3A_151 = vector.load %arg5[%get3A_148, %get3A_149, %get3A_150] : memref<168x7x56xf32, #tpu.memory_space<vmem>>, vector<168x1x56xf32>
    %get3A_152 = vector.shape_cast %get3A_151 : vector<168x1x56xf32> to vector<168x56xf32>
    %mul3A_153 = vector.broadcast %get3A_147 : f32 to vector<168x56xf32>
    %mul3A_154 = arith.mulf %mul3A_153, %get3A_152 : vector<168x56xf32>
    %get3A_155 = arith.constant 0 : index
    %get3A_156 = arith.constant 1 : index
    %get3A_157 = memref.load %arg9[%get3A_155, %get3A_156] : memref<1x7xf32, #tpu.memory_space<smem>>
    %get3A_158 = arith.constant 0 : index
    %get3A_159 = arith.constant 1 : index
    %get3A_160 = arith.constant 0 : index
    %get3A_161 = vector.load %arg5[%get3A_158, %get3A_159, %get3A_160] : memref<168x7x56xf32, #tpu.memory_space<vmem>>, vector<168x1x56xf32>
    %get3A_162 = vector.shape_cast %get3A_161 : vector<168x1x56xf32> to vector<168x56xf32>
    %mul3A_163 = vector.broadcast %get3A_157 : f32 to vector<168x56xf32>
    %mul3A_164 = arith.mulf %mul3A_163, %get3A_162 : vector<168x56xf32>
    %add3A_165 = arith.addf %mul3A_154, %mul3A_164 : vector<168x56xf32>
    %get3A_166 = arith.constant 0 : index
    %get3A_167 = arith.constant 2 : index
    %get3A_168 = memref.load %arg9[%get3A_166, %get3A_167] : memref<1x7xf32, #tpu.memory_space<smem>>
    %get3A_169 = arith.constant 0 : index
    %get3A_170 = arith.constant 2 : index
    %get3A_171 = arith.constant 0 : index
    %get3A_172 = vector.load %arg5[%get3A_169, %get3A_170, %get3A_171] : memref<168x7x56xf32, #tpu.memory_space<vmem>>, vector<168x1x56xf32>
    %get3A_173 = vector.shape_cast %get3A_172 : vector<168x1x56xf32> to vector<168x56xf32>
    %mul3A_174 = vector.broadcast %get3A_168 : f32 to vector<168x56xf32>
    %mul3A_175 = arith.mulf %mul3A_174, %get3A_173 : vector<168x56xf32>
    %add3A_176 = arith.addf %add3A_165, %mul3A_175 : vector<168x56xf32>
    %get3A_177 = arith.constant 0 : index
    %get3A_178 = arith.constant 3 : index
    %get3A_179 = memref.load %arg9[%get3A_177, %get3A_178] : memref<1x7xf32, #tpu.memory_space<smem>>
    %get3A_180 = arith.constant 0 : index
    %get3A_181 = arith.constant 3 : index
    %get3A_182 = arith.constant 0 : index
    %get3A_183 = vector.load %arg5[%get3A_180, %get3A_181, %get3A_182] : memref<168x7x56xf32, #tpu.memory_space<vmem>>, vector<168x1x56xf32>
    %get3A_184 = vector.shape_cast %get3A_183 : vector<168x1x56xf32> to vector<168x56xf32>
    %mul3A_185 = vector.broadcast %get3A_179 : f32 to vector<168x56xf32>
    %mul3A_186 = arith.mulf %mul3A_185, %get3A_184 : vector<168x56xf32>
    %add3A_187 = arith.addf %add3A_176, %mul3A_186 : vector<168x56xf32>
    %get3A_188 = arith.constant 0 : index
    %get3A_189 = arith.constant 4 : index
    %get3A_190 = memref.load %arg9[%get3A_188, %get3A_189] : memref<1x7xf32, #tpu.memory_space<smem>>
    %get3A_191 = arith.constant 0 : index
    %get3A_192 = arith.constant 4 : index
    %get3A_193 = arith.constant 0 : index
    %get3A_194 = vector.load %arg5[%get3A_191, %get3A_192, %get3A_193] : memref<168x7x56xf32, #tpu.memory_space<vmem>>, vector<168x1x56xf32>
    %get3A_195 = vector.shape_cast %get3A_194 : vector<168x1x56xf32> to vector<168x56xf32>
    %mul3A_196 = vector.broadcast %get3A_190 : f32 to vector<168x56xf32>
    %mul3A_197 = arith.mulf %mul3A_196, %get3A_195 : vector<168x56xf32>
    %add3A_198 = arith.addf %add3A_187, %mul3A_197 : vector<168x56xf32>
    %get3A_199 = arith.constant 0 : index
    %get3A_200 = arith.constant 5 : index
    %get3A_201 = memref.load %arg9[%get3A_199, %get3A_200] : memref<1x7xf32, #tpu.memory_space<smem>>
    %get3A_202 = arith.constant 0 : index
    %get3A_203 = arith.constant 5 : index
    %get3A_204 = arith.constant 0 : index
    %get3A_205 = vector.load %arg5[%get3A_202, %get3A_203, %get3A_204] : memref<168x7x56xf32, #tpu.memory_space<vmem>>, vector<168x1x56xf32>
    %get3A_206 = vector.shape_cast %get3A_205 : vector<168x1x56xf32> to vector<168x56xf32>
    %mul3A_207 = vector.broadcast %get3A_201 : f32 to vector<168x56xf32>
    %mul3A_208 = arith.mulf %mul3A_207, %get3A_206 : vector<168x56xf32>
    %add3A_209 = arith.addf %add3A_198, %mul3A_208 : vector<168x56xf32>
    %get3A_210 = arith.constant 0 : index
    %get3A_211 = arith.constant 6 : index
    %get3A_212 = memref.load %arg9[%get3A_210, %get3A_211] : memref<1x7xf32, #tpu.memory_space<smem>>
    %get3A_213 = arith.constant 0 : index
    %get3A_214 = arith.constant 6 : index
    %get3A_215 = arith.constant 0 : index
    %get3A_216 = vector.load %arg5[%get3A_213, %get3A_214, %get3A_215] : memref<168x7x56xf32, #tpu.memory_space<vmem>>, vector<168x1x56xf32>
    %get3A_217 = vector.shape_cast %get3A_216 : vector<168x1x56xf32> to vector<168x56xf32>
    %mul3A_218 = vector.broadcast %get3A_212 : f32 to vector<168x56xf32>
    %mul3A_219 = arith.mulf %mul3A_218, %get3A_217 : vector<168x56xf32>
    %add3A_220 = arith.addf %add3A_209, %mul3A_219 : vector<168x56xf32>
    %get3A_221 = arith.constant 0 : index
    %get3A_222 = arith.constant 0 : index
    %get3A_223 = memref.load %arg9[%get3A_221, %get3A_222] : memref<1x7xf32, #tpu.memory_space<smem>>
    %get3A_224 = arith.constant 0 : index
    %get3A_225 = arith.constant 0 : index
    %get3A_226 = vector.load %arg6[%get3A_224, %get3A_225] : memref<7x168xf32, #tpu.memory_space<vmem>>, vector<1x168xf32>
    %mul3A_227 = vector.broadcast %get3A_223 : f32 to vector<1x168xf32>
    %mul3A_228 = arith.mulf %mul3A_227, %get3A_226 : vector<1x168xf32>
    %get3A_229 = arith.constant 0 : index
    %get3A_230 = arith.constant 1 : index
    %get3A_231 = memref.load %arg9[%get3A_229, %get3A_230] : memref<1x7xf32, #tpu.memory_space<smem>>
    %get3A_232 = arith.constant 1 : index
    %get3A_233 = arith.constant 0 : index
    %get3A_234 = vector.load %arg6[%get3A_232, %get3A_233] : memref<7x168xf32, #tpu.memory_space<vmem>>, vector<1x168xf32>
    %mul3A_235 = vector.broadcast %get3A_231 : f32 to vector<1x168xf32>
    %mul3A_236 = arith.mulf %mul3A_235, %get3A_234 : vector<1x168xf32>
    %add3A_237 = arith.addf %mul3A_228, %mul3A_236 : vector<1x168xf32>
    %get3A_238 = arith.constant 0 : index
    %get3A_239 = arith.constant 2 : index
    %get3A_240 = memref.load %arg9[%get3A_238, %get3A_239] : memref<1x7xf32, #tpu.memory_space<smem>>
    %get3A_241 = arith.constant 2 : index
    %get3A_242 = arith.constant 0 : index
    %get3A_243 = vector.load %arg6[%get3A_241, %get3A_242] : memref<7x168xf32, #tpu.memory_space<vmem>>, vector<1x168xf32>
    %mul3A_244 = vector.broadcast %get3A_240 : f32 to vector<1x168xf32>
    %mul3A_245 = arith.mulf %mul3A_244, %get3A_243 : vector<1x168xf32>
    %add3A_246 = arith.addf %add3A_237, %mul3A_245 : vector<1x168xf32>
    %get3A_247 = arith.constant 0 : index
    %get3A_248 = arith.constant 3 : index
    %get3A_249 = memref.load %arg9[%get3A_247, %get3A_248] : memref<1x7xf32, #tpu.memory_space<smem>>
    %get3A_250 = arith.constant 3 : index
    %get3A_251 = arith.constant 0 : index
    %get3A_252 = vector.load %arg6[%get3A_250, %get3A_251] : memref<7x168xf32, #tpu.memory_space<vmem>>, vector<1x168xf32>
    %mul3A_253 = vector.broadcast %get3A_249 : f32 to vector<1x168xf32>
    %mul3A_254 = arith.mulf %mul3A_253, %get3A_252 : vector<1x168xf32>
    %add3A_255 = arith.addf %add3A_246, %mul3A_254 : vector<1x168xf32>
    %get3A_256 = arith.constant 0 : index
    %get3A_257 = arith.constant 4 : index
    %get3A_258 = memref.load %arg9[%get3A_256, %get3A_257] : memref<1x7xf32, #tpu.memory_space<smem>>
    %get3A_259 = arith.constant 4 : index
    %get3A_260 = arith.constant 0 : index
    %get3A_261 = vector.load %arg6[%get3A_259, %get3A_260] : memref<7x168xf32, #tpu.memory_space<vmem>>, vector<1x168xf32>
    %mul3A_262 = vector.broadcast %get3A_258 : f32 to vector<1x168xf32>
    %mul3A_263 = arith.mulf %mul3A_262, %get3A_261 : vector<1x168xf32>
    %add3A_264 = arith.addf %add3A_255, %mul3A_263 : vector<1x168xf32>
    %get3A_265 = arith.constant 0 : index
    %get3A_266 = arith.constant 5 : index
    %get3A_267 = memref.load %arg9[%get3A_265, %get3A_266] : memref<1x7xf32, #tpu.memory_space<smem>>
    %get3A_268 = arith.constant 5 : index
    %get3A_269 = arith.constant 0 : index
    %get3A_270 = vector.load %arg6[%get3A_268, %get3A_269] : memref<7x168xf32, #tpu.memory_space<vmem>>, vector<1x168xf32>
    %mul3A_271 = vector.broadcast %get3A_267 : f32 to vector<1x168xf32>
    %mul3A_272 = arith.mulf %mul3A_271, %get3A_270 : vector<1x168xf32>
    %add3A_273 = arith.addf %add3A_264, %mul3A_272 : vector<1x168xf32>
    %get3A_274 = arith.constant 0 : index
    %get3A_275 = arith.constant 6 : index
    %get3A_276 = memref.load %arg9[%get3A_274, %get3A_275] : memref<1x7xf32, #tpu.memory_space<smem>>
    %get3A_277 = arith.constant 6 : index
    %get3A_278 = arith.constant 0 : index
    %get3A_279 = vector.load %arg6[%get3A_277, %get3A_278] : memref<7x168xf32, #tpu.memory_space<vmem>>, vector<1x168xf32>
    %mul3A_280 = vector.broadcast %get3A_276 : f32 to vector<1x168xf32>
    %mul3A_281 = arith.mulf %mul3A_280, %get3A_279 : vector<1x168xf32>
    %add3A_282 = arith.addf %add3A_273, %mul3A_281 : vector<1x168xf32>
    %get3A_283 = arith.constant 0 : index
    %get3A_284 = arith.constant 0 : index
    %get3A_285 = vector.load %arg13[%get3A_283, %get3A_284] : memref<2048x56xf32, #tpu.memory_space<vmem>>, vector<2048x56xf32>
    %dot_general3A_286 = arith.constant dense<0.000000e+00> : vector<2048x168xf32>
    %dot_general3A_287 = tpu.matmul %get3A_285, %add3A_220, %dot_general3A_286 {dimension_numbers = #tpu.dot_dimension_numbers<[1], [1], [0], [0], [0, 0, 1, 0], [], []>, transpose_lhs_hint = false} : vector<2048x56xf32>, vector<168x56xf32>, vector<2048x168xf32> -> vector<2048x168xf32>
    %add3A_288 = vector.broadcast %add3A_282 : vector<1x168xf32> to vector<2048x168xf32>
    %add3A_289 = arith.addf %dot_general3A_287, %add3A_288 : vector<2048x168xf32>
    %swap3A_290 = arith.constant 0 : index
    %swap3A_291 = arith.constant 0 : index
    %swap3A_292 = vector.load %arg10[%swap3A_290, %swap3A_291] : memref<2048x168xf32, #tpu.memory_space<vmem>>, vector<2048x168xf32>
    tpu.vector_store %arg10[%swap3A_290, %swap3A_291], %add3A_289 {strides = array<i32>} : memref<2048x168xf32, #tpu.memory_space<vmem>>, vector<2048x168xf32>,
    return
  }
}

</mosaic_0001>

<sc_bundles>
// kernel: sparse-core-data-format-call.cloned.1.call-start
scs
called_computation_lowered:
.L_overlay_start_0:
0x0: {  	s1 =	sld [smem:$0x3FD9]  }
0x1: {  	s2 =	sld [smem:$0x3FFE];
	_ =	sdelay $0x1  }
0x2: {  	s3 =	srdreg.scid  }
0x3: {  	s0 =	sand.u32 $0x1, s3  }
0x4: {  	s17 =	sshll.u32 s0, $0xA;
	s1 =	sadd.s32 s2, s1  }
0x5: {  	s1 =	sadd.s32 s1, s17  }
0x6: {  	[smem:$0x3FBF] =	sst s1  }
0x7: {  	_ = 	snop  }
0x8: {  	(tm) =	ssettm $0x1  }
0x9: {  	s18 =	sld [smem:$0x3FFB];
	_ =	sdelay $0x3  }
0xa: {  	_ =	strace s18  }
0xb: {  	s1 =	sld [smem:$0x3FFC];
	_ =	sdelay $0x3  }
0xc: {  	_ =	strace s1  }
0xd: {  	s1 =	sld [smem:$0x3FFD];
	_ =	sdelay $0x3  }
0xe: {  	_ =	strace s1  }
0xf: {  	_ =	strace $0x8FFFFFFF  }
0x10: {  	s19 =	sld [smem:$0x3FDB];
	_ =	sdelay $0x1  }
0x11: {  	s20 =	simm.s32 $_scs_section_size  }
0x12: {  	s4 =	simm.s32 $_size__tile_overlayer_lowered;
	s5 =	simm.s32 $_tile_overlayer_lowered  }
0x13: {  	s23 =	simm.s32 $0x1BFF;
	s22 =	sshll.u32 s5, $0x1;
	s1 =	sadd.s32 s20, s19  }
0x14: {  	s6 =	simm.s32 $0x0;
	s21 =	sshll.u32 s4, $0x1;
	s4 =	sadd.s32 s22, s1  }
0x15: {  	[timem:s6], [sflag:s23] =	dma.local [hbm:s4], s21  }
0x16: {  	_ =	swait.ge [sflag:s23], s21  }
0x17: {  	s2 =	ssub.s32 $0x0, s21;
	[sflag:s23] =	ssyncset.done $0x0  }
0x18: {  	[sflag:s23] =	ssyncadd.s32 s2;
	_ =	sdelay $0x1  }
0x19: {  	s24 =	simm.s32 $0x1B8B  }
0x1a: {  	_ =	swait.ge [sflag:s24], $0x1  }
0x1b: {  	[sflag:s24] =	ssyncset.done $0x0  }
0x1c: {  	s26 =	simm.s32 $0x1B8E;
	s25 =	sld [smem:$0x3FFE];
	[sflag:s24] =	ssyncadd.s32 $0xFFFFFFFF  }
0x1d: {  	s27 =	simm.s32 $execute0_lowered;
	[smem:$0x3FD2] =	sst s26  }
0x1e: {  	s4 =	sshll.u32 s27, $0x1;
	_ =	strace $0x80000046;
	[dreg:$0x1] =	wrdreg $0xFFFFFFFF  }
0x1f: {  	s28 =	simm.s32 $_size_execute0_lowered;
	s1 =	sadd.s32 s1, s4;
	[dreg:$0x0] =	wrdreg $0x0  }
0x20: {  	s4 =	sshll.u32 s28, $0x1;
	[dreg:$0x2] =	wrdreg s1  }
0x21: {  	[dreg:$0x3] =	wrdreg s4  }
0x22: {  	[dreg:$0x4] =	wrdreg $0xC0  }
0x23: {  	_ =	task [dreg:s6], $0x5FFFF  }
0x24: {  	[dreg:$0x1] =	wrdreg $0xFFFFFFFF  }
0x25: {  	[dreg:$0x0] =	wrdreg $0x60  }
0x26: {  	[dreg:$0x2] =	wrdreg s25  }
0x27: {  	[dreg:$0x3] =	wrdreg $0x9  }
0x28: {  	_ =	task.clear_ibuf [dreg:s6], $0x4FFFF;
	_ =	strace $0x90000046  }
0x29: {  	s29 =	simm.s32 $0x9;
	_ =	strace $0x80000048  }
0x2a: {  	_ =	swait.ge [sflag:s29], $0x1  }
0x2b: {  	[sflag:s29] =	ssyncadd.s32 $0xFFFFFFFF  }
0x2c: {  	_ =	strace $0x90000048  }
0x2d: {  	_ =	sfence  }
0x2e: {  	s30 =	sld [smem:$0x0];
	_ =	sdelay $0x2  }
0x2f: {  	s31 =	sshll.u32 s3, $0xD;
	s3 =	sshrl.u32 s3, $0x2  }
0x30: {  	s2 =	sand.u32 $0x4000, s31;
	s1 =	sadd.s32 s3, s30  }
0x31: {  	s0 =	sor.u32 s2, s0;
	s1 =	sshll.u32 s1, $0x11  }
0x32: {  	s0 =	sor.u32 s1, s0  }
0x33: {  	s0 =	sadd.s32 $0x8F2B, s0  }
0x34: {  	[sflag:s0] =	ssyncadd.remote.s32 $0x1  }
0x35: {  	_ =	sfence.sel $0xFFFF  }
0x36: {  	[dreg:$0x0] =	wrdreg $0xFFFFFFFF;
	(pc) =	sbr.abs _section_cstart, $3  }
0x37: {  	[dreg:$0x1] =	wrdreg $0xFFFFFFFF  }
0x38: {  	_ =	task.clear_ibuf [dreg:s6], $0x2FFFF;
	_ =	strace $0x9FFFFFFF  }
0x39: {  	(tm) =	ssettm $0x7FFFFFFF  }
tec
execute0_lowered:
.L_overlay_start_1:
0x0: {  	(tag) =	ssettag $0x1  }
0x1: {  	s0 =	srdreg.scid;
	s2 =	rddreg [dreg:$0x0];
	s4 =	simm.s32 $0x1  }
0x2: {  	s7 =	simm.s32 $0x2;
	s15 =	simm.s32 $0x0;
	p0 =	por $0x0, $0x0  }
0x3: {  	s8 =	simm.s32 $0x40;
	s9 =	simm.s32 $0x80;
	s16 =	simm.s32 $0x0  }
0x4: {  	s17 =	simm.s32 $0x0;
	s18 =	simm.s32 $0x0;
	s1 =	sand.u32 $0x1, s0  }
0x5: {  	s10 =	simm.s32 $0x0;
	s12 =	simm.s32 $0x0;
	s5 =	ssub.s32 $0x20, s1  }
.Ltmp0:
0x6: {  	s13 =	stileid.u32;
	s6 =	sshrl.u32 s5, $0x1;
	(pc) =	sbr.rel .LBB1_1-.Ltmp0, $4  }
0x7: {  	s0 =	rddreg [dreg:$0x1];
	_ =	strace $0x80000047;
	s5 =	ssub.s32 s5, s6  }
0x8: {  	s14 =	simm.s32 $0x0;
	[sflag:s4] =	ssyncpa.u1 $0x0;
	s5 =	smul.u32 $0x3, s5  }
0x9: {  	s3 =	sadd.s32 $0x1A00, s2;
	s11 =	smov.u32 s1;
	[sflag:s7] =	ssyncpa.u1 $0x0  }
0xa: {  	s6 =	sadd.s32 $0x301A00, s2;
	s2 =	stileid.u32;
	s7 =	sadd.s32 $0x1, s5  }
.LBB1_4:
0xb: {  	_ =	sdelay $0x1  }
0xc: {  	s18 =	smul.u32 $0x30000, s18;
	_ =	sdelay $0x1  }
0xd: {  	[tilespmem:v0+s19+$0x10 ss:$0x1] =	vst.idx.msk $0xffff, v5;
	s17 =	sshll.u32 s17, $0x10;
	s18 =	sadd.s32 s6, s18  }
0xe: {  	[tilespmem:v0+s19+$0xFFFFFFE0 ss:$0x1] =	vst.idx.msk $0xffff, v3;
	s15 =	sshll.u32 s15, $0xB;
	s16 =	sshll.u32 s16, $0x4;
	s17 =	sadd.s32 s17, s18  }
0xf: {  	[tilespmem:v0+s19+$0xFFFFFFF0 ss:$0x1] =	vst.idx.msk $0xffff, v2;
	s16 =	sand.u32 $0x7F0, s16;
	s15 =	sadd.s32 s15, s17  }
0x10: {  	[tilespmem:v0+s19+$0x0 ss:$0x1] =	vst.idx.msk $0xffff, v4;
	s15 =	sadd.s32 s16, s15  }
0x11: {  	[hbm4b:s15+s8] =	stream.strided.scatter [tilespmem:s20], [sflag:$0x2], $0x2000, s9, s8, $0x38;
	[tilespmem:$0x8000] =	vst v63  }
.LBB1_5:
0x12: {  	s19 =	sadd.s32 $0x2, s11  }
0x13: {  	s15 =	sadd.s32 $0x80, s10;
	s20 =	smov.u32 s10;
	p2 =	sgt.s32 s19, $0x1F  }
0x14: {  	s20 =	smov.u32 @p2 s15  }
0x15: {  	s15 =	simm.s32 $0x1;
	p3 =	sgt.s32 s20, $0x7F  }
0x16: {  	s15 =	simm.s32 @!p3 $0x0  }
0x17: {  	s21 =	sadd.s32 s15, s12  }
0x18: {  	s22 =	smov.u32 s13;
	s15 =	sadd.s32 $0x10, s13;
	p4 =	sgt.s32 s21, $0x2  }
0x19: {  	p1 =	slt.u32 s14, $0x2;
	s22 =	smov.u32 @p4 s15  }
0x1a: {  	s16 =	smov.u32 s10;
	s19 =	smov.u32 @p2 s1;
	p2 =	sgt.s32 s22, $0xF  }
0x1b: {  	s23 =	simm.s32 @!p1 $0x2;
	s22 =	smov.u32 @p2 s2;
	p2 =	sne.s32 s14, s7  }
.Ltmp1:
0x1c: {  	s17 =	smov.u32 s12;
	_ =	swait.ge @!p1 [sflag:s23], $0x2000;
	(pc) =	sbr.rel @!p2 .LBB1_6-.Ltmp1, $4  }
0x1d: {  	s18 =	smov.u32 s13;
	[sflag:s23] =	ssyncset.done @!p1 $0x0;
	s20 =	simm.s32 @p3 $0x0  }
0x1e: {  	p0 =	por !p0, !p0;
	[sflag:s23] =	ssyncadd.s32 @!p1 $0xFFFFE000;
	s10 =	smov.u32 s20  }
0x1f: {  	s21 =	simm.s32 @p4 $0x0;
	s15 =	smov.u32 s11;
	s11 =	smov.u32 s19  }
0x20: {  	s12 =	smov.u32 s21;
	s14 =	sadd.s32 $0x1, s14;
	s13 =	smov.u32 s22  }
.LBB1_1:
0x21: {  	p1 =	sge.u32 s14, s5  }
0x22: {  	s19 =	smul.u32 @!p1 $0x30000, s13  }
0x23: {  	s31 =	sadd.s32 $0xFFFFFFFF, s14;
	s20 =	sxor.u32 @!p1 $0xFFFFFFFF, s14  }
0x24: {  	s21 =	sshll.u32 @!p1 s12, $0x10;
	s22 =	sshll.u32 @!p1 s10, $0x9;
	s19 =	sadd.s32 @!p1 s3, s19  }
0x25: {  	s23 =	sshll.u32 @!p1 s11, $0x4;
	s20 =	sshll.u32 @!p1 s20, $0xD;
	s19 =	sadd.s32 @!p1 s21, s19  }
0x26: {  	s20 =	sand.u32 @!p1 $0x2000, s20;
	s21 =	sand.u32 @!p1 $0x1F0, s23;
	s19 =	sadd.s32 @!p1 s22, s19  }
0x27: {  	s22 =	simm.s32 @!p1 $0x1000;
	s19 =	sadd.s32 @!p1 s21, s19;
	s21 =	simm.s32 @!p1 $0x40  }
0x28: {  	[tilespmem:s20], [sflag:$0x1] =	stream.strided.gather @!p1 [hbm4b:s19+s21], $0x2000, s22, s21, $0x38;
	[tilespmem:$0x8000] =	vst v63  }
0x29: {  	p1 =	sge.u32 s31, s5  }
.Ltmp2:
0x2a: {  	_ = 	snop;
	(pc) =	sbr.rel @p1 .LBB1_5-.Ltmp2, $1  }
0x2b: {  	_ =	sdelay $0x3  }
0x2c: {  	s19 =	simm.s32 $0x1  }
0x2d: {  	s19 =	simm.s32 @!p0 $0x0  }
0x2e: {  	s20 =	sshll.u32 s19, $0xD  }
0x2f: {  	v1 =	vmov s20;
	_ =	sdelay $0x1  }
0x30: {  	_ =	swait.ge [sflag:s4], $0x2000  }
0x31: {  	[sflag:s4] =	ssyncset.done $0x0  }
0x32: {  	[sflag:s4] =	ssyncadd.s32 $0xFFFFE000;
	s19 =	simm.s32 $0x0  }
0x33: {  	s22 =	sor.u32 $0x4020, s20;
	v5 =	vld.idx.msk [tilespmem:v1+s19+$0x30 ss:$0x1], $0xffff  }
0x34: {  	s21 =	sshll.u32 s14, $0xD;
	v0 =	vmov s22;
	v3 =	vld.idx.msk [tilespmem:v1+s19+$0x0 ss:$0x1], $0xffff  }
0x35: {  	s31 =	sand.u32 $0x2000, s21;
	v2 =	vld.idx.msk [tilespmem:v1+s19+$0x10 ss:$0x1], $0xffff  }
0x36: {  	s21 =	simm.s32 $0x100;
	s20 =	sor.u32 $0x4000, s31;
	v4 =	vld.idx.msk [tilespmem:v1+s19+$0x20 ss:$0x1], $0xffff  }
.LBB1_3:
0x37: {  	p1 =	sne.s32 s21, $0x7F00  }
.Ltmp3:
0x38: {  	s22 =	sshra.s32 s21, $0x2;
	s21 =	sadd.s32 $0x100, s21;
	(pc) =	sbr.rel @p1 .LBB1_3-.Ltmp3, $4  }
0x39: {  	[tilespmem:v0+s19+$0x10 ss:$0x1] =	vst.idx.msk $0xffff, v5;
	v5 =	vld.idx.msk [tilespmem:v1+s22+$0x30 ss:$0x1], $0xffff  }
0x3a: {  	[tilespmem:v0+s19+$0xFFFFFFE0 ss:$0x1] =	vst.idx.msk $0xffff, v3;
	v3 =	vld.idx.msk [tilespmem:v1+s22+$0x0 ss:$0x1], $0xffff  }
0x3b: {  	[tilespmem:v0+s19+$0xFFFFFFF0 ss:$0x1] =	vst.idx.msk $0xffff, v2;
	v2 =	vld.idx.msk [tilespmem:v1+s22+$0x10 ss:$0x1], $0xffff  }
0x3c: {  	[tilespmem:v0+s19+$0x0 ss:$0x1] =	vst.idx.msk $0xffff, v4;
	v4 =	vld.idx.msk [tilespmem:v1+s22+$0x20 ss:$0x1], $0xffff;
	s19 =	smov.u32 s22  }
.Ltmp4:
0x3d: {  	_ = 	snop;
	(pc) =	sbr.rel .LBB1_4-.Ltmp4, $1  }
0x3e: {  	_ =	sdelay $0x3  }
.LBB1_6:
0x3f: {  	_ =	sfence.sel $0x180000  }
0x40: {  	s1 =	simm.s32 $0x1;
	[bflag:$0x0] =	sbarrier.arrive $0xFFFF  }
0x41: {  	s31 =	simm.s32 $0x2;
	[sflag:s1] =	ssyncpa.u1 $0x1  }
0x42: {  	[sflag:s31] =	ssyncpa.u1 $0x1  }
0x43: {  	p0 =	sne.s32 s2, $0x0;
	_ =	strace $0x90000047  }
0x44: {  	s0 =	sadd.s32 @!p0 $0x100000, s0;
	[bflag:$0x2] =	sbarrier.arrive $0xFFFF  }
0x45: {  	[sflag:s0] =	ssyncadd.tile.s32 @!p0 $0x1;
	_ =	shalt  }
.Lfunc_end1:
_tile_overlayer_lowered:
.L_overlay_start_2:
0x46: {  	(tag) =	ssettag $0x2  }
0x47: {  	s0 =	rddreg [dreg:$0x0];
	s2 =	stileid.u32  }
0x48: {  	s1 =	rddreg [dreg:$0x1];
	p0 =	sne.s32 s2, $0x0  }
0x49: {  	s3 =	rddreg [dreg:$0x2];
	[bflag:$0x3] =	sbarrier.arrive $0xFFFF;
	s2 =	simm.s32 @!p0 $0x1C01  }
0x4a: {  	[timem:s3], [sflag:s2] =	dma.local @!p0 [hbm:s0], s1  }
0x4b: {  	s0 =	simm.s32 @!p0 $0x1  }
0x4c: {  	_ =	swait.ge @!p0 [sflag:s0], s1  }
0x4d: {  	s1 =	ssub.s32 @!p0 $0x0, s1;
	[sflag:s0] =	ssyncset.done @!p0 $0x0  }
0x4e: {  	[sflag:s0] =	ssyncadd.s32 @!p0 s1  }
0x4f: {  	[bflag:$0x3] =	sbarrier.arrive $0xFFFF  }
0x50: {  	_ =	shalt  }

</sc_bundles>
